<compile_context>
chip_gen: v7x
topology: tpu7x:2x2x1
jax: 0.10.2.dev20260603
libtpu: 0.0.44.dev20260713+nightly
codegen_flags: <defaults>
</compile_context>

<pallas_src>
import jax
import jax.numpy as jnp
from jax import lax
from jax.experimental import pallas as pl
from jax.experimental.pallas import tpu as pltpu
from jax.experimental.pallas import tpu_sc as plsc

_N = 4096
_NS = 16
_W = _N // _NS
_G = _W // 16

_INF = float("inf")


def _sc_body(dist_hbm, out_hbm, rowa, rowb, md_ref, par_ref, post_ref,
             edge_ref, postbuf, semb, semc, sh_post, sh_edges):
    cid = lax.axis_index("c")
    sid = lax.axis_index("s")
    base = sid * _W
    lane = lax.iota(jnp.int32, 16)
    zeros16 = jnp.zeros((16,), jnp.int32)
    ones16 = jnp.ones((16,), jnp.int32)

    for g in range(_G):
        md_ref[pl.ds(g * 16, 16)] = jnp.full((16,), _INF, jnp.float32)
        par_ref[pl.ds(g * 16, 16)] = zeros16

    @pl.when(sid == 0)
    def _():
        plsc.store_scatter(md_ref, [zeros16],
                           jnp.full((16,), -1.0, jnp.float32),
                           mask=lane == 0)

    pltpu.sync_copy(dist_hbm.at[0, pl.ds(base, _W)], rowa)
    pltpu.make_async_copy(dist_hbm.at[0, pl.ds(base, _W)], rowb, semc).start()

    def exchange(i, p, jprev, live):
        b1v = jnp.full((16,), _INF, jnp.float32)
        b1i = jnp.full((16,), _N, jnp.int32)
        for g in range(_G):
            sl = pl.ds(g * 16, 16)
            v = live[sl]
            m = md_ref[sl]
            pr = par_ref[sl]
            better = (v < m) & (m >= 0.0)
            nm = jnp.where(better, v, m)
            par_ref[sl] = jnp.where(better, jprev, pr)
            md_ref[sl] = nm
            mv = jnp.where(nm < 0.0, _INF, nm)
            take = mv < b1v
            b1v = jnp.where(take, mv, b1v)
            b1i = jnp.where(take, base + g * 16 + lane, b1i)

        lmv = jnp.min(b1v)
        lmi = jnp.min(jnp.where(b1v == lmv, b1i, _N))
        lmv_i = plsc.bitcast(jnp.full((16,), lmv, jnp.float32), jnp.int32)
        post_ref[...] = jnp.where(lane == 0, lmv_i, lmi)
        pltpu.sync_copy(post_ref.at[pl.ds(0, 8)],
                        sh_post.at[pl.ds(p * 128 + sid * 8, 8)])
        plsc.subcore_barrier()

        pltpu.sync_copy(sh_post.at[pl.ds(p * 128, 128)], postbuf)
        vals = plsc.load_gather(postbuf, [lane * 8])
        idxs = plsc.load_gather(postbuf, [lane * 8 + ones16])
        gm = jnp.min(vals)
        j = jnp.min(jnp.where(vals == gm, idxs, _N))
        rv = jnp.min(jnp.where(idxs == j, jnp.int32(0x7FFFFFFF), vals))
        r = jnp.min(jnp.where((vals == rv) & (idxs != j), idxs, _N))
        return j, jnp.minimum(r, _N - 1)

    def owner_edge(i, j):
        @pl.when((j >= base) & (j < base + _W))
        def _():
            jlv = jnp.full((16,), j - base, jnp.int32)
            pjv = plsc.load_gather(par_ref, [jlv])
            edge_ref[...] = jnp.where(lane == 0, pjv, j)
            pltpu.sync_copy(edge_ref, sh_edges.at[i])
            plsc.store_scatter(md_ref, [jlv],
                               jnp.full((16,), -1.0, jnp.float32),
                               mask=lane == 0)

    def substep(i, p, jprev, rspec, live, other, sem_self, sem_other):
        j, r = exchange(i, p, jprev, live)
        pltpu.make_async_copy(dist_hbm.at[r, pl.ds(base, _W)], live,
                              sem_self).start()
        owner_edge(i, j)
        pltpu.make_async_copy(dist_hbm.at[0, pl.ds(base, _W)], other,
                              sem_other).wait()

        @pl.when(j != rspec)
        def _():
            pltpu.sync_copy(dist_hbm.at[j, pl.ds(base, _W)], other)

        return j, r

    def body2(k, carry):
        jprev, rspec = carry
        j0, r0 = substep(2 * k, 0, jprev, rspec, rowa, rowb, semb, semc)
        j1, r1 = substep(2 * k + 1, 1, j0, r0, rowb, rowa, semc, semb)
        return j1, r1

    jprev, _ = lax.fori_loop(0, (_N - 2) // 2, body2,
                             (jnp.int32(0), jnp.int32(-1)))
    jlast, _ = exchange(_N - 2, 0, jprev, rowa)
    owner_edge(_N - 2, jlast)
    pltpu.make_async_copy(dist_hbm.at[0, pl.ds(base, _W)], rowb, semc).wait()

    plsc.subcore_barrier()

    @pl.when((cid == 0) & (sid == 0))
    def _():
        pltpu.sync_copy(sh_edges.at[pl.ds(0, _N)], out_hbm)


@jax.jit
def kernel(distances):
    mesh = plsc.VectorSubcoreMesh(core_axis_name="c", subcore_axis_name="s",
                                  num_cores=2, num_subcores=_NS)
    k = pl.kernel(
        _sc_body,
        out_type=jax.ShapeDtypeStruct((_N, 16), jnp.int32),
        mesh=mesh,
        compiler_params=pltpu.CompilerParams(needs_layout_passes=False),
        scratch_types=[
            pltpu.VMEM((_W,), jnp.float32),
            pltpu.VMEM((_W,), jnp.float32),
            pltpu.VMEM((_W,), jnp.float32),
            pltpu.VMEM((_W,), jnp.int32),
            pltpu.VMEM((16,), jnp.int32),
            pltpu.VMEM((16,), jnp.int32),
            pltpu.VMEM((128,), jnp.int32),
            pltpu.SemaphoreType.DMA,
            pltpu.SemaphoreType.DMA,
            pltpu.MemorySpace.VMEM_SHARED((2048,), jnp.int32),
            pltpu.MemorySpace.VMEM_SHARED((_N * 8, 16), jnp.int32),
        ],
    )
    out = k(distances)
    return out[: _N - 1, :2]

# --- scband reference (transcript-rebuilt; emitter-appended) ---
"""Pipeline reference for scband-base-topological-layer-44727789421014 (READ-ONLY COPY).

The authoritative reference and input builder live on the scoring server;
editing this copy changes nothing except your own understanding.
"""

import jax, jax.numpy as jnp
import numpy as np

N = 4096


def setup_inputs(seed: int = 0) -> dict:
    key = jax.random.key(seed)
    d = jax.random.uniform(key, (N, N), dtype=jnp.float32)
    # symmetrize and zero the diagonal so it behaves like a true distance matrix
    distances = (d + d.T) * 0.5
    distances = distances.at[jnp.arange(N), jnp.arange(N)].set(0.0)
    return {"distances": distances}


def _mst_edges(distances):
    """Prim's algorithm: returns the (n-1, 2) int32 edge indices of the minimum
    spanning tree of the dense distance matrix. These edges correspond to the
    death times of the 0d persistent homology features."""
    n = distances.shape[0]
    in_tree = jnp.zeros(n, dtype=bool).at[0].set(True)
    min_dist = distances[0]
    parent = jnp.zeros(n, dtype=jnp.int32)
    edges = jnp.zeros((n - 1, 2), dtype=jnp.int32)

    def body(i, state):
        in_tree, min_dist, parent, edges = state
        masked = jnp.where(in_tree, jnp.inf, min_dist)
        j = jnp.argmin(masked).astype(jnp.int32)
        edges = edges.at[i].set(jnp.stack([parent[j], j]))
        in_tree = in_tree.at[j].set(True)
        dj = distances[j]
        better = (dj < min_dist) & (~in_tree)
        parent = jnp.where(better, j, parent)
        min_dist = jnp.where(better, dj, min_dist)
        return (in_tree, min_dist, parent, edges)

    state = jax.lax.fori_loop(0, n - 1, body, (in_tree, min_dist, parent, edges))
    return state[3]


def reference(distances):
    # Faithful translation of get_edges(distances): returns int32 edge indices
    # of the 0d-homology (minimum spanning tree) edges.
    return _mst_edges(distances)

if __name__ == "__main__":
    import jax
    _d = setup_inputs()
    print(jax.jit(kernel)(*tuple(_d.values())))

</pallas_src>

<mosaic_0001>
#map = affine_map<(d0, d1) -> (0, 0)>
module attributes {stable_mosaic.version = 14 : i64} {
  func.func @_sc_body(%arg0: i32, %arg1: i32, %arg2: memref<4096x4096xf32, #tpu.memory_space<hbm>>, %arg3: memref<4096x16xi32, #tpu.memory_space<hbm>>, %arg4: memref<256xf32, #tpu.memory_space<vmem>>, %arg5: memref<256xf32, #tpu.memory_space<vmem>>, %arg6: memref<256xf32, #tpu.memory_space<vmem>>, %arg7: memref<256xi32, #tpu.memory_space<vmem>>, %arg8: memref<16xi32, #tpu.memory_space<vmem>>, %arg9: memref<16xi32, #tpu.memory_space<vmem>>, %arg10: memref<128xi32, #tpu.memory_space<vmem>>, %arg11: memref<!tpu.dma_semaphore, #tpu.memory_space<semaphore_mem>>, %arg12: memref<!tpu.dma_semaphore, #tpu.memory_space<semaphore_mem>>, %arg13: memref<2048xi32, #tpu.memory_space<vmem_shared>>, %arg14: memref<32768x16xi32, #tpu.memory_space<vmem_shared>>) attributes {dimension_semantics = [#tpu.dimension_semantics<core_parallel>, #tpu.dimension_semantics<subcore_parallel>], iteration_bounds = array<i64: 2, 16>, scalar_prefetch = 0 : i64, scratch_operands = 11 : i64, tpu.core_type = #tpu.core_type<sc_vector_subcore>, window_params = [{transform_indices = #map}, {transform_indices = #map}]} {
    %mul3A = arith.constant 256 : i32
    %mul3A_0 = arith.muli %arg1, %mul3A : i32
    %iota3A = tpu.iota {dimensions = array<i32: 0>} : vector<16xi32>
    %broadcast_in_dim3A = arith.constant 0 : i32
    %broadcast_in_dim3A_1 = vector.broadcast %broadcast_in_dim3A : i32 to vector<16xi32>
    %broadcast_in_dim3A_2 = arith.constant 1 : i32
    %broadcast_in_dim3A_3 = vector.broadcast %broadcast_in_dim3A_2 : i32 to vector<16xi32>
    %broadcast_in_dim3A_4 = arith.constant 0x7F800000 : f32
    %broadcast_in_dim3A_5 = vector.broadcast %broadcast_in_dim3A_4 : f32 to vector<16xf32>
    %swap3A = arith.constant 0 : index
    %swap3A_6 = tpu.vector_load %arg6[%swap3A] {strides = array<i32>} : memref<256xf32, #tpu.memory_space<vmem>>, vector<16xf32>,
    tpu.vector_store %arg6[%swap3A], %broadcast_in_dim3A_5 {strides = array<i32>} : memref<256xf32, #tpu.memory_space<vmem>>, vector<16xf32>,
    %swap3A_7 = arith.constant 0 : index
    %swap3A_8 = tpu.vector_load %arg7[%swap3A_7] {strides = array<i32>} : memref<256xi32, #tpu.memory_space<vmem>>, vector<16xi32>,
    tpu.vector_store %arg7[%swap3A_7], %broadcast_in_dim3A_1 {strides = array<i32>} : memref<256xi32, #tpu.memory_space<vmem>>, vector<16xi32>,
    %broadcast_in_dim3A_9 = arith.constant 0x7F800000 : f32
    %broadcast_in_dim3A_10 = vector.broadcast %broadcast_in_dim3A_9 : f32 to vector<16xf32>
    %swap3A_11 = arith.constant 16 : index
    %swap3A_12 = tpu.vector_load %arg6[%swap3A_11] {strides = array<i32>} : memref<256xf32, #tpu.memory_space<vmem>>, vector<16xf32>,
    tpu.vector_store %arg6[%swap3A_11], %broadcast_in_dim3A_10 {strides = array<i32>} : memref<256xf32, #tpu.memory_space<vmem>>, vector<16xf32>,
    %swap3A_13 = arith.constant 16 : index
    %swap3A_14 = tpu.vector_load %arg7[%swap3A_13] {strides = array<i32>} : memref<256xi32, #tpu.memory_space<vmem>>, vector<16xi32>,
    tpu.vector_store %arg7[%swap3A_13], %broadcast_in_dim3A_1 {strides = array<i32>} : memref<256xi32, #tpu.memory_space<vmem>>, vector<16xi32>,
    %broadcast_in_dim3A_15 = arith.constant 0x7F800000 : f32
    %broadcast_in_dim3A_16 = vector.broadcast %broadcast_in_dim3A_15 : f32 to vector<16xf32>
    %swap3A_17 = arith.constant 32 : index
    %swap3A_18 = tpu.vector_load %arg6[%swap3A_17] {strides = array<i32>} : memref<256xf32, #tpu.memory_space<vmem>>, vector<16xf32>,
    tpu.vector_store %arg6[%swap3A_17], %broadcast_in_dim3A_16 {strides = array<i32>} : memref<256xf32, #tpu.memory_space<vmem>>, vector<16xf32>,
    %swap3A_19 = arith.constant 32 : index
    %swap3A_20 = tpu.vector_load %arg7[%swap3A_19] {strides = array<i32>} : memref<256xi32, #tpu.memory_space<vmem>>, vector<16xi32>,
    tpu.vector_store %arg7[%swap3A_19], %broadcast_in_dim3A_1 {strides = array<i32>} : memref<256xi32, #tpu.memory_space<vmem>>, vector<16xi32>,
    %broadcast_in_dim3A_21 = arith.constant 0x7F800000 : f32
    %broadcast_in_dim3A_22 = vector.broadcast %broadcast_in_dim3A_21 : f32 to vector<16xf32>
    %swap3A_23 = arith.constant 48 : index
    %swap3A_24 = tpu.vector_load %arg6[%swap3A_23] {strides = array<i32>} : memref<256xf32, #tpu.memory_space<vmem>>, vector<16xf32>,
    tpu.vector_store %arg6[%swap3A_23], %broadcast_in_dim3A_22 {strides = array<i32>} : memref<256xf32, #tpu.memory_space<vmem>>, vector<16xf32>,
    %swap3A_25 = arith.constant 48 : index
    %swap3A_26 = tpu.vector_load %arg7[%swap3A_25] {strides = array<i32>} : memref<256xi32, #tpu.memory_space<vmem>>, vector<16xi32>,
    tpu.vector_store %arg7[%swap3A_25], %broadcast_in_dim3A_1 {strides = array<i32>} : memref<256xi32, #tpu.memory_space<vmem>>, vector<16xi32>,
    %broadcast_in_dim3A_27 = arith.constant 0x7F800000 : f32
    %broadcast_in_dim3A_28 = vector.broadcast %broadcast_in_dim3A_27 : f32 to vector<16xf32>
    %swap3A_29 = arith.constant 64 : index
    %swap3A_30 = tpu.vector_load %arg6[%swap3A_29] {strides = array<i32>} : memref<256xf32, #tpu.memory_space<vmem>>, vector<16xf32>,
    tpu.vector_store %arg6[%swap3A_29], %broadcast_in_dim3A_28 {strides = array<i32>} : memref<256xf32, #tpu.memory_space<vmem>>, vector<16xf32>,
    %swap3A_31 = arith.constant 64 : index
    %swap3A_32 = tpu.vector_load %arg7[%swap3A_31] {strides = array<i32>} : memref<256xi32, #tpu.memory_space<vmem>>, vector<16xi32>,
    tpu.vector_store %arg7[%swap3A_31], %broadcast_in_dim3A_1 {strides = array<i32>} : memref<256xi32, #tpu.memory_space<vmem>>, vector<16xi32>,
    %broadcast_in_dim3A_33 = arith.constant 0x7F800000 : f32
    %broadcast_in_dim3A_34 = vector.broadcast %broadcast_in_dim3A_33 : f32 to vector<16xf32>
    %swap3A_35 = arith.constant 80 : index
    %swap3A_36 = tpu.vector_load %arg6[%swap3A_35] {strides = array<i32>} : memref<256xf32, #tpu.memory_space<vmem>>, vector<16xf32>,
    tpu.vector_store %arg6[%swap3A_35], %broadcast_in_dim3A_34 {strides = array<i32>} : memref<256xf32, #tpu.memory_space<vmem>>, vector<16xf32>,
    %swap3A_37 = arith.constant 80 : index
    %swap3A_38 = tpu.vector_load %arg7[%swap3A_37] {strides = array<i32>} : memref<256xi32, #tpu.memory_space<vmem>>, vector<16xi32>,
    tpu.vector_store %arg7[%swap3A_37], %broadcast_in_dim3A_1 {strides = array<i32>} : memref<256xi32, #tpu.memory_space<vmem>>, vector<16xi32>,
    %broadcast_in_dim3A_39 = arith.constant 0x7F800000 : f32
    %broadcast_in_dim3A_40 = vector.broadcast %broadcast_in_dim3A_39 : f32 to vector<16xf32>
    %swap3A_41 = arith.constant 96 : index
    %swap3A_42 = tpu.vector_load %arg6[%swap3A_41] {strides = array<i32>} : memref<256xf32, #tpu.memory_space<vmem>>, vector<16xf32>,
    tpu.vector_store %arg6[%swap3A_41], %broadcast_in_dim3A_40 {strides = array<i32>} : memref<256xf32, #tpu.memory_space<vmem>>, vector<16xf32>,
    %swap3A_43 = arith.constant 96 : index
    %swap3A_44 = tpu.vector_load %arg7[%swap3A_43] {strides = array<i32>} : memref<256xi32, #tpu.memory_space<vmem>>, vector<16xi32>,
    tpu.vector_store %arg7[%swap3A_43], %broadcast_in_dim3A_1 {strides = array<i32>} : memref<256xi32, #tpu.memory_space<vmem>>, vector<16xi32>,
    %broadcast_in_dim3A_45 = arith.constant 0x7F800000 : f32
    %broadcast_in_dim3A_46 = vector.broadcast %broadcast_in_dim3A_45 : f32 to vector<16xf32>
    %swap3A_47 = arith.constant 112 : index
    %swap3A_48 = tpu.vector_load %arg6[%swap3A_47] {strides = array<i32>} : memref<256xf32, #tpu.memory_space<vmem>>, vector<16xf32>,
    tpu.vector_store %arg6[%swap3A_47], %broadcast_in_dim3A_46 {strides = array<i32>} : memref<256xf32, #tpu.memory_space<vmem>>, vector<16xf32>,
    %swap3A_49 = arith.constant 112 : index
    %swap3A_50 = tpu.vector_load %arg7[%swap3A_49] {strides = array<i32>} : memref<256xi32, #tpu.memory_space<vmem>>, vector<16xi32>,
    tpu.vector_store %arg7[%swap3A_49], %broadcast_in_dim3A_1 {strides = array<i32>} : memref<256xi32, #tpu.memory_space<vmem>>, vector<16xi32>,
    %broadcast_in_dim3A_51 = arith.constant 0x7F800000 : f32
    %broadcast_in_dim3A_52 = vector.broadcast %broadcast_in_dim3A_51 : f32 to vector<16xf32>
    %swap3A_53 = arith.constant 128 : index
    %swap3A_54 = tpu.vector_load %arg6[%swap3A_53] {strides = array<i32>} : memref<256xf32, #tpu.memory_space<vmem>>, vector<16xf32>,
    tpu.vector_store %arg6[%swap3A_53], %broadcast_in_dim3A_52 {strides = array<i32>} : memref<256xf32, #tpu.memory_space<vmem>>, vector<16xf32>,
    %swap3A_55 = arith.constant 128 : index
    %swap3A_56 = tpu.vector_load %arg7[%swap3A_55] {strides = array<i32>} : memref<256xi32, #tpu.memory_space<vmem>>, vector<16xi32>,
    tpu.vector_store %arg7[%swap3A_55], %broadcast_in_dim3A_1 {strides = array<i32>} : memref<256xi32, #tpu.memory_space<vmem>>, vector<16xi32>,
    %broadcast_in_dim3A_57 = arith.constant 0x7F800000 : f32
    %broadcast_in_dim3A_58 = vector.broadcast %broadcast_in_dim3A_57 : f32 to vector<16xf32>
    %swap3A_59 = arith.constant 144 : index
    %swap3A_60 = tpu.vector_load %arg6[%swap3A_59] {strides = array<i32>} : memref<256xf32, #tpu.memory_space<vmem>>, vector<16xf32>,
    tpu.vector_store %arg6[%swap3A_59], %broadcast_in_dim3A_58 {strides = array<i32>} : memref<256xf32, #tpu.memory_space<vmem>>, vector<16xf32>,
    %swap3A_61 = arith.constant 144 : index
    %swap3A_62 = tpu.vector_load %arg7[%swap3A_61] {strides = array<i32>} : memref<256xi32, #tpu.memory_space<vmem>>, vector<16xi32>,
    tpu.vector_store %arg7[%swap3A_61], %broadcast_in_dim3A_1 {strides = array<i32>} : memref<256xi32, #tpu.memory_space<vmem>>, vector<16xi32>,
    %broadcast_in_dim3A_63 = arith.constant 0x7F800000 : f32
    %broadcast_in_dim3A_64 = vector.broadcast %broadcast_in_dim3A_63 : f32 to vector<16xf32>
    %swap3A_65 = arith.constant 160 : index
    %swap3A_66 = tpu.vector_load %arg6[%swap3A_65] {strides = array<i32>} : memref<256xf32, #tpu.memory_space<vmem>>, vector<16xf32>,
    tpu.vector_store %arg6[%swap3A_65], %broadcast_in_dim3A_64 {strides = array<i32>} : memref<256xf32, #tpu.memory_space<vmem>>, vector<16xf32>,
    %swap3A_67 = arith.constant 160 : index
    %swap3A_68 = tpu.vector_load %arg7[%swap3A_67] {strides = array<i32>} : memref<256xi32, #tpu.memory_space<vmem>>, vector<16xi32>,
    tpu.vector_store %arg7[%swap3A_67], %broadcast_in_dim3A_1 {strides = array<i32>} : memref<256xi32, #tpu.memory_space<vmem>>, vector<16xi32>,
    %broadcast_in_dim3A_69 = arith.constant 0x7F800000 : f32
    %broadcast_in_dim3A_70 = vector.broadcast %broadcast_in_dim3A_69 : f32 to vector<16xf32>
    %swap3A_71 = arith.constant 176 : index
    %swap3A_72 = tpu.vector_load %arg6[%swap3A_71] {strides = array<i32>} : memref<256xf32, #tpu.memory_space<vmem>>, vector<16xf32>,
    tpu.vector_store %arg6[%swap3A_71], %broadcast_in_dim3A_70 {strides = array<i32>} : memref<256xf32, #tpu.memory_space<vmem>>, vector<16xf32>,
    %swap3A_73 = arith.constant 176 : index
    %swap3A_74 = tpu.vector_load %arg7[%swap3A_73] {strides = array<i32>} : memref<256xi32, #tpu.memory_space<vmem>>, vector<16xi32>,
    tpu.vector_store %arg7[%swap3A_73], %broadcast_in_dim3A_1 {strides = array<i32>} : memref<256xi32, #tpu.memory_space<vmem>>, vector<16xi32>,
    %broadcast_in_dim3A_75 = arith.constant 0x7F800000 : f32
    %broadcast_in_dim3A_76 = vector.broadcast %broadcast_in_dim3A_75 : f32 to vector<16xf32>
    %swap3A_77 = arith.constant 192 : index
    %swap3A_78 = tpu.vector_load %arg6[%swap3A_77] {strides = array<i32>} : memref<256xf32, #tpu.memory_space<vmem>>, vector<16xf32>,
    tpu.vector_store %arg6[%swap3A_77], %broadcast_in_dim3A_76 {strides = array<i32>} : memref<256xf32, #tpu.memory_space<vmem>>, vector<16xf32>,
    %swap3A_79 = arith.constant 192 : index
    %swap3A_80 = tpu.vector_load %arg7[%swap3A_79] {strides = array<i32>} : memref<256xi32, #tpu.memory_space<vmem>>, vector<16xi32>,
    tpu.vector_store %arg7[%swap3A_79], %broadcast_in_dim3A_1 {strides = array<i32>} : memref<256xi32, #tpu.memory_space<vmem>>, vector<16xi32>,
    %broadcast_in_dim3A_81 = arith.constant 0x7F800000 : f32
    %broadcast_in_dim3A_82 = vector.broadcast %broadcast_in_dim3A_81 : f32 to vector<16xf32>
    %swap3A_83 = arith.constant 208 : index
    %swap3A_84 = tpu.vector_load %arg6[%swap3A_83] {strides = array<i32>} : memref<256xf32, #tpu.memory_space<vmem>>, vector<16xf32>,
    tpu.vector_store %arg6[%swap3A_83], %broadcast_in_dim3A_82 {strides = array<i32>} : memref<256xf32, #tpu.memory_space<vmem>>, vector<16xf32>,
    %swap3A_85 = arith.constant 208 : index
    %swap3A_86 = tpu.vector_load %arg7[%swap3A_85] {strides = array<i32>} : memref<256xi32, #tpu.memory_space<vmem>>, vector<16xi32>,
    tpu.vector_store %arg7[%swap3A_85], %broadcast_in_dim3A_1 {strides = array<i32>} : memref<256xi32, #tpu.memory_space<vmem>>, vector<16xi32>,
    %broadcast_in_dim3A_87 = arith.constant 0x7F800000 : f32
    %broadcast_in_dim3A_88 = vector.broadcast %broadcast_in_dim3A_87 : f32 to vector<16xf32>
    %swap3A_89 = arith.constant 224 : index
    %swap3A_90 = tpu.vector_load %arg6[%swap3A_89] {strides = array<i32>} : memref<256xf32, #tpu.memory_space<vmem>>, vector<16xf32>,
    tpu.vector_store %arg6[%swap3A_89], %broadcast_in_dim3A_88 {strides = array<i32>} : memref<256xf32, #tpu.memory_space<vmem>>, vector<16xf32>,
    %swap3A_91 = arith.constant 224 : index
    %swap3A_92 = tpu.vector_load %arg7[%swap3A_91] {strides = array<i32>} : memref<256xi32, #tpu.memory_space<vmem>>, vector<16xi32>,
    tpu.vector_store %arg7[%swap3A_91], %broadcast_in_dim3A_1 {strides = array<i32>} : memref<256xi32, #tpu.memory_space<vmem>>, vector<16xi32>,
    %broadcast_in_dim3A_93 = arith.constant 0x7F800000 : f32
    %broadcast_in_dim3A_94 = vector.broadcast %broadcast_in_dim3A_93 : f32 to vector<16xf32>
    %swap3A_95 = arith.constant 240 : index
    %swap3A_96 = tpu.vector_load %arg6[%swap3A_95] {strides = array<i32>} : memref<256xf32, #tpu.memory_space<vmem>>, vector<16xf32>,
    tpu.vector_store %arg6[%swap3A_95], %broadcast_in_dim3A_94 {strides = array<i32>} : memref<256xf32, #tpu.memory_space<vmem>>, vector<16xf32>,
    %swap3A_97 = arith.constant 240 : index
    %swap3A_98 = tpu.vector_load %arg7[%swap3A_97] {strides = array<i32>} : memref<256xi32, #tpu.memory_space<vmem>>, vector<16xi32>,
    tpu.vector_store %arg7[%swap3A_97], %broadcast_in_dim3A_1 {strides = array<i32>} : memref<256xi32, #tpu.memory_space<vmem>>, vector<16xi32>,
    %eq3A = arith.constant 0 : i32
    %eq3A_99 = arith.cmpi eq, %arg1, %eq3A : i32
    %convert_element_type3A = arith.extui %eq3A_99 : i1 to i32
    %cond3A = arith.constant 0 : i32
    %cond3A_100 = arith.cmpi ne, %convert_element_type3A, %cond3A : i32
    scf.if %cond3A_100 {
      %broadcast_in_dim3A_712 = arith.constant -1.000000e+00 : f32
      %broadcast_in_dim3A_713 = vector.broadcast %broadcast_in_dim3A_712 : f32 to vector<16xf32>
      %eq3A_714 = arith.constant 0 : i32
      %eq3A_715 = vector.broadcast %eq3A_714 : i32 to vector<16xi32>
      %eq3A_716 = arith.cmpi eq, %iota3A, %eq3A_715 : vector<16xi32>
      tpu.vector_store_idx %arg6[%broadcast_in_dim3A_1], %broadcast_in_dim3A_713 masked %eq3A_716 : memref<256xf32, #tpu.memory_space<vmem>>[vector<16xi32>], vector<16xf32>, vector<16xi1>
    } else {
    }
    %run_scoped3A = arith.constant 0 : i32
    "tpu.region"() ({
      %run_scoped3A_712 = tpu.sem_alloc : memref<!tpu.dma_semaphore, #tpu.memory_space<semaphore_mem>>
      %dma_start3A_713 = tpu.memref_slice %arg2[%run_scoped3A, %mul3A_0] : memref<4096x4096xf32, #tpu.memory_space<hbm>> -> memref<1x256xf32, #tpu.memory_space<hbm>>
      %dma_start3A_714 = tpu.memref_squeeze %dma_start3A_713 : memref<1x256xf32, #tpu.memory_space<hbm>> -> memref<256xf32, #tpu.memory_space<hbm>>
      %dma_start3A_715 = tpu.memref_slice %arg2[%run_scoped3A, %mul3A_0] : memref<4096x4096xf32, #tpu.memory_space<hbm>> -> memref<1x256xf32, #tpu.memory_space<hbm>>
      %dma_start3A_716 = tpu.memref_squeeze %dma_start3A_715 : memref<1x256xf32, #tpu.memory_space<hbm>> -> memref<256xf32, #tpu.memory_space<hbm>>
      tpu.enqueue_dma source(%dma_start3A_716 : memref<256xf32, #tpu.memory_space<hbm>>) target(%arg4 : memref<256xf32, #tpu.memory_space<vmem>>) target_semaphore(%run_scoped3A_712 : memref<!tpu.dma_semaphore, #tpu.memory_space<semaphore_mem>>)
      %dma_wait3A_717 = tpu.memref_slice %arg2[%run_scoped3A, %mul3A_0] : memref<4096x4096xf32, #tpu.memory_space<hbm>> -> memref<1x256xf32, #tpu.memory_space<hbm>>
      %dma_wait3A_718 = tpu.memref_squeeze %dma_wait3A_717 : memref<1x256xf32, #tpu.memory_space<hbm>> -> memref<256xf32, #tpu.memory_space<hbm>>
      %dma_wait3A_719 = tpu.memref_slice %arg2[%run_scoped3A, %mul3A_0] : memref<4096x4096xf32, #tpu.memory_space<hbm>> -> memref<1x256xf32, #tpu.memory_space<hbm>>
      %dma_wait3A_720 = tpu.memref_squeeze %dma_wait3A_719 : memref<1x256xf32, #tpu.memory_space<hbm>> -> memref<256xf32, #tpu.memory_space<hbm>>
      tpu.wait_dma2 semaphore(%run_scoped3A_712 : memref<!tpu.dma_semaphore, #tpu.memory_space<semaphore_mem>>) src(%dma_wait3A_720 : memref<256xf32, #tpu.memory_space<hbm>>) dst(%arg4 : memref<256xf32, #tpu.memory_space<vmem>>)
      tpu.yield
    }) : () -> ()
    %dma_start3A = arith.constant 0 : i32
    %dma_start3A_101 = tpu.memref_slice %arg2[%dma_start3A, %mul3A_0] : memref<4096x4096xf32, #tpu.memory_space<hbm>> -> memref<1x256xf32, #tpu.memory_space<hbm>>
    %dma_start3A_102 = tpu.memref_squeeze %dma_start3A_101 : memref<1x256xf32, #tpu.memory_space<hbm>> -> memref<256xf32, #tpu.memory_space<hbm>>
    %dma_start3A_103 = tpu.memref_slice %arg2[%dma_start3A, %mul3A_0] : memref<4096x4096xf32, #tpu.memory_space<hbm>> -> memref<1x256xf32, #tpu.memory_space<hbm>>
    %dma_start3A_104 = tpu.memref_squeeze %dma_start3A_103 : memref<1x256xf32, #tpu.memory_space<hbm>> -> memref<256xf32, #tpu.memory_space<hbm>>
    tpu.enqueue_dma source(%dma_start3A_104 : memref<256xf32, #tpu.memory_space<hbm>>) target(%arg5 : memref<256xf32, #tpu.memory_space<vmem>>) target_semaphore(%arg12 : memref<!tpu.dma_semaphore, #tpu.memory_space<semaphore_mem>>)
    %scan3A = arith.constant 0 : i32
    %scan3A_105 = arith.constant -1 : i32
    %scan3A_106 = arith.constant 0 : i32
    %scan3A_107 = arith.constant 2047 : i32
    %scan3A_108 = arith.addi %scan3A_106, %scan3A_107 : i32
    %scan3A_109 = arith.constant 1 : i32
    %scan3A_110:2 = scf.for %scan3A_712 = %scan3A_106 to %scan3A_108 step %scan3A_109 iter_args(%scan3A_713 = %scan3A, %scan3A_714 = %scan3A_105) -> (i32, i32)  : i32 {
      %mul3A_715 = arith.constant 2 : i32
      %mul3A_716 = arith.muli %mul3A_715, %scan3A_712 : i32
      %broadcast_in_dim3A_717 = arith.constant 0x7F800000 : f32
      %broadcast_in_dim3A_718 = vector.broadcast %broadcast_in_dim3A_717 : f32 to vector<16xf32>
      %broadcast_in_dim3A_719 = arith.constant 4096 : i32
      %broadcast_in_dim3A_720 = vector.broadcast %broadcast_in_dim3A_719 : i32 to vector<16xi32>
      %get3A_721 = arith.constant 0 : index
      %get3A_722 = tpu.vector_load %arg4[%get3A_721] {strides = array<i32>} : memref<256xf32, #tpu.memory_space<vmem>>, vector<16xf32>,
      %get3A_723 = arith.constant 0 : index
      %get3A_724 = tpu.vector_load %arg6[%get3A_723] {strides = array<i32>} : memref<256xf32, #tpu.memory_space<vmem>>, vector<16xf32>,
      %get3A_725 = arith.constant 0 : index
      %get3A_726 = tpu.vector_load %arg7[%get3A_725] {strides = array<i32>} : memref<256xi32, #tpu.memory_space<vmem>>, vector<16xi32>,
      %lt3A_727 = arith.cmpf olt, %get3A_722, %get3A_724 : vector<16xf32>
      %ge3A_728 = arith.constant 0.000000e+00 : f32
      %ge3A_729 = vector.broadcast %ge3A_728 : f32 to vector<16xf32>
      %ge3A_730 = arith.cmpf oge, %get3A_724, %ge3A_729 : vector<16xf32>
      %and3A_731 = arith.andi %lt3A_727, %ge3A_730 : vector<16xi1>
      %select_n3A_732 = arith.select %and3A_731, %get3A_722, %get3A_724 : vector<16xi1>, vector<16xf32>
      %broadcast_in_dim3A_733 = vector.broadcast %scan3A_713 : i32 to vector<16xi32>
      %select_n3A_734 = arith.select %and3A_731, %broadcast_in_dim3A_733, %get3A_726 : vector<16xi1>, vector<16xi32>
      %swap3A_735 = arith.constant 0 : index
      %swap3A_736 = tpu.vector_load %arg7[%swap3A_735] {strides = array<i32>} : memref<256xi32, #tpu.memory_space<vmem>>, vector<16xi32>,
      tpu.vector_store %arg7[%swap3A_735], %select_n3A_734 {strides = array<i32>} : memref<256xi32, #tpu.memory_space<vmem>>, vector<16xi32>,
      %swap3A_737 = arith.constant 0 : index
      %swap3A_738 = tpu.vector_load %arg6[%swap3A_737] {strides = array<i32>} : memref<256xf32, #tpu.memory_space<vmem>>, vector<16xf32>,
      tpu.vector_store %arg6[%swap3A_737], %select_n3A_732 {strides = array<i32>} : memref<256xf32, #tpu.memory_space<vmem>>, vector<16xf32>,
      %lt3A_739 = arith.constant 0.000000e+00 : f32
      %lt3A_740 = vector.broadcast %lt3A_739 : f32 to vector<16xf32>
      %lt3A_741 = arith.cmpf olt, %select_n3A_732, %lt3A_740 : vector<16xf32>
      %jit3A_742 = arith.constant 0x7F800000 : f32
      %broadcast_in_dim3A_743 = vector.broadcast %jit3A_742 : f32 to vector<16xf32>
      %select_n3A_744 = arith.select %lt3A_741, %broadcast_in_dim3A_743, %select_n3A_732 : vector<16xi1>, vector<16xf32>
      %lt3A_745 = arith.cmpf olt, %select_n3A_744, %broadcast_in_dim3A_718 : vector<16xf32>
      %select_n3A_746 = arith.select %lt3A_745, %select_n3A_744, %broadcast_in_dim3A_718 : vector<16xi1>, vector<16xf32>
      %add3A_747 = arith.constant 0 : i32
      %add3A_748 = arith.addi %mul3A_0, %add3A_747 : i32
      %add3A_749 = vector.broadcast %add3A_748 : i32 to vector<16xi32>
      %add3A_750 = arith.addi %add3A_749, %iota3A : vector<16xi32>
      %select_n3A_751 = arith.select %lt3A_745, %add3A_750, %broadcast_in_dim3A_720 : vector<16xi1>, vector<16xi32>
      %get3A_752 = arith.constant 16 : index
      %get3A_753 = tpu.vector_load %arg4[%get3A_752] {strides = array<i32>} : memref<256xf32, #tpu.memory_space<vmem>>, vector<16xf32>,
      %get3A_754 = arith.constant 16 : index
      %get3A_755 = tpu.vector_load %arg6[%get3A_754] {strides = array<i32>} : memref<256xf32, #tpu.memory_space<vmem>>, vector<16xf32>,
      %get3A_756 = arith.constant 16 : index
      %get3A_757 = tpu.vector_load %arg7[%get3A_756] {strides = array<i32>} : memref<256xi32, #tpu.memory_space<vmem>>, vector<16xi32>,
      %lt3A_758 = arith.cmpf olt, %get3A_753, %get3A_755 : vector<16xf32>
      %ge3A_759 = arith.constant 0.000000e+00 : f32
      %ge3A_760 = vector.broadcast %ge3A_759 : f32 to vector<16xf32>
      %ge3A_761 = arith.cmpf oge, %get3A_755, %ge3A_760 : vector<16xf32>
      %and3A_762 = arith.andi %lt3A_758, %ge3A_761 : vector<16xi1>
      %select_n3A_763 = arith.select %and3A_762, %get3A_753, %get3A_755 : vector<16xi1>, vector<16xf32>
      %broadcast_in_dim3A_764 = vector.broadcast %scan3A_713 : i32 to vector<16xi32>
      %select_n3A_765 = arith.select %and3A_762, %broadcast_in_dim3A_764, %get3A_757 : vector<16xi1>, vector<16xi32>
      %swap3A_766 = arith.constant 16 : index
      %swap3A_767 = tpu.vector_load %arg7[%swap3A_766] {strides = array<i32>} : memref<256xi32, #tpu.memory_space<vmem>>, vector<16xi32>,
      tpu.vector_store %arg7[%swap3A_766], %select_n3A_765 {strides = array<i32>} : memref<256xi32, #tpu.memory_space<vmem>>, vector<16xi32>,
      %swap3A_768 = arith.constant 16 : index
      %swap3A_769 = tpu.vector_load %arg6[%swap3A_768] {strides = array<i32>} : memref<256xf32, #tpu.memory_space<vmem>>, vector<16xf32>,
      tpu.vector_store %arg6[%swap3A_768], %select_n3A_763 {strides = array<i32>} : memref<256xf32, #tpu.memory_space<vmem>>, vector<16xf32>,
      %lt3A_770 = arith.constant 0.000000e+00 : f32
      %lt3A_771 = vector.broadcast %lt3A_770 : f32 to vector<16xf32>
      %lt3A_772 = arith.cmpf olt, %select_n3A_763, %lt3A_771 : vector<16xf32>
      %jit3A_773 = arith.constant 0x7F800000 : f32
      %broadcast_in_dim3A_774 = vector.broadcast %jit3A_773 : f32 to vector<16xf32>
      %select_n3A_775 = arith.select %lt3A_772, %broadcast_in_dim3A_774, %select_n3A_763 : vector<16xi1>, vector<16xf32>
      %lt3A_776 = arith.cmpf olt, %select_n3A_775, %select_n3A_746 : vector<16xf32>
      %select_n3A_777 = arith.select %lt3A_776, %select_n3A_775, %select_n3A_746 : vector<16xi1>, vector<16xf32>
      %add3A_778 = arith.constant 16 : i32
      %add3A_779 = arith.addi %mul3A_0, %add3A_778 : i32
      %add3A_780 = vector.broadcast %add3A_779 : i32 to vector<16xi32>
      %add3A_781 = arith.addi %add3A_780, %iota3A : vector<16xi32>
      %select_n3A_782 = arith.select %lt3A_776, %add3A_781, %select_n3A_751 : vector<16xi1>, vector<16xi32>
      %get3A_783 = arith.constant 32 : index
      %get3A_784 = tpu.vector_load %arg4[%get3A_783] {strides = array<i32>} : memref<256xf32, #tpu.memory_space<vmem>>, vector<16xf32>,
      %get3A_785 = arith.constant 32 : index
      %get3A_786 = tpu.vector_load %arg6[%get3A_785] {strides = array<i32>} : memref<256xf32, #tpu.memory_space<vmem>>, vector<16xf32>,
      %get3A_787 = arith.constant 32 : index
      %get3A_788 = tpu.vector_load %arg7[%get3A_787] {strides = array<i32>} : memref<256xi32, #tpu.memory_space<vmem>>, vector<16xi32>,
      %lt3A_789 = arith.cmpf olt, %get3A_784, %get3A_786 : vector<16xf32>
      %ge3A_790 = arith.constant 0.000000e+00 : f32
      %ge3A_791 = vector.broadcast %ge3A_790 : f32 to vector<16xf32>
      %ge3A_792 = arith.cmpf oge, %get3A_786, %ge3A_791 : vector<16xf32>
      %and3A_793 = arith.andi %lt3A_789, %ge3A_792 : vector<16xi1>
      %select_n3A_794 = arith.select %and3A_793, %get3A_784, %get3A_786 : vector<16xi1>, vector<16xf32>
      %broadcast_in_dim3A_795 = vector.broadcast %scan3A_713 : i32 to vector<16xi32>
      %select_n3A_796 = arith.select %and3A_793, %broadcast_in_dim3A_795, %get3A_788 : vector<16xi1>, vector<16xi32>
      %swap3A_797 = arith.constant 32 : index
      %swap3A_798 = tpu.vector_load %arg7[%swap3A_797] {strides = array<i32>} : memref<256xi32, #tpu.memory_space<vmem>>, vector<16xi32>,
      tpu.vector_store %arg7[%swap3A_797], %select_n3A_796 {strides = array<i32>} : memref<256xi32, #tpu.memory_space<vmem>>, vector<16xi32>,
      %swap3A_799 = arith.constant 32 : index
      %swap3A_800 = tpu.vector_load %arg6[%swap3A_799] {strides = array<i32>} : memref<256xf32, #tpu.memory_space<vmem>>, vector<16xf32>,
      tpu.vector_store %arg6[%swap3A_799], %select_n3A_794 {strides = array<i32>} : memref<256xf32, #tpu.memory_space<vmem>>, vector<16xf32>,
      %lt3A_801 = arith.constant 0.000000e+00 : f32
      %lt3A_802 = vector.broadcast %lt3A_801 : f32 to vector<16xf32>
      %lt3A_803 = arith.cmpf olt, %select_n3A_794, %lt3A_802 : vector<16xf32>
      %jit3A_804 = arith.constant 0x7F800000 : f32
      %broadcast_in_dim3A_805 = vector.broadcast %jit3A_804 : f32 to vector<16xf32>
      %select_n3A_806 = arith.select %lt3A_803, %broadcast_in_dim3A_805, %select_n3A_794 : vector<16xi1>, vector<16xf32>
      %lt3A_807 = arith.cmpf olt, %select_n3A_806, %select_n3A_777 : vector<16xf32>
      %select_n3A_808 = arith.select %lt3A_807, %select_n3A_806, %select_n3A_777 : vector<16xi1>, vector<16xf32>
      %add3A_809 = arith.constant 32 : i32
      %add3A_810 = arith.addi %mul3A_0, %add3A_809 : i32
      %add3A_811 = vector.broadcast %add3A_810 : i32 to vector<16xi32>
      %add3A_812 = arith.addi %add3A_811, %iota3A : vector<16xi32>
      %select_n3A_813 = arith.select %lt3A_807, %add3A_812, %select_n3A_782 : vector<16xi1>, vector<16xi32>
      %get3A_814 = arith.constant 48 : index
      %get3A_815 = tpu.vector_load %arg4[%get3A_814] {strides = array<i32>} : memref<256xf32, #tpu.memory_space<vmem>>, vector<16xf32>,
      %get3A_816 = arith.constant 48 : index
      %get3A_817 = tpu.vector_load %arg6[%get3A_816] {strides = array<i32>} : memref<256xf32, #tpu.memory_space<vmem>>, vector<16xf32>,
      %get3A_818 = arith.constant 48 : index
      %get3A_819 = tpu.vector_load %arg7[%get3A_818] {strides = array<i32>} : memref<256xi32, #tpu.memory_space<vmem>>, vector<16xi32>,
      %lt3A_820 = arith.cmpf olt, %get3A_815, %get3A_817 : vector<16xf32>
      %ge3A_821 = arith.constant 0.000000e+00 : f32
      %ge3A_822 = vector.broadcast %ge3A_821 : f32 to vector<16xf32>
      %ge3A_823 = arith.cmpf oge, %get3A_817, %ge3A_822 : vector<16xf32>
      %and3A_824 = arith.andi %lt3A_820, %ge3A_823 : vector<16xi1>
      %select_n3A_825 = arith.select %and3A_824, %get3A_815, %get3A_817 : vector<16xi1>, vector<16xf32>
      %broadcast_in_dim3A_826 = vector.broadcast %scan3A_713 : i32 to vector<16xi32>
      %select_n3A_827 = arith.select %and3A_824, %broadcast_in_dim3A_826, %get3A_819 : vector<16xi1>, vector<16xi32>
      %swap3A_828 = arith.constant 48 : index
      %swap3A_829 = tpu.vector_load %arg7[%swap3A_828] {strides = array<i32>} : memref<256xi32, #tpu.memory_space<vmem>>, vector<16xi32>,
      tpu.vector_store %arg7[%swap3A_828], %select_n3A_827 {strides = array<i32>} : memref<256xi32, #tpu.memory_space<vmem>>, vector<16xi32>,
      %swap3A_830 = arith.constant 48 : index
      %swap3A_831 = tpu.vector_load %arg6[%swap3A_830] {strides = array<i32>} : memref<256xf32, #tpu.memory_space<vmem>>, vector<16xf32>,
      tpu.vector_store %arg6[%swap3A_830], %select_n3A_825 {strides = array<i32>} : memref<256xf32, #tpu.memory_space<vmem>>, vector<16xf32>,
      %lt3A_832 = arith.constant 0.000000e+00 : f32
      %lt3A_833 = vector.broadcast %lt3A_832 : f32 to vector<16xf32>
      %lt3A_834 = arith.cmpf olt, %select_n3A_825, %lt3A_833 : vector<16xf32>
      %jit3A_835 = arith.constant 0x7F800000 : f32
      %broadcast_in_dim3A_836 = vector.broadcast %jit3A_835 : f32 to vector<16xf32>
      %select_n3A_837 = arith.select %lt3A_834, %broadcast_in_dim3A_836, %select_n3A_825 : vector<16xi1>, vector<16xf32>
      %lt3A_838 = arith.cmpf olt, %select_n3A_837, %select_n3A_808 : vector<16xf32>
      %select_n3A_839 = arith.select %lt3A_838, %select_n3A_837, %select_n3A_808 : vector<16xi1>, vector<16xf32>
      %add3A_840 = arith.constant 48 : i32
      %add3A_841 = arith.addi %mul3A_0, %add3A_840 : i32
      %add3A_842 = vector.broadcast %add3A_841 : i32 to vector<16xi32>
      %add3A_843 = arith.addi %add3A_842, %iota3A : vector<16xi32>
      %select_n3A_844 = arith.select %lt3A_838, %add3A_843, %select_n3A_813 : vector<16xi1>, vector<16xi32>
      %get3A_845 = arith.constant 64 : index
      %get3A_846 = tpu.vector_load %arg4[%get3A_845] {strides = array<i32>} : memref<256xf32, #tpu.memory_space<vmem>>, vector<16xf32>,
      %get3A_847 = arith.constant 64 : index
      %get3A_848 = tpu.vector_load %arg6[%get3A_847] {strides = array<i32>} : memref<256xf32, #tpu.memory_space<vmem>>, vector<16xf32>,
      %get3A_849 = arith.constant 64 : index
      %get3A_850 = tpu.vector_load %arg7[%get3A_849] {strides = array<i32>} : memref<256xi32, #tpu.memory_space<vmem>>, vector<16xi32>,
      %lt3A_851 = arith.cmpf olt, %get3A_846, %get3A_848 : vector<16xf32>
      %ge3A_852 = arith.constant 0.000000e+00 : f32
      %ge3A_853 = vector.broadcast %ge3A_852 : f32 to vector<16xf32>
      %ge3A_854 = arith.cmpf oge, %get3A_848, %ge3A_853 : vector<16xf32>
      %and3A_855 = arith.andi %lt3A_851, %ge3A_854 : vector<16xi1>
      %select_n3A_856 = arith.select %and3A_855, %get3A_846, %get3A_848 : vector<16xi1>, vector<16xf32>
      %broadcast_in_dim3A_857 = vector.broadcast %scan3A_713 : i32 to vector<16xi32>
      %select_n3A_858 = arith.select %and3A_855, %broadcast_in_dim3A_857, %get3A_850 : vector<16xi1>, vector<16xi32>
      %swap3A_859 = arith.constant 64 : index
      %swap3A_860 = tpu.vector_load %arg7[%swap3A_859] {strides = array<i32>} : memref<256xi32, #tpu.memory_space<vmem>>, vector<16xi32>,
      tpu.vector_store %arg7[%swap3A_859], %select_n3A_858 {strides = array<i32>} : memref<256xi32, #tpu.memory_space<vmem>>, vector<16xi32>,
      %swap3A_861 = arith.constant 64 : index
      %swap3A_862 = tpu.vector_load %arg6[%swap3A_861] {strides = array<i32>} : memref<256xf32, #tpu.memory_space<vmem>>, vector<16xf32>,
      tpu.vector_store %arg6[%swap3A_861], %select_n3A_856 {strides = array<i32>} : memref<256xf32, #tpu.memory_space<vmem>>, vector<16xf32>,
      %lt3A_863 = arith.constant 0.000000e+00 : f32
      %lt3A_864 = vector.broadcast %lt3A_863 : f32 to vector<16xf32>
      %lt3A_865 = arith.cmpf olt, %select_n3A_856, %lt3A_864 : vector<16xf32>
      %jit3A_866 = arith.constant 0x7F800000 : f32
      %broadcast_in_dim3A_867 = vector.broadcast %jit3A_866 : f32 to vector<16xf32>
      %select_n3A_868 = arith.select %lt3A_865, %broadcast_in_dim3A_867, %select_n3A_856 : vector<16xi1>, vector<16xf32>
      %lt3A_869 = arith.cmpf olt, %select_n3A_868, %select_n3A_839 : vector<16xf32>
      %select_n3A_870 = arith.select %lt3A_869, %select_n3A_868, %select_n3A_839 : vector<16xi1>, vector<16xf32>
      %add3A_871 = arith.constant 64 : i32
      %add3A_872 = arith.addi %mul3A_0, %add3A_871 : i32
      %add3A_873 = vector.broadcast %add3A_872 : i32 to vector<16xi32>
      %add3A_874 = arith.addi %add3A_873, %iota3A : vector<16xi32>
      %select_n3A_875 = arith.select %lt3A_869, %add3A_874, %select_n3A_844 : vector<16xi1>, vector<16xi32>
      %get3A_876 = arith.constant 80 : index
      %get3A_877 = tpu.vector_load %arg4[%get3A_876] {strides = array<i32>} : memref<256xf32, #tpu.memory_space<vmem>>, vector<16xf32>,
      %get3A_878 = arith.constant 80 : index
      %get3A_879 = tpu.vector_load %arg6[%get3A_878] {strides = array<i32>} : memref<256xf32, #tpu.memory_space<vmem>>, vector<16xf32>,
      %get3A_880 = arith.constant 80 : index
      %get3A_881 = tpu.vector_load %arg7[%get3A_880] {strides = array<i32>} : memref<256xi32, #tpu.memory_space<vmem>>, vector<16xi32>,
      %lt3A_882 = arith.cmpf olt, %get3A_877, %get3A_879 : vector<16xf32>
      %ge3A_883 = arith.constant 0.000000e+00 : f32
      %ge3A_884 = vector.broadcast %ge3A_883 : f32 to vector<16xf32>
      %ge3A_885 = arith.cmpf oge, %get3A_879, %ge3A_884 : vector<16xf32>
      %and3A_886 = arith.andi %lt3A_882, %ge3A_885 : vector<16xi1>
      %select_n3A_887 = arith.select %and3A_886, %get3A_877, %get3A_879 : vector<16xi1>, vector<16xf32>
      %broadcast_in_dim3A_888 = vector.broadcast %scan3A_713 : i32 to vector<16xi32>
      %select_n3A_889 = arith.select %and3A_886, %broadcast_in_dim3A_888, %get3A_881 : vector<16xi1>, vector<16xi32>
      %swap3A_890 = arith.constant 80 : index
      %swap3A_891 = tpu.vector_load %arg7[%swap3A_890] {strides = array<i32>} : memref<256xi32, #tpu.memory_space<vmem>>, vector<16xi32>,
      tpu.vector_store %arg7[%swap3A_890], %select_n3A_889 {strides = array<i32>} : memref<256xi32, #tpu.memory_space<vmem>>, vector<16xi32>,
      %swap3A_892 = arith.constant 80 : index
      %swap3A_893 = tpu.vector_load %arg6[%swap3A_892] {strides = array<i32>} : memref<256xf32, #tpu.memory_space<vmem>>, vector<16xf32>,
      tpu.vector_store %arg6[%swap3A_892], %select_n3A_887 {strides = array<i32>} : memref<256xf32, #tpu.memory_space<vmem>>, vector<16xf32>,
      %lt3A_894 = arith.constant 0.000000e+00 : f32
      %lt3A_895 = vector.broadcast %lt3A_894 : f32 to vector<16xf32>
      %lt3A_896 = arith.cmpf olt, %select_n3A_887, %lt3A_895 : vector<16xf32>
      %jit3A_897 = arith.constant 0x7F800000 : f32
      %broadcast_in_dim3A_898 = vector.broadcast %jit3A_897 : f32 to vector<16xf32>
      %select_n3A_899 = arith.select %lt3A_896, %broadcast_in_dim3A_898, %select_n3A_887 : vector<16xi1>, vector<16xf32>
      %lt3A_900 = arith.cmpf olt, %select_n3A_899, %select_n3A_870 : vector<16xf32>
      %select_n3A_901 = arith.select %lt3A_900, %select_n3A_899, %select_n3A_870 : vector<16xi1>, vector<16xf32>
      %add3A_902 = arith.constant 80 : i32
      %add3A_903 = arith.addi %mul3A_0, %add3A_902 : i32
      %add3A_904 = vector.broadcast %add3A_903 : i32 to vector<16xi32>
      %add3A_905 = arith.addi %add3A_904, %iota3A : vector<16xi32>
      %select_n3A_906 = arith.select %lt3A_900, %add3A_905, %select_n3A_875 : vector<16xi1>, vector<16xi32>
      %get3A_907 = arith.constant 96 : index
      %get3A_908 = tpu.vector_load %arg4[%get3A_907] {strides = array<i32>} : memref<256xf32, #tpu.memory_space<vmem>>, vector<16xf32>,
      %get3A_909 = arith.constant 96 : index
      %get3A_910 = tpu.vector_load %arg6[%get3A_909] {strides = array<i32>} : memref<256xf32, #tpu.memory_space<vmem>>, vector<16xf32>,
      %get3A_911 = arith.constant 96 : index
      %get3A_912 = tpu.vector_load %arg7[%get3A_911] {strides = array<i32>} : memref<256xi32, #tpu.memory_space<vmem>>, vector<16xi32>,
      %lt3A_913 = arith.cmpf olt, %get3A_908, %get3A_910 : vector<16xf32>
      %ge3A_914 = arith.constant 0.000000e+00 : f32
      %ge3A_915 = vector.broadcast %ge3A_914 : f32 to vector<16xf32>
      %ge3A_916 = arith.cmpf oge, %get3A_910, %ge3A_915 : vector<16xf32>
      %and3A_917 = arith.andi %lt3A_913, %ge3A_916 : vector<16xi1>
      %select_n3A_918 = arith.select %and3A_917, %get3A_908, %get3A_910 : vector<16xi1>, vector<16xf32>
      %broadcast_in_dim3A_919 = vector.broadcast %scan3A_713 : i32 to vector<16xi32>
      %select_n3A_920 = arith.select %and3A_917, %broadcast_in_dim3A_919, %get3A_912 : vector<16xi1>, vector<16xi32>
      %swap3A_921 = arith.constant 96 : index
      %swap3A_922 = tpu.vector_load %arg7[%swap3A_921] {strides = array<i32>} : memref<256xi32, #tpu.memory_space<vmem>>, vector<16xi32>,
      tpu.vector_store %arg7[%swap3A_921], %select_n3A_920 {strides = array<i32>} : memref<256xi32, #tpu.memory_space<vmem>>, vector<16xi32>,
      %swap3A_923 = arith.constant 96 : index
      %swap3A_924 = tpu.vector_load %arg6[%swap3A_923] {strides = array<i32>} : memref<256xf32, #tpu.memory_space<vmem>>, vector<16xf32>,
      tpu.vector_store %arg6[%swap3A_923], %select_n3A_918 {strides = array<i32>} : memref<256xf32, #tpu.memory_space<vmem>>, vector<16xf32>,
      %lt3A_925 = arith.constant 0.000000e+00 : f32
      %lt3A_926 = vector.broadcast %lt3A_925 : f32 to vector<16xf32>
      %lt3A_927 = arith.cmpf olt, %select_n3A_918, %lt3A_926 : vector<16xf32>
      %jit3A_928 = arith.constant 0x7F800000 : f32
      %broadcast_in_dim3A_929 = vector.broadcast %jit3A_928 : f32 to vector<16xf32>
      %select_n3A_930 = arith.select %lt3A_927, %broadcast_in_dim3A_929, %select_n3A_918 : vector<16xi1>, vector<16xf32>
      %lt3A_931 = arith.cmpf olt, %select_n3A_930, %select_n3A_901 : vector<16xf32>
      %select_n3A_932 = arith.select %lt3A_931, %select_n3A_930, %select_n3A_901 : vector<16xi1>, vector<16xf32>
      %add3A_933 = arith.constant 96 : i32
      %add3A_934 = arith.addi %mul3A_0, %add3A_933 : i32
      %add3A_935 = vector.broadcast %add3A_934 : i32 to vector<16xi32>
      %add3A_936 = arith.addi %add3A_935, %iota3A : vector<16xi32>
      %select_n3A_937 = arith.select %lt3A_931, %add3A_936, %select_n3A_906 : vector<16xi1>, vector<16xi32>
      %get3A_938 = arith.constant 112 : index
      %get3A_939 = tpu.vector_load %arg4[%get3A_938] {strides = array<i32>} : memref<256xf32, #tpu.memory_space<vmem>>, vector<16xf32>,
      %get3A_940 = arith.constant 112 : index
      %get3A_941 = tpu.vector_load %arg6[%get3A_940] {strides = array<i32>} : memref<256xf32, #tpu.memory_space<vmem>>, vector<16xf32>,
      %get3A_942 = arith.constant 112 : index
      %get3A_943 = tpu.vector_load %arg7[%get3A_942] {strides = array<i32>} : memref<256xi32, #tpu.memory_space<vmem>>, vector<16xi32>,
      %lt3A_944 = arith.cmpf olt, %get3A_939, %get3A_941 : vector<16xf32>
      %ge3A_945 = arith.constant 0.000000e+00 : f32
      %ge3A_946 = vector.broadcast %ge3A_945 : f32 to vector<16xf32>
      %ge3A_947 = arith.cmpf oge, %get3A_941, %ge3A_946 : vector<16xf32>
      %and3A_948 = arith.andi %lt3A_944, %ge3A_947 : vector<16xi1>
      %select_n3A_949 = arith.select %and3A_948, %get3A_939, %get3A_941 : vector<16xi1>, vector<16xf32>
      %broadcast_in_dim3A_950 = vector.broadcast %scan3A_713 : i32 to vector<16xi32>
      %select_n3A_951 = arith.select %and3A_948, %broadcast_in_dim3A_950, %get3A_943 : vector<16xi1>, vector<16xi32>
      %swap3A_952 = arith.constant 112 : index
      %swap3A_953 = tpu.vector_load %arg7[%swap3A_952] {strides = array<i32>} : memref<256xi32, #tpu.memory_space<vmem>>, vector<16xi32>,
      tpu.vector_store %arg7[%swap3A_952], %select_n3A_951 {strides = array<i32>} : memref<256xi32, #tpu.memory_space<vmem>>, vector<16xi32>,
      %swap3A_954 = arith.constant 112 : index
      %swap3A_955 = tpu.vector_load %arg6[%swap3A_954] {strides = array<i32>} : memref<256xf32, #tpu.memory_space<vmem>>, vector<16xf32>,
      tpu.vector_store %arg6[%swap3A_954], %select_n3A_949 {strides = array<i32>} : memref<256xf32, #tpu.memory_space<vmem>>, vector<16xf32>,
      %lt3A_956 = arith.constant 0.000000e+00 : f32
      %lt3A_957 = vector.broadcast %lt3A_956 : f32 to vector<16xf32>
      %lt3A_958 = arith.cmpf olt, %select_n3A_949, %lt3A_957 : vector<16xf32>
      %jit3A_959 = arith.constant 0x7F800000 : f32
      %broadcast_in_dim3A_960 = vector.broadcast %jit3A_959 : f32 to vector<16xf32>
      %select_n3A_961 = arith.select %lt3A_958, %broadcast_in_dim3A_960, %select_n3A_949 : vector<16xi1>, vector<16xf32>
      %lt3A_962 = arith.cmpf olt, %select_n3A_961, %select_n3A_932 : vector<16xf32>
      %select_n3A_963 = arith.select %lt3A_962, %select_n3A_961, %select_n3A_932 : vector<16xi1>, vector<16xf32>
      %add3A_964 = arith.constant 112 : i32
      %add3A_965 = arith.addi %mul3A_0, %add3A_964 : i32
      %add3A_966 = vector.broadcast %add3A_965 : i32 to vector<16xi32>
      %add3A_967 = arith.addi %add3A_966, %iota3A : vector<16xi32>
      %select_n3A_968 = arith.select %lt3A_962, %add3A_967, %select_n3A_937 : vector<16xi1>, vector<16xi32>
      %get3A_969 = arith.constant 128 : index
      %get3A_970 = tpu.vector_load %arg4[%get3A_969] {strides = array<i32>} : memref<256xf32, #tpu.memory_space<vmem>>, vector<16xf32>,
      %get3A_971 = arith.constant 128 : index
      %get3A_972 = tpu.vector_load %arg6[%get3A_971] {strides = array<i32>} : memref<256xf32, #tpu.memory_space<vmem>>, vector<16xf32>,
      %get3A_973 = arith.constant 128 : index
      %get3A_974 = tpu.vector_load %arg7[%get3A_973] {strides = array<i32>} : memref<256xi32, #tpu.memory_space<vmem>>, vector<16xi32>,
      %lt3A_975 = arith.cmpf olt, %get3A_970, %get3A_972 : vector<16xf32>
      %ge3A_976 = arith.constant 0.000000e+00 : f32
      %ge3A_977 = vector.broadcast %ge3A_976 : f32 to vector<16xf32>
      %ge3A_978 = arith.cmpf oge, %get3A_972, %ge3A_977 : vector<16xf32>
      %and3A_979 = arith.andi %lt3A_975, %ge3A_978 : vector<16xi1>
      %select_n3A_980 = arith.select %and3A_979, %get3A_970, %get3A_972 : vector<16xi1>, vector<16xf32>
      %broadcast_in_dim3A_981 = vector.broadcast %scan3A_713 : i32 to vector<16xi32>
      %select_n3A_982 = arith.select %and3A_979, %broadcast_in_dim3A_981, %get3A_974 : vector<16xi1>, vector<16xi32>
      %swap3A_983 = arith.constant 128 : index
      %swap3A_984 = tpu.vector_load %arg7[%swap3A_983] {strides = array<i32>} : memref<256xi32, #tpu.memory_space<vmem>>, vector<16xi32>,
      tpu.vector_store %arg7[%swap3A_983], %select_n3A_982 {strides = array<i32>} : memref<256xi32, #tpu.memory_space<vmem>>, vector<16xi32>,
      %swap3A_985 = arith.constant 128 : index
      %swap3A_986 = tpu.vector_load %arg6[%swap3A_985] {strides = array<i32>} : memref<256xf32, #tpu.memory_space<vmem>>, vector<16xf32>,
      tpu.vector_store %arg6[%swap3A_985], %select_n3A_980 {strides = array<i32>} : memref<256xf32, #tpu.memory_space<vmem>>, vector<16xf32>,
      %lt3A_987 = arith.constant 0.000000e+00 : f32
      %lt3A_988 = vector.broadcast %lt3A_987 : f32 to vector<16xf32>
      %lt3A_989 = arith.cmpf olt, %select_n3A_980, %lt3A_988 : vector<16xf32>
      %jit3A_990 = arith.constant 0x7F800000 : f32
      %broadcast_in_dim3A_991 = vector.broadcast %jit3A_990 : f32 to vector<16xf32>
      %select_n3A_992 = arith.select %lt3A_989, %broadcast_in_dim3A_991, %select_n3A_980 : vector<16xi1>, vector<16xf32>
      %lt3A_993 = arith.cmpf olt, %select_n3A_992, %select_n3A_963 : vector<16xf32>
      %select_n3A_994 = arith.select %lt3A_993, %select_n3A_992, %select_n3A_963 : vector<16xi1>, vector<16xf32>
      %add3A_995 = arith.constant 128 : i32
      %add3A_996 = arith.addi %mul3A_0, %add3A_995 : i32
      %add3A_997 = vector.broadcast %add3A_996 : i32 to vector<16xi32>
      %add3A_998 = arith.addi %add3A_997, %iota3A : vector<16xi32>
      %select_n3A_999 = arith.select %lt3A_993, %add3A_998, %select_n3A_968 : vector<16xi1>, vector<16xi32>
      %get3A_1000 = arith.constant 144 : index
      %get3A_1001 = tpu.vector_load %arg4[%get3A_1000] {strides = array<i32>} : memref<256xf32, #tpu.memory_space<vmem>>, vector<16xf32>,
      %get3A_1002 = arith.constant 144 : index
      %get3A_1003 = tpu.vector_load %arg6[%get3A_1002] {strides = array<i32>} : memref<256xf32, #tpu.memory_space<vmem>>, vector<16xf32>,
      %get3A_1004 = arith.constant 144 : index
      %get3A_1005 = tpu.vector_load %arg7[%get3A_1004] {strides = array<i32>} : memref<256xi32, #tpu.memory_space<vmem>>, vector<16xi32>,
      %lt3A_1006 = arith.cmpf olt, %get3A_1001, %get3A_1003 : vector<16xf32>
      %ge3A_1007 = arith.constant 0.000000e+00 : f32
      %ge3A_1008 = vector.broadcast %ge3A_1007 : f32 to vector<16xf32>
      %ge3A_1009 = arith.cmpf oge, %get3A_1003, %ge3A_1008 : vector<16xf32>
      %and3A_1010 = arith.andi %lt3A_1006, %ge3A_1009 : vector<16xi1>
      %select_n3A_1011 = arith.select %and3A_1010, %get3A_1001, %get3A_1003 : vector<16xi1>, vector<16xf32>
      %broadcast_in_dim3A_1012 = vector.broadcast %scan3A_713 : i32 to vector<16xi32>
      %select_n3A_1013 = arith.select %and3A_1010, %broadcast_in_dim3A_1012, %get3A_1005 : vector<16xi1>, vector<16xi32>
      %swap3A_1014 = arith.constant 144 : index
      %swap3A_1015 = tpu.vector_load %arg7[%swap3A_1014] {strides = array<i32>} : memref<256xi32, #tpu.memory_space<vmem>>, vector<16xi32>,
      tpu.vector_store %arg7[%swap3A_1014], %select_n3A_1013 {strides = array<i32>} : memref<256xi32, #tpu.memory_space<vmem>>, vector<16xi32>,
      %swap3A_1016 = arith.constant 144 : index
      %swap3A_1017 = tpu.vector_load %arg6[%swap3A_1016] {strides = array<i32>} : memref<256xf32, #tpu.memory_space<vmem>>, vector<16xf32>,
      tpu.vector_store %arg6[%swap3A_1016], %select_n3A_1011 {strides = array<i32>} : memref<256xf32, #tpu.memory_space<vmem>>, vector<16xf32>,
      %lt3A_1018 = arith.constant 0.000000e+00 : f32
      %lt3A_1019 = vector.broadcast %lt3A_1018 : f32 to vector<16xf32>
      %lt3A_1020 = arith.cmpf olt, %select_n3A_1011, %lt3A_1019 : vector<16xf32>
      %jit3A_1021 = arith.constant 0x7F800000 : f32
      %broadcast_in_dim3A_1022 = vector.broadcast %jit3A_1021 : f32 to vector<16xf32>
      %select_n3A_1023 = arith.select %lt3A_1020, %broadcast_in_dim3A_1022, %select_n3A_1011 : vector<16xi1>, vector<16xf32>
      %lt3A_1024 = arith.cmpf olt, %select_n3A_1023, %select_n3A_994 : vector<16xf32>
      %select_n3A_1025 = arith.select %lt3A_1024, %select_n3A_1023, %select_n3A_994 : vector<16xi1>, vector<16xf32>
      %add3A_1026 = arith.constant 144 : i32
      %add3A_1027 = arith.addi %mul3A_0, %add3A_1026 : i32
      %add3A_1028 = vector.broadcast %add3A_1027 : i32 to vector<16xi32>
      %add3A_1029 = arith.addi %add3A_1028, %iota3A : vector<16xi32>
      %select_n3A_1030 = arith.select %lt3A_1024, %add3A_1029, %select_n3A_999 : vector<16xi1>, vector<16xi32>
      %get3A_1031 = arith.constant 160 : index
      %get3A_1032 = tpu.vector_load %arg4[%get3A_1031] {strides = array<i32>} : memref<256xf32, #tpu.memory_space<vmem>>, vector<16xf32>,
      %get3A_1033 = arith.constant 160 : index
      %get3A_1034 = tpu.vector_load %arg6[%get3A_1033] {strides = array<i32>} : memref<256xf32, #tpu.memory_space<vmem>>, vector<16xf32>,
      %get3A_1035 = arith.constant 160 : index
      %get3A_1036 = tpu.vector_load %arg7[%get3A_1035] {strides = array<i32>} : memref<256xi32, #tpu.memory_space<vmem>>, vector<16xi32>,
      %lt3A_1037 = arith.cmpf olt, %get3A_1032, %get3A_1034 : vector<16xf32>
      %ge3A_1038 = arith.constant 0.000000e+00 : f32
      %ge3A_1039 = vector.broadcast %ge3A_1038 : f32 to vector<16xf32>
      %ge3A_1040 = arith.cmpf oge, %get3A_1034, %ge3A_1039 : vector<16xf32>
      %and3A_1041 = arith.andi %lt3A_1037, %ge3A_1040 : vector<16xi1>
      %select_n3A_1042 = arith.select %and3A_1041, %get3A_1032, %get3A_1034 : vector<16xi1>, vector<16xf32>
      %broadcast_in_dim3A_1043 = vector.broadcast %scan3A_713 : i32 to vector<16xi32>
      %select_n3A_1044 = arith.select %and3A_1041, %broadcast_in_dim3A_1043, %get3A_1036 : vector<16xi1>, vector<16xi32>
      %swap3A_1045 = arith.constant 160 : index
      %swap3A_1046 = tpu.vector_load %arg7[%swap3A_1045] {strides = array<i32>} : memref<256xi32, #tpu.memory_space<vmem>>, vector<16xi32>,
      tpu.vector_store %arg7[%swap3A_1045], %select_n3A_1044 {strides = array<i32>} : memref<256xi32, #tpu.memory_space<vmem>>, vector<16xi32>,
      %swap3A_1047 = arith.constant 160 : index
      %swap3A_1048 = tpu.vector_load %arg6[%swap3A_1047] {strides = array<i32>} : memref<256xf32, #tpu.memory_space<vmem>>, vector<16xf32>,
      tpu.vector_store %arg6[%swap3A_1047], %select_n3A_1042 {strides = array<i32>} : memref<256xf32, #tpu.memory_space<vmem>>, vector<16xf32>,
      %lt3A_1049 = arith.constant 0.000000e+00 : f32
      %lt3A_1050 = vector.broadcast %lt3A_1049 : f32 to vector<16xf32>
      %lt3A_1051 = arith.cmpf olt, %select_n3A_1042, %lt3A_1050 : vector<16xf32>
      %jit3A_1052 = arith.constant 0x7F800000 : f32
      %broadcast_in_dim3A_1053 = vector.broadcast %jit3A_1052 : f32 to vector<16xf32>
      %select_n3A_1054 = arith.select %lt3A_1051, %broadcast_in_dim3A_1053, %select_n3A_1042 : vector<16xi1>, vector<16xf32>
      %lt3A_1055 = arith.cmpf olt, %select_n3A_1054, %select_n3A_1025 : vector<16xf32>
      %select_n3A_1056 = arith.select %lt3A_1055, %select_n3A_1054, %select_n3A_1025 : vector<16xi1>, vector<16xf32>
      %add3A_1057 = arith.constant 160 : i32
      %add3A_1058 = arith.addi %mul3A_0, %add3A_1057 : i32
      %add3A_1059 = vector.broadcast %add3A_1058 : i32 to vector<16xi32>
      %add3A_1060 = arith.addi %add3A_1059, %iota3A : vector<16xi32>
      %select_n3A_1061 = arith.select %lt3A_1055, %add3A_1060, %select_n3A_1030 : vector<16xi1>, vector<16xi32>
      %get3A_1062 = arith.constant 176 : index
      %get3A_1063 = tpu.vector_load %arg4[%get3A_1062] {strides = array<i32>} : memref<256xf32, #tpu.memory_space<vmem>>, vector<16xf32>,
      %get3A_1064 = arith.constant 176 : index
      %get3A_1065 = tpu.vector_load %arg6[%get3A_1064] {strides = array<i32>} : memref<256xf32, #tpu.memory_space<vmem>>, vector<16xf32>,
      %get3A_1066 = arith.constant 176 : index
      %get3A_1067 = tpu.vector_load %arg7[%get3A_1066] {strides = array<i32>} : memref<256xi32, #tpu.memory_space<vmem>>, vector<16xi32>,
      %lt3A_1068 = arith.cmpf olt, %get3A_1063, %get3A_1065 : vector<16xf32>
      %ge3A_1069 = arith.constant 0.000000e+00 : f32
      %ge3A_1070 = vector.broadcast %ge3A_1069 : f32 to vector<16xf32>
      %ge3A_1071 = arith.cmpf oge, %get3A_1065, %ge3A_1070 : vector<16xf32>
      %and3A_1072 = arith.andi %lt3A_1068, %ge3A_1071 : vector<16xi1>
      %select_n3A_1073 = arith.select %and3A_1072, %get3A_1063, %get3A_1065 : vector<16xi1>, vector<16xf32>
      %broadcast_in_dim3A_1074 = vector.broadcast %scan3A_713 : i32 to vector<16xi32>
      %select_n3A_1075 = arith.select %and3A_1072, %broadcast_in_dim3A_1074, %get3A_1067 : vector<16xi1>, vector<16xi32>
      %swap3A_1076 = arith.constant 176 : index
      %swap3A_1077 = tpu.vector_load %arg7[%swap3A_1076] {strides = array<i32>} : memref<256xi32, #tpu.memory_space<vmem>>, vector<16xi32>,
      tpu.vector_store %arg7[%swap3A_1076], %select_n3A_1075 {strides = array<i32>} : memref<256xi32, #tpu.memory_space<vmem>>, vector<16xi32>,
      %swap3A_1078 = arith.constant 176 : index
      %swap3A_1079 = tpu.vector_load %arg6[%swap3A_1078] {strides = array<i32>} : memref<256xf32, #tpu.memory_space<vmem>>, vector<16xf32>,
      tpu.vector_store %arg6[%swap3A_1078], %select_n3A_1073 {strides = array<i32>} : memref<256xf32, #tpu.memory_space<vmem>>, vector<16xf32>,
      %lt3A_1080 = arith.constant 0.000000e+00 : f32
      %lt3A_1081 = vector.broadcast %lt3A_1080 : f32 to vector<16xf32>
      %lt3A_1082 = arith.cmpf olt, %select_n3A_1073, %lt3A_1081 : vector<16xf32>
      %jit3A_1083 = arith.constant 0x7F800000 : f32
      %broadcast_in_dim3A_1084 = vector.broadcast %jit3A_1083 : f32 to vector<16xf32>
      %select_n3A_1085 = arith.select %lt3A_1082, %broadcast_in_dim3A_1084, %select_n3A_1073 : vector<16xi1>, vector<16xf32>
      %lt3A_1086 = arith.cmpf olt, %select_n3A_1085, %select_n3A_1056 : vector<16xf32>
      %select_n3A_1087 = arith.select %lt3A_1086, %select_n3A_1085, %select_n3A_1056 : vector<16xi1>, vector<16xf32>
      %add3A_1088 = arith.constant 176 : i32
      %add3A_1089 = arith.addi %mul3A_0, %add3A_1088 : i32
      %add3A_1090 = vector.broadcast %add3A_1089 : i32 to vector<16xi32>
      %add3A_1091 = arith.addi %add3A_1090, %iota3A : vector<16xi32>
      %select_n3A_1092 = arith.select %lt3A_1086, %add3A_1091, %select_n3A_1061 : vector<16xi1>, vector<16xi32>
      %get3A_1093 = arith.constant 192 : index
      %get3A_1094 = tpu.vector_load %arg4[%get3A_1093] {strides = array<i32>} : memref<256xf32, #tpu.memory_space<vmem>>, vector<16xf32>,
      %get3A_1095 = arith.constant 192 : index
      %get3A_1096 = tpu.vector_load %arg6[%get3A_1095] {strides = array<i32>} : memref<256xf32, #tpu.memory_space<vmem>>, vector<16xf32>,
      %get3A_1097 = arith.constant 192 : index
      %get3A_1098 = tpu.vector_load %arg7[%get3A_1097] {strides = array<i32>} : memref<256xi32, #tpu.memory_space<vmem>>, vector<16xi32>,
      %lt3A_1099 = arith.cmpf olt, %get3A_1094, %get3A_1096 : vector<16xf32>
      %ge3A_1100 = arith.constant 0.000000e+00 : f32
      %ge3A_1101 = vector.broadcast %ge3A_1100 : f32 to vector<16xf32>
      %ge3A_1102 = arith.cmpf oge, %get3A_1096, %ge3A_1101 : vector<16xf32>
      %and3A_1103 = arith.andi %lt3A_1099, %ge3A_1102 : vector<16xi1>
      %select_n3A_1104 = arith.select %and3A_1103, %get3A_1094, %get3A_1096 : vector<16xi1>, vector<16xf32>
      %broadcast_in_dim3A_1105 = vector.broadcast %scan3A_713 : i32 to vector<16xi32>
      %select_n3A_1106 = arith.select %and3A_1103, %broadcast_in_dim3A_1105, %get3A_1098 : vector<16xi1>, vector<16xi32>
      %swap3A_1107 = arith.constant 192 : index
      %swap3A_1108 = tpu.vector_load %arg7[%swap3A_1107] {strides = array<i32>} : memref<256xi32, #tpu.memory_space<vmem>>, vector<16xi32>,
      tpu.vector_store %arg7[%swap3A_1107], %select_n3A_1106 {strides = array<i32>} : memref<256xi32, #tpu.memory_space<vmem>>, vector<16xi32>,
      %swap3A_1109 = arith.constant 192 : index
      %swap3A_1110 = tpu.vector_load %arg6[%swap3A_1109] {strides = array<i32>} : memref<256xf32, #tpu.memory_space<vmem>>, vector<16xf32>,
      tpu.vector_store %arg6[%swap3A_1109], %select_n3A_1104 {strides = array<i32>} : memref<256xf32, #tpu.memory_space<vmem>>, vector<16xf32>,
      %lt3A_1111 = arith.constant 0.000000e+00 : f32
      %lt3A_1112 = vector.broadcast %lt3A_1111 : f32 to vector<16xf32>
      %lt3A_1113 = arith.cmpf olt, %select_n3A_1104, %lt3A_1112 : vector<16xf32>
      %jit3A_1114 = arith.constant 0x7F800000 : f32
      %broadcast_in_dim3A_1115 = vector.broadcast %jit3A_1114 : f32 to vector<16xf32>
      %select_n3A_1116 = arith.select %lt3A_1113, %broadcast_in_dim3A_1115, %select_n3A_1104 : vector<16xi1>, vector<16xf32>
      %lt3A_1117 = arith.cmpf olt, %select_n3A_1116, %select_n3A_1087 : vector<16xf32>
      %select_n3A_1118 = arith.select %lt3A_1117, %select_n3A_1116, %select_n3A_1087 : vector<16xi1>, vector<16xf32>
      %add3A_1119 = arith.constant 192 : i32
      %add3A_1120 = arith.addi %mul3A_0, %add3A_1119 : i32
      %add3A_1121 = vector.broadcast %add3A_1120 : i32 to vector<16xi32>
      %add3A_1122 = arith.addi %add3A_1121, %iota3A : vector<16xi32>
      %select_n3A_1123 = arith.select %lt3A_1117, %add3A_1122, %select_n3A_1092 : vector<16xi1>, vector<16xi32>
      %get3A_1124 = arith.constant 208 : index
      %get3A_1125 = tpu.vector_load %arg4[%get3A_1124] {strides = array<i32>} : memref<256xf32, #tpu.memory_space<vmem>>, vector<16xf32>,
      %get3A_1126 = arith.constant 208 : index
      %get3A_1127 = tpu.vector_load %arg6[%get3A_1126] {strides = array<i32>} : memref<256xf32, #tpu.memory_space<vmem>>, vector<16xf32>,
      %get3A_1128 = arith.constant 208 : index
      %get3A_1129 = tpu.vector_load %arg7[%get3A_1128] {strides = array<i32>} : memref<256xi32, #tpu.memory_space<vmem>>, vector<16xi32>,
      %lt3A_1130 = arith.cmpf olt, %get3A_1125, %get3A_1127 : vector<16xf32>
      %ge3A_1131 = arith.constant 0.000000e+00 : f32
      %ge3A_1132 = vector.broadcast %ge3A_1131 : f32 to vector<16xf32>
      %ge3A_1133 = arith.cmpf oge, %get3A_1127, %ge3A_1132 : vector<16xf32>
      %and3A_1134 = arith.andi %lt3A_1130, %ge3A_1133 : vector<16xi1>
      %select_n3A_1135 = arith.select %and3A_1134, %get3A_1125, %get3A_1127 : vector<16xi1>, vector<16xf32>
      %broadcast_in_dim3A_1136 = vector.broadcast %scan3A_713 : i32 to vector<16xi32>
      %select_n3A_1137 = arith.select %and3A_1134, %broadcast_in_dim3A_1136, %get3A_1129 : vector<16xi1>, vector<16xi32>
      %swap3A_1138 = arith.constant 208 : index
      %swap3A_1139 = tpu.vector_load %arg7[%swap3A_1138] {strides = array<i32>} : memref<256xi32, #tpu.memory_space<vmem>>, vector<16xi32>,
      tpu.vector_store %arg7[%swap3A_1138], %select_n3A_1137 {strides = array<i32>} : memref<256xi32, #tpu.memory_space<vmem>>, vector<16xi32>,
      %swap3A_1140 = arith.constant 208 : index
      %swap3A_1141 = tpu.vector_load %arg6[%swap3A_1140] {strides = array<i32>} : memref<256xf32, #tpu.memory_space<vmem>>, vector<16xf32>,
      tpu.vector_store %arg6[%swap3A_1140], %select_n3A_1135 {strides = array<i32>} : memref<256xf32, #tpu.memory_space<vmem>>, vector<16xf32>,
      %lt3A_1142 = arith.constant 0.000000e+00 : f32
      %lt3A_1143 = vector.broadcast %lt3A_1142 : f32 to vector<16xf32>
      %lt3A_1144 = arith.cmpf olt, %select_n3A_1135, %lt3A_1143 : vector<16xf32>
      %jit3A_1145 = arith.constant 0x7F800000 : f32
      %broadcast_in_dim3A_1146 = vector.broadcast %jit3A_1145 : f32 to vector<16xf32>
      %select_n3A_1147 = arith.select %lt3A_1144, %broadcast_in_dim3A_1146, %select_n3A_1135 : vector<16xi1>, vector<16xf32>
      %lt3A_1148 = arith.cmpf olt, %select_n3A_1147, %select_n3A_1118 : vector<16xf32>
      %select_n3A_1149 = arith.select %lt3A_1148, %select_n3A_1147, %select_n3A_1118 : vector<16xi1>, vector<16xf32>
      %add3A_1150 = arith.constant 208 : i32
      %add3A_1151 = arith.addi %mul3A_0, %add3A_1150 : i32
      %add3A_1152 = vector.broadcast %add3A_1151 : i32 to vector<16xi32>
      %add3A_1153 = arith.addi %add3A_1152, %iota3A : vector<16xi32>
      %select_n3A_1154 = arith.select %lt3A_1148, %add3A_1153, %select_n3A_1123 : vector<16xi1>, vector<16xi32>
      %get3A_1155 = arith.constant 224 : index
      %get3A_1156 = tpu.vector_load %arg4[%get3A_1155] {strides = array<i32>} : memref<256xf32, #tpu.memory_space<vmem>>, vector<16xf32>,
      %get3A_1157 = arith.constant 224 : index
      %get3A_1158 = tpu.vector_load %arg6[%get3A_1157] {strides = array<i32>} : memref<256xf32, #tpu.memory_space<vmem>>, vector<16xf32>,
      %get3A_1159 = arith.constant 224 : index
      %get3A_1160 = tpu.vector_load %arg7[%get3A_1159] {strides = array<i32>} : memref<256xi32, #tpu.memory_space<vmem>>, vector<16xi32>,
      %lt3A_1161 = arith.cmpf olt, %get3A_1156, %get3A_1158 : vector<16xf32>
      %ge3A_1162 = arith.constant 0.000000e+00 : f32
      %ge3A_1163 = vector.broadcast %ge3A_1162 : f32 to vector<16xf32>
      %ge3A_1164 = arith.cmpf oge, %get3A_1158, %ge3A_1163 : vector<16xf32>
      %and3A_1165 = arith.andi %lt3A_1161, %ge3A_1164 : vector<16xi1>
      %select_n3A_1166 = arith.select %and3A_1165, %get3A_1156, %get3A_1158 : vector<16xi1>, vector<16xf32>
      %broadcast_in_dim3A_1167 = vector.broadcast %scan3A_713 : i32 to vector<16xi32>
      %select_n3A_1168 = arith.select %and3A_1165, %broadcast_in_dim3A_1167, %get3A_1160 : vector<16xi1>, vector<16xi32>
      %swap3A_1169 = arith.constant 224 : index
      %swap3A_1170 = tpu.vector_load %arg7[%swap3A_1169] {strides = array<i32>} : memref<256xi32, #tpu.memory_space<vmem>>, vector<16xi32>,
      tpu.vector_store %arg7[%swap3A_1169], %select_n3A_1168 {strides = array<i32>} : memref<256xi32, #tpu.memory_space<vmem>>, vector<16xi32>,
      %swap3A_1171 = arith.constant 224 : index
      %swap3A_1172 = tpu.vector_load %arg6[%swap3A_1171] {strides = array<i32>} : memref<256xf32, #tpu.memory_space<vmem>>, vector<16xf32>,
      tpu.vector_store %arg6[%swap3A_1171], %select_n3A_1166 {strides = array<i32>} : memref<256xf32, #tpu.memory_space<vmem>>, vector<16xf32>,
      %lt3A_1173 = arith.constant 0.000000e+00 : f32
      %lt3A_1174 = vector.broadcast %lt3A_1173 : f32 to vector<16xf32>
      %lt3A_1175 = arith.cmpf olt, %select_n3A_1166, %lt3A_1174 : vector<16xf32>
      %jit3A_1176 = arith.constant 0x7F800000 : f32
      %broadcast_in_dim3A_1177 = vector.broadcast %jit3A_1176 : f32 to vector<16xf32>
      %select_n3A_1178 = arith.select %lt3A_1175, %broadcast_in_dim3A_1177, %select_n3A_1166 : vector<16xi1>, vector<16xf32>
      %lt3A_1179 = arith.cmpf olt, %select_n3A_1178, %select_n3A_1149 : vector<16xf32>
      %select_n3A_1180 = arith.select %lt3A_1179, %select_n3A_1178, %select_n3A_1149 : vector<16xi1>, vector<16xf32>
      %add3A_1181 = arith.constant 224 : i32
      %add3A_1182 = arith.addi %mul3A_0, %add3A_1181 : i32
      %add3A_1183 = vector.broadcast %add3A_1182 : i32 to vector<16xi32>
      %add3A_1184 = arith.addi %add3A_1183, %iota3A : vector<16xi32>
      %select_n3A_1185 = arith.select %lt3A_1179, %add3A_1184, %select_n3A_1154 : vector<16xi1>, vector<16xi32>
      %get3A_1186 = arith.constant 240 : index
      %get3A_1187 = tpu.vector_load %arg4[%get3A_1186] {strides = array<i32>} : memref<256xf32, #tpu.memory_space<vmem>>, vector<16xf32>,
      %get3A_1188 = arith.constant 240 : index
      %get3A_1189 = tpu.vector_load %arg6[%get3A_1188] {strides = array<i32>} : memref<256xf32, #tpu.memory_space<vmem>>, vector<16xf32>,
      %get3A_1190 = arith.constant 240 : index
      %get3A_1191 = tpu.vector_load %arg7[%get3A_1190] {strides = array<i32>} : memref<256xi32, #tpu.memory_space<vmem>>, vector<16xi32>,
      %lt3A_1192 = arith.cmpf olt, %get3A_1187, %get3A_1189 : vector<16xf32>
      %ge3A_1193 = arith.constant 0.000000e+00 : f32
      %ge3A_1194 = vector.broadcast %ge3A_1193 : f32 to vector<16xf32>
      %ge3A_1195 = arith.cmpf oge, %get3A_1189, %ge3A_1194 : vector<16xf32>
      %and3A_1196 = arith.andi %lt3A_1192, %ge3A_1195 : vector<16xi1>
      %select_n3A_1197 = arith.select %and3A_1196, %get3A_1187, %get3A_1189 : vector<16xi1>, vector<16xf32>
      %broadcast_in_dim3A_1198 = vector.broadcast %scan3A_713 : i32 to vector<16xi32>
      %select_n3A_1199 = arith.select %and3A_1196, %broadcast_in_dim3A_1198, %get3A_1191 : vector<16xi1>, vector<16xi32>
      %swap3A_1200 = arith.constant 240 : index
      %swap3A_1201 = tpu.vector_load %arg7[%swap3A_1200] {strides = array<i32>} : memref<256xi32, #tpu.memory_space<vmem>>, vector<16xi32>,
      tpu.vector_store %arg7[%swap3A_1200], %select_n3A_1199 {strides = array<i32>} : memref<256xi32, #tpu.memory_space<vmem>>, vector<16xi32>,
      %swap3A_1202 = arith.constant 240 : index
      %swap3A_1203 = tpu.vector_load %arg6[%swap3A_1202] {strides = array<i32>} : memref<256xf32, #tpu.memory_space<vmem>>, vector<16xf32>,
      tpu.vector_store %arg6[%swap3A_1202], %select_n3A_1197 {strides = array<i32>} : memref<256xf32, #tpu.memory_space<vmem>>, vector<16xf32>,
      %lt3A_1204 = arith.constant 0.000000e+00 : f32
      %lt3A_1205 = vector.broadcast %lt3A_1204 : f32 to vector<16xf32>
      %lt3A_1206 = arith.cmpf olt, %select_n3A_1197, %lt3A_1205 : vector<16xf32>
      %jit3A_1207 = arith.constant 0x7F800000 : f32
      %broadcast_in_dim3A_1208 = vector.broadcast %jit3A_1207 : f32 to vector<16xf32>
      %select_n3A_1209 = arith.select %lt3A_1206, %broadcast_in_dim3A_1208, %select_n3A_1197 : vector<16xi1>, vector<16xf32>
      %lt3A_1210 = arith.cmpf olt, %select_n3A_1209, %select_n3A_1180 : vector<16xf32>
      %select_n3A_1211 = arith.select %lt3A_1210, %select_n3A_1209, %select_n3A_1180 : vector<16xi1>, vector<16xf32>
      %add3A_1212 = arith.constant 240 : i32
      %add3A_1213 = arith.addi %mul3A_0, %add3A_1212 : i32
      %add3A_1214 = vector.broadcast %add3A_1213 : i32 to vector<16xi32>
      %add3A_1215 = arith.addi %add3A_1214, %iota3A : vector<16xi32>
      %select_n3A_1216 = arith.select %lt3A_1210, %add3A_1215, %select_n3A_1185 : vector<16xi1>, vector<16xi32>
      %reduce_min3A_1217 = arith.constant true
      %reduce_min3A_1218 = vector.broadcast %reduce_min3A_1217 : i1 to vector<16xi1>
      %reduce_min3A_1219 = tpu.scan <min>, %select_n3A_1211 masked %reduce_min3A_1218 : vector<16xf32>, vector<16xi1> -> vector<16xf32>
      %reduce_min3A_1220 = vector.extract %reduce_min3A_1219[15] : f32 from vector<16xf32>
      %eq3A_1221 = vector.broadcast %reduce_min3A_1220 : f32 to vector<16xf32>
      %eq3A_1222 = arith.cmpf oeq, %select_n3A_1211, %eq3A_1221 : vector<16xf32>
      %jit3A_1223 = arith.constant 4096 : i32
      %broadcast_in_dim3A_1224 = vector.broadcast %jit3A_1223 : i32 to vector<16xi32>
      %select_n3A_1225 = arith.select %eq3A_1222, %select_n3A_1216, %broadcast_in_dim3A_1224 : vector<16xi1>, vector<16xi32>
      %reduce_min3A_1226 = arith.constant true
      %reduce_min3A_1227 = vector.broadcast %reduce_min3A_1226 : i1 to vector<16xi1>
      %reduce_min3A_1228 = arith.constant -2147483648 : i32
      %reduce_min3A_1229 = vector.broadcast %reduce_min3A_1228 : i32 to vector<16xi32>
      %reduce_min3A_1230 = arith.xori %select_n3A_1225, %reduce_min3A_1229 : vector<16xi32>
      %reduce_min3A_1231 = tpu.scan <min>, %reduce_min3A_1230 masked %reduce_min3A_1227 : vector<16xi32>, vector<16xi1> -> vector<16xi32>
      %reduce_min3A_1232 = arith.xori %reduce_min3A_1231, %reduce_min3A_1229 : vector<16xi32>
      %reduce_min3A_1233 = vector.extract %reduce_min3A_1232[15] : i32 from vector<16xi32>
      %broadcast_in_dim3A_1234 = vector.broadcast %reduce_min3A_1220 : f32 to vector<16xf32>
      %bitcast3A_1235 = vector.bitcast %broadcast_in_dim3A_1234 : vector<16xf32> to vector<16xi32>
      %eq3A_1236 = arith.constant 0 : i32
      %eq3A_1237 = vector.broadcast %eq3A_1236 : i32 to vector<16xi32>
      %eq3A_1238 = arith.cmpi eq, %iota3A, %eq3A_1237 : vector<16xi32>
      %broadcast_in_dim3A_1239 = vector.broadcast %reduce_min3A_1233 : i32 to vector<16xi32>
      %select_n3A_1240 = arith.select %eq3A_1238, %bitcast3A_1235, %broadcast_in_dim3A_1239 : vector<16xi1>, vector<16xi32>
      %swap3A_1241 = arith.constant 0 : index
      %swap3A_1242 = tpu.vector_load %arg8[%swap3A_1241] {strides = array<i32>} : memref<16xi32, #tpu.memory_space<vmem>>, vector<16xi32>,
      tpu.vector_store %arg8[%swap3A_1241], %select_n3A_1240 {strides = array<i32>} : memref<16xi32, #tpu.memory_space<vmem>>, vector<16xi32>,
      %mul3A_1243 = arith.constant 8 : i32
      %mul3A_1244 = arith.muli %arg1, %mul3A_1243 : i32
      %add3A_1245 = arith.constant 0 : i32
      %add3A_1246 = arith.addi %add3A_1245, %mul3A_1244 : i32
      "tpu.region"() ({
        %run_scoped3A_1947 = tpu.sem_alloc : memref<!tpu.dma_semaphore, #tpu.memory_space<semaphore_mem>>
        %dma_start3A_1948 = arith.constant 0 : i32
        %dma_start3A_1949 = tpu.memref_slice %arg8[%dma_start3A_1948] : memref<16xi32, #tpu.memory_space<vmem>> -> memref<8xi32, #tpu.memory_space<vmem>>
        %dma_start3A_1950 = tpu.memref_slice %arg13[%add3A_1246] : memref<2048xi32, #tpu.memory_space<vmem_shared>> -> memref<8xi32, #tpu.memory_space<vmem_shared>>
        %dma_start3A_1951 = tpu.memref_slice %arg13[%add3A_1246] : memref<2048xi32, #tpu.memory_space<vmem_shared>> -> memref<8xi32, #tpu.memory_space<vmem_shared>>
        %dma_start3A_1952 = arith.constant 0 : i32
        %dma_start3A_1953 = tpu.memref_slice %arg8[%dma_start3A_1952] : memref<16xi32, #tpu.memory_space<vmem>> -> memref<8xi32, #tpu.memory_space<vmem>>
        tpu.enqueue_dma source(%dma_start3A_1953 : memref<8xi32, #tpu.memory_space<vmem>>) target(%dma_start3A_1951 : memref<8xi32, #tpu.memory_space<vmem_shared>>) target_semaphore(%run_scoped3A_1947 : memref<!tpu.dma_semaphore, #tpu.memory_space<semaphore_mem>>)
        %dma_wait3A_1954 = arith.constant 0 : i32
        %dma_wait3A_1955 = tpu.memref_slice %arg8[%dma_wait3A_1954] : memref<16xi32, #tpu.memory_space<vmem>> -> memref<8xi32, #tpu.memory_space<vmem>>
        %dma_wait3A_1956 = tpu.memref_slice %arg13[%add3A_1246] : memref<2048xi32, #tpu.memory_space<vmem_shared>> -> memref<8xi32, #tpu.memory_space<vmem_shared>>
        %dma_wait3A_1957 = tpu.memref_slice %arg13[%add3A_1246] : memref<2048xi32, #tpu.memory_space<vmem_shared>> -> memref<8xi32, #tpu.memory_space<vmem_shared>>
        %dma_wait3A_1958 = arith.constant 0 : i32
        %dma_wait3A_1959 = tpu.memref_slice %arg8[%dma_wait3A_1958] : memref<16xi32, #tpu.memory_space<vmem>> -> memref<8xi32, #tpu.memory_space<vmem>>
        tpu.wait_dma2 semaphore(%run_scoped3A_1947 : memref<!tpu.dma_semaphore, #tpu.memory_space<semaphore_mem>>) src(%dma_wait3A_1959 : memref<8xi32, #tpu.memory_space<vmem>>) dst(%dma_wait3A_1957 : memref<8xi32, #tpu.memory_space<vmem_shared>>)
        tpu.yield
      }) : () -> ()
      %barrier3A_1247 = arith.constant 0 : index
      tpu.barrier barrier_id(%barrier3A_1247)
      "tpu.region"() ({
        %run_scoped3A_1947 = tpu.sem_alloc : memref<!tpu.dma_semaphore, #tpu.memory_space<semaphore_mem>>
        %dma_start3A_1948 = arith.constant 0 : i32
        %dma_start3A_1949 = tpu.memref_slice %arg13[%dma_start3A_1948] : memref<2048xi32, #tpu.memory_space<vmem_shared>> -> memref<128xi32, #tpu.memory_space<vmem_shared>>
        %dma_start3A_1950 = arith.constant 0 : i32
        %dma_start3A_1951 = tpu.memref_slice %arg13[%dma_start3A_1950] : memref<2048xi32, #tpu.memory_space<vmem_shared>> -> memref<128xi32, #tpu.memory_space<vmem_shared>>
        tpu.enqueue_dma source(%dma_start3A_1951 : memref<128xi32, #tpu.memory_space<vmem_shared>>) target(%arg10 : memref<128xi32, #tpu.memory_space<vmem>>) target_semaphore(%run_scoped3A_1947 : memref<!tpu.dma_semaphore, #tpu.memory_space<semaphore_mem>>)
        %dma_wait3A_1952 = arith.constant 0 : i32
        %dma_wait3A_1953 = tpu.memref_slice %arg13[%dma_wait3A_1952] : memref<2048xi32, #tpu.memory_space<vmem_shared>> -> memref<128xi32, #tpu.memory_space<vmem_shared>>
        %dma_wait3A_1954 = arith.constant 0 : i32
        %dma_wait3A_1955 = tpu.memref_slice %arg13[%dma_wait3A_1954] : memref<2048xi32, #tpu.memory_space<vmem_shared>> -> memref<128xi32, #tpu.memory_space<vmem_shared>>
        tpu.wait_dma2 semaphore(%run_scoped3A_1947 : memref<!tpu.dma_semaphore, #tpu.memory_space<semaphore_mem>>) src(%dma_wait3A_1955 : memref<128xi32, #tpu.memory_space<vmem_shared>>) dst(%arg10 : memref<128xi32, #tpu.memory_space<vmem>>)
        tpu.yield
      }) : () -> ()
      %mul3A_1248 = arith.constant 8 : i32
      %mul3A_1249 = vector.broadcast %mul3A_1248 : i32 to vector<16xi32>
      %mul3A_1250 = arith.muli %iota3A, %mul3A_1249 : vector<16xi32>
      %gather3A_1251 = tpu.vector_load_idx %arg10[%mul3A_1250] : memref<128xi32, #tpu.memory_space<vmem>>[vector<16xi32>], vector<16xi32>,
      %mul3A_1252 = arith.constant 8 : i32
      %mul3A_1253 = vector.broadcast %mul3A_1252 : i32 to vector<16xi32>
      %mul3A_1254 = arith.muli %iota3A, %mul3A_1253 : vector<16xi32>
      %add3A_1255 = arith.addi %mul3A_1254, %broadcast_in_dim3A_3 : vector<16xi32>
      %gather3A_1256 = tpu.vector_load_idx %arg10[%add3A_1255] : memref<128xi32, #tpu.memory_space<vmem>>[vector<16xi32>], vector<16xi32>,
      %reduce_min3A_1257 = arith.constant true
      %reduce_min3A_1258 = vector.broadcast %reduce_min3A_1257 : i1 to vector<16xi1>
      %reduce_min3A_1259 = arith.constant -2147483648 : i32
      %reduce_min3A_1260 = vector.broadcast %reduce_min3A_1259 : i32 to vector<16xi32>
      %reduce_min3A_1261 = arith.xori %gather3A_1251, %reduce_min3A_1260 : vector<16xi32>
      %reduce_min3A_1262 = tpu.scan <min>, %reduce_min3A_1261 masked %reduce_min3A_1258 : vector<16xi32>, vector<16xi1> -> vector<16xi32>
      %reduce_min3A_1263 = arith.xori %reduce_min3A_1262, %reduce_min3A_1260 : vector<16xi32>
      %reduce_min3A_1264 = vector.extract %reduce_min3A_1263[15] : i32 from vector<16xi32>
      %eq3A_1265 = vector.broadcast %reduce_min3A_1264 : i32 to vector<16xi32>
      %eq3A_1266 = arith.cmpi eq, %gather3A_1251, %eq3A_1265 : vector<16xi32>
      %jit3A_1267 = arith.constant 4096 : i32
      %broadcast_in_dim3A_1268 = vector.broadcast %jit3A_1267 : i32 to vector<16xi32>
      %select_n3A_1269 = arith.select %eq3A_1266, %gather3A_1256, %broadcast_in_dim3A_1268 : vector<16xi1>, vector<16xi32>
      %reduce_min3A_1270 = arith.constant true
      %reduce_min3A_1271 = vector.broadcast %reduce_min3A_1270 : i1 to vector<16xi1>
      %reduce_min3A_1272 = arith.constant -2147483648 : i32
      %reduce_min3A_1273 = vector.broadcast %reduce_min3A_1272 : i32 to vector<16xi32>
      %reduce_min3A_1274 = arith.xori %select_n3A_1269, %reduce_min3A_1273 : vector<16xi32>
      %reduce_min3A_1275 = tpu.scan <min>, %reduce_min3A_1274 masked %reduce_min3A_1271 : vector<16xi32>, vector<16xi1> -> vector<16xi32>
      %reduce_min3A_1276 = arith.xori %reduce_min3A_1275, %reduce_min3A_1273 : vector<16xi32>
      %reduce_min3A_1277 = vector.extract %reduce_min3A_1276[15] : i32 from vector<16xi32>
      %eq3A_1278 = vector.broadcast %reduce_min3A_1277 : i32 to vector<16xi32>
      %eq3A_1279 = arith.cmpi eq, %gather3A_1256, %eq3A_1278 : vector<16xi32>
      %jit3A_1280 = arith.constant 2147483647 : i32
      %broadcast_in_dim3A_1281 = vector.broadcast %jit3A_1280 : i32 to vector<16xi32>
      %select_n3A_1282 = arith.select %eq3A_1279, %broadcast_in_dim3A_1281, %gather3A_1251 : vector<16xi1>, vector<16xi32>
      %reduce_min3A_1283 = arith.constant true
      %reduce_min3A_1284 = vector.broadcast %reduce_min3A_1283 : i1 to vector<16xi1>
      %reduce_min3A_1285 = arith.constant -2147483648 : i32
      %reduce_min3A_1286 = vector.broadcast %reduce_min3A_1285 : i32 to vector<16xi32>
      %reduce_min3A_1287 = arith.xori %select_n3A_1282, %reduce_min3A_1286 : vector<16xi32>
      %reduce_min3A_1288 = tpu.scan <min>, %reduce_min3A_1287 masked %reduce_min3A_1284 : vector<16xi32>, vector<16xi1> -> vector<16xi32>
      %reduce_min3A_1289 = arith.xori %reduce_min3A_1288, %reduce_min3A_1286 : vector<16xi32>
      %reduce_min3A_1290 = vector.extract %reduce_min3A_1289[15] : i32 from vector<16xi32>
      %eq3A_1291 = vector.broadcast %reduce_min3A_1290 : i32 to vector<16xi32>
      %eq3A_1292 = arith.cmpi eq, %gather3A_1251, %eq3A_1291 : vector<16xi32>
      %ne3A_1293 = vector.broadcast %reduce_min3A_1277 : i32 to vector<16xi32>
      %ne3A_1294 = arith.cmpi ne, %gather3A_1256, %ne3A_1293 : vector<16xi32>
      %and3A_1295 = arith.andi %eq3A_1292, %ne3A_1294 : vector<16xi1>
      %jit3A_1296 = arith.constant 4096 : i32
      %broadcast_in_dim3A_1297 = vector.broadcast %jit3A_1296 : i32 to vector<16xi32>
      %select_n3A_1298 = arith.select %and3A_1295, %gather3A_1256, %broadcast_in_dim3A_1297 : vector<16xi1>, vector<16xi32>
      %reduce_min3A_1299 = arith.constant true
      %reduce_min3A_1300 = vector.broadcast %reduce_min3A_1299 : i1 to vector<16xi1>
      %reduce_min3A_1301 = arith.constant -2147483648 : i32
      %reduce_min3A_1302 = vector.broadcast %reduce_min3A_1301 : i32 to vector<16xi32>
      %reduce_min3A_1303 = arith.xori %select_n3A_1298, %reduce_min3A_1302 : vector<16xi32>
      %reduce_min3A_1304 = tpu.scan <min>, %reduce_min3A_1303 masked %reduce_min3A_1300 : vector<16xi32>, vector<16xi1> -> vector<16xi32>
      %reduce_min3A_1305 = arith.xori %reduce_min3A_1304, %reduce_min3A_1302 : vector<16xi32>
      %reduce_min3A_1306 = vector.extract %reduce_min3A_1305[15] : i32 from vector<16xi32>
      %min3A_1307 = arith.constant 4095 : i32
      %min3A_1308 = arith.minsi %reduce_min3A_1306, %min3A_1307 : i32
      %dma_start3A_1309 = tpu.memref_slice %arg2[%min3A_1308, %mul3A_0] : memref<4096x4096xf32, #tpu.memory_space<hbm>> -> memref<1x256xf32, #tpu.memory_space<hbm>>
      %dma_start3A_1310 = tpu.memref_squeeze %dma_start3A_1309 : memref<1x256xf32, #tpu.memory_space<hbm>> -> memref<256xf32, #tpu.memory_space<hbm>>
      %dma_start3A_1311 = tpu.memref_slice %arg2[%min3A_1308, %mul3A_0] : memref<4096x4096xf32, #tpu.memory_space<hbm>> -> memref<1x256xf32, #tpu.memory_space<hbm>>
      %dma_start3A_1312 = tpu.memref_squeeze %dma_start3A_1311 : memref<1x256xf32, #tpu.memory_space<hbm>> -> memref<256xf32, #tpu.memory_space<hbm>>
      tpu.enqueue_dma source(%dma_start3A_1312 : memref<256xf32, #tpu.memory_space<hbm>>) target(%arg4 : memref<256xf32, #tpu.memory_space<vmem>>) target_semaphore(%arg11 : memref<!tpu.dma_semaphore, #tpu.memory_space<semaphore_mem>>)
      %ge3A_1313 = arith.cmpi sge, %reduce_min3A_1277, %mul3A_0 : i32
      %add3A_1314 = arith.constant 256 : i32
      %add3A_1315 = arith.addi %mul3A_0, %add3A_1314 : i32
      %lt3A_1316 = arith.cmpi slt, %reduce_min3A_1277, %add3A_1315 : i32
      %and3A_1317 = arith.andi %ge3A_1313, %lt3A_1316 : i1
      %convert_element_type3A_1318 = arith.extui %and3A_1317 : i1 to i32
      %cond3A_1319 = arith.constant 0 : i32
      %cond3A_1320 = arith.cmpi ne, %convert_element_type3A_1318, %cond3A_1319 : i32
      scf.if %cond3A_1320 {
        %sub3A = arith.subi %reduce_min3A_1277, %mul3A_0 : i32
        %broadcast_in_dim3A_1947 = vector.broadcast %sub3A : i32 to vector<16xi32>
        %gather3A_1948 = tpu.vector_load_idx %arg7[%broadcast_in_dim3A_1947] : memref<256xi32, #tpu.memory_space<vmem>>[vector<16xi32>], vector<16xi32>,
        %eq3A_1949 = arith.constant 0 : i32
        %eq3A_1950 = vector.broadcast %eq3A_1949 : i32 to vector<16xi32>
        %eq3A_1951 = arith.cmpi eq, %iota3A, %eq3A_1950 : vector<16xi32>
        %broadcast_in_dim3A_1952 = vector.broadcast %reduce_min3A_1277 : i32 to vector<16xi32>
        %select_n3A_1953 = arith.select %eq3A_1951, %gather3A_1948, %broadcast_in_dim3A_1952 : vector<16xi1>, vector<16xi32>
        %swap3A_1954 = arith.constant 0 : index
        %swap3A_1955 = tpu.vector_load %arg9[%swap3A_1954] {strides = array<i32>} : memref<16xi32, #tpu.memory_space<vmem>>, vector<16xi32>,
        tpu.vector_store %arg9[%swap3A_1954], %select_n3A_1953 {strides = array<i32>} : memref<16xi32, #tpu.memory_space<vmem>>, vector<16xi32>,
        "tpu.region"() ({
          %run_scoped3A_1961 = tpu.sem_alloc : memref<!tpu.dma_semaphore, #tpu.memory_space<semaphore_mem>>
          %dma_start3A_1962 = arith.constant 0 : i32
          %dma_start3A_1963 = tpu.memref_slice %arg14[%mul3A_716, %dma_start3A_1962] : memref<32768x16xi32, #tpu.memory_space<vmem_shared>> -> memref<1x16xi32, #tpu.memory_space<vmem_shared>>
          %dma_start3A_1964 = tpu.memref_squeeze %dma_start3A_1963 : memref<1x16xi32, #tpu.memory_space<vmem_shared>> -> memref<16xi32, #tpu.memory_space<vmem_shared>>
          %dma_start3A_1965 = arith.constant 0 : i32
          %dma_start3A_1966 = tpu.memref_slice %arg14[%mul3A_716, %dma_start3A_1965] : memref<32768x16xi32, #tpu.memory_space<vmem_shared>> -> memref<1x16xi32, #tpu.memory_space<vmem_shared>>
          %dma_start3A_1967 = tpu.memref_squeeze %dma_start3A_1966 : memref<1x16xi32, #tpu.memory_space<vmem_shared>> -> memref<16xi32, #tpu.memory_space<vmem_shared>>
          tpu.enqueue_dma source(%arg9 : memref<16xi32, #tpu.memory_space<vmem>>) target(%dma_start3A_1967 : memref<16xi32, #tpu.memory_space<vmem_shared>>) target_semaphore(%run_scoped3A_1961 : memref<!tpu.dma_semaphore, #tpu.memory_space<semaphore_mem>>)
          %dma_wait3A_1968 = arith.constant 0 : i32
          %dma_wait3A_1969 = tpu.memref_slice %arg14[%mul3A_716, %dma_wait3A_1968] : memref<32768x16xi32, #tpu.memory_space<vmem_shared>> -> memref<1x16xi32, #tpu.memory_space<vmem_shared>>
          %dma_wait3A_1970 = tpu.memref_squeeze %dma_wait3A_1969 : memref<1x16xi32, #tpu.memory_space<vmem_shared>> -> memref<16xi32, #tpu.memory_space<vmem_shared>>
          %dma_wait3A_1971 = arith.constant 0 : i32
          %dma_wait3A_1972 = tpu.memref_slice %arg14[%mul3A_716, %dma_wait3A_1971] : memref<32768x16xi32, #tpu.memory_space<vmem_shared>> -> memref<1x16xi32, #tpu.memory_space<vmem_shared>>
          %dma_wait3A_1973 = tpu.memref_squeeze %dma_wait3A_1972 : memref<1x16xi32, #tpu.memory_space<vmem_shared>> -> memref<16xi32, #tpu.memory_space<vmem_shared>>
          tpu.wait_dma2 semaphore(%run_scoped3A_1961 : memref<!tpu.dma_semaphore, #tpu.memory_space<semaphore_mem>>) src(%arg9 : memref<16xi32, #tpu.memory_space<vmem>>) dst(%dma_wait3A_1973 : memref<16xi32, #tpu.memory_space<vmem_shared>>)
          tpu.yield
        }) : () -> ()
        %broadcast_in_dim3A_1956 = arith.constant -1.000000e+00 : f32
        %broadcast_in_dim3A_1957 = vector.broadcast %broadcast_in_dim3A_1956 : f32 to vector<16xf32>
        %eq3A_1958 = arith.constant 0 : i32
        %eq3A_1959 = vector.broadcast %eq3A_1958 : i32 to vector<16xi32>
        %eq3A_1960 = arith.cmpi eq, %iota3A, %eq3A_1959 : vector<16xi32>
        tpu.vector_store_idx %arg6[%broadcast_in_dim3A_1947], %broadcast_in_dim3A_1957 masked %eq3A_1960 : memref<256xf32, #tpu.memory_space<vmem>>[vector<16xi32>], vector<16xf32>, vector<16xi1>
      } else {
      }
      %dma_wait3A_1321 = arith.constant 0 : i32
      %dma_wait3A_1322 = tpu.memref_slice %arg2[%dma_wait3A_1321, %mul3A_0] : memref<4096x4096xf32, #tpu.memory_space<hbm>> -> memref<1x256xf32, #tpu.memory_space<hbm>>
      %dma_wait3A_1323 = tpu.memref_squeeze %dma_wait3A_1322 : memref<1x256xf32, #tpu.memory_space<hbm>> -> memref<256xf32, #tpu.memory_space<hbm>>
      %dma_wait3A_1324 = tpu.memref_slice %arg2[%dma_wait3A_1321, %mul3A_0] : memref<4096x4096xf32, #tpu.memory_space<hbm>> -> memref<1x256xf32, #tpu.memory_space<hbm>>
      %dma_wait3A_1325 = tpu.memref_squeeze %dma_wait3A_1324 : memref<1x256xf32, #tpu.memory_space<hbm>> -> memref<256xf32, #tpu.memory_space<hbm>>
      tpu.wait_dma2 semaphore(%arg12 : memref<!tpu.dma_semaphore, #tpu.memory_space<semaphore_mem>>) src(%dma_wait3A_1325 : memref<256xf32, #tpu.memory_space<hbm>>) dst(%arg5 : memref<256xf32, #tpu.memory_space<vmem>>)
      %ne3A_1326 = arith.cmpi ne, %reduce_min3A_1277, %scan3A_714 : i32
      %convert_element_type3A_1327 = arith.extui %ne3A_1326 : i1 to i32
      %cond3A_1328 = arith.constant 0 : i32
      %cond3A_1329 = arith.cmpi ne, %convert_element_type3A_1327, %cond3A_1328 : i32
      scf.if %cond3A_1329 {
        "tpu.region"() ({
          %run_scoped3A_1947 = tpu.sem_alloc : memref<!tpu.dma_semaphore, #tpu.memory_space<semaphore_mem>>
          %dma_start3A_1948 = tpu.memref_slice %arg2[%reduce_min3A_1277, %mul3A_0] : memref<4096x4096xf32, #tpu.memory_space<hbm>> -> memref<1x256xf32, #tpu.memory_space<hbm>>
          %dma_start3A_1949 = tpu.memref_squeeze %dma_start3A_1948 : memref<1x256xf32, #tpu.memory_space<hbm>> -> memref<256xf32, #tpu.memory_space<hbm>>
          %dma_start3A_1950 = tpu.memref_slice %arg2[%reduce_min3A_1277, %mul3A_0] : memref<4096x4096xf32, #tpu.memory_space<hbm>> -> memref<1x256xf32, #tpu.memory_space<hbm>>
          %dma_start3A_1951 = tpu.memref_squeeze %dma_start3A_1950 : memref<1x256xf32, #tpu.memory_space<hbm>> -> memref<256xf32, #tpu.memory_space<hbm>>
          tpu.enqueue_dma source(%dma_start3A_1951 : memref<256xf32, #tpu.memory_space<hbm>>) target(%arg5 : memref<256xf32, #tpu.memory_space<vmem>>) target_semaphore(%run_scoped3A_1947 : memref<!tpu.dma_semaphore, #tpu.memory_space<semaphore_mem>>)
          %dma_wait3A_1952 = tpu.memref_slice %arg2[%reduce_min3A_1277, %mul3A_0] : memref<4096x4096xf32, #tpu.memory_space<hbm>> -> memref<1x256xf32, #tpu.memory_space<hbm>>
          %dma_wait3A_1953 = tpu.memref_squeeze %dma_wait3A_1952 : memref<1x256xf32, #tpu.memory_space<hbm>> -> memref<256xf32, #tpu.memory_space<hbm>>
          %dma_wait3A_1954 = tpu.memref_slice %arg2[%reduce_min3A_1277, %mul3A_0] : memref<4096x4096xf32, #tpu.memory_space<hbm>> -> memref<1x256xf32, #tpu.memory_space<hbm>>
          %dma_wait3A_1955 = tpu.memref_squeeze %dma_wait3A_1954 : memref<1x256xf32, #tpu.memory_space<hbm>> -> memref<256xf32, #tpu.memory_space<hbm>>
          tpu.wait_dma2 semaphore(%run_scoped3A_1947 : memref<!tpu.dma_semaphore, #tpu.memory_space<semaphore_mem>>) src(%dma_wait3A_1955 : memref<256xf32, #tpu.memory_space<hbm>>) dst(%arg5 : memref<256xf32, #tpu.memory_space<vmem>>)
          tpu.yield
        }) : () -> ()
      } else {
      }
      %mul3A_1330 = arith.constant 2 : i32
      %mul3A_1331 = arith.muli %mul3A_1330, %scan3A_712 : i32
      %add3A_1332 = arith.constant 1 : i32
      %add3A_1333 = arith.addi %mul3A_1331, %add3A_1332 : i32
      %broadcast_in_dim3A_1334 = arith.constant 0x7F800000 : f32
      %broadcast_in_dim3A_1335 = vector.broadcast %broadcast_in_dim3A_1334 : f32 to vector<16xf32>
      %broadcast_in_dim3A_1336 = arith.constant 4096 : i32
      %broadcast_in_dim3A_1337 = vector.broadcast %broadcast_in_dim3A_1336 : i32 to vector<16xi32>
      %get3A_1338 = arith.constant 0 : index
      %get3A_1339 = tpu.vector_load %arg5[%get3A_1338] {strides = array<i32>} : memref<256xf32, #tpu.memory_space<vmem>>, vector<16xf32>,
      %get3A_1340 = arith.constant 0 : index
      %get3A_1341 = tpu.vector_load %arg6[%get3A_1340] {strides = array<i32>} : memref<256xf32, #tpu.memory_space<vmem>>, vector<16xf32>,
      %get3A_1342 = arith.constant 0 : index
      %get3A_1343 = tpu.vector_load %arg7[%get3A_1342] {strides = array<i32>} : memref<256xi32, #tpu.memory_space<vmem>>, vector<16xi32>,
      %lt3A_1344 = arith.cmpf olt, %get3A_1339, %get3A_1341 : vector<16xf32>
      %ge3A_1345 = arith.constant 0.000000e+00 : f32
      %ge3A_1346 = vector.broadcast %ge3A_1345 : f32 to vector<16xf32>
      %ge3A_1347 = arith.cmpf oge, %get3A_1341, %ge3A_1346 : vector<16xf32>
      %and3A_1348 = arith.andi %lt3A_1344, %ge3A_1347 : vector<16xi1>
      %select_n3A_1349 = arith.select %and3A_1348, %get3A_1339, %get3A_1341 : vector<16xi1>, vector<16xf32>
      %broadcast_in_dim3A_1350 = vector.broadcast %reduce_min3A_1277 : i32 to vector<16xi32>
      %select_n3A_1351 = arith.select %and3A_1348, %broadcast_in_dim3A_1350, %get3A_1343 : vector<16xi1>, vector<16xi32>
      %swap3A_1352 = arith.constant 0 : index
      %swap3A_1353 = tpu.vector_load %arg7[%swap3A_1352] {strides = array<i32>} : memref<256xi32, #tpu.memory_space<vmem>>, vector<16xi32>,
      tpu.vector_store %arg7[%swap3A_1352], %select_n3A_1351 {strides = array<i32>} : memref<256xi32, #tpu.memory_space<vmem>>, vector<16xi32>,
      %swap3A_1354 = arith.constant 0 : index
      %swap3A_1355 = tpu.vector_load %arg6[%swap3A_1354] {strides = array<i32>} : memref<256xf32, #tpu.memory_space<vmem>>, vector<16xf32>,
      tpu.vector_store %arg6[%swap3A_1354], %select_n3A_1349 {strides = array<i32>} : memref<256xf32, #tpu.memory_space<vmem>>, vector<16xf32>,
      %lt3A_1356 = arith.constant 0.000000e+00 : f32
      %lt3A_1357 = vector.broadcast %lt3A_1356 : f32 to vector<16xf32>
      %lt3A_1358 = arith.cmpf olt, %select_n3A_1349, %lt3A_1357 : vector<16xf32>
      %jit3A_1359 = arith.constant 0x7F800000 : f32
      %broadcast_in_dim3A_1360 = vector.broadcast %jit3A_1359 : f32 to vector<16xf32>
      %select_n3A_1361 = arith.select %lt3A_1358, %broadcast_in_dim3A_1360, %select_n3A_1349 : vector<16xi1>, vector<16xf32>
      %lt3A_1362 = arith.cmpf olt, %select_n3A_1361, %broadcast_in_dim3A_1335 : vector<16xf32>
      %select_n3A_1363 = arith.select %lt3A_1362, %select_n3A_1361, %broadcast_in_dim3A_1335 : vector<16xi1>, vector<16xf32>
      %add3A_1364 = arith.constant 0 : i32
      %add3A_1365 = arith.addi %mul3A_0, %add3A_1364 : i32
      %add3A_1366 = vector.broadcast %add3A_1365 : i32 to vector<16xi32>
      %add3A_1367 = arith.addi %add3A_1366, %iota3A : vector<16xi32>
      %select_n3A_1368 = arith.select %lt3A_1362, %add3A_1367, %broadcast_in_dim3A_1337 : vector<16xi1>, vector<16xi32>
      %get3A_1369 = arith.constant 16 : index
      %get3A_1370 = tpu.vector_load %arg5[%get3A_1369] {strides = array<i32>} : memref<256xf32, #tpu.memory_space<vmem>>, vector<16xf32>,
      %get3A_1371 = arith.constant 16 : index
      %get3A_1372 = tpu.vector_load %arg6[%get3A_1371] {strides = array<i32>} : memref<256xf32, #tpu.memory_space<vmem>>, vector<16xf32>,
      %get3A_1373 = arith.constant 16 : index
      %get3A_1374 = tpu.vector_load %arg7[%get3A_1373] {strides = array<i32>} : memref<256xi32, #tpu.memory_space<vmem>>, vector<16xi32>,
      %lt3A_1375 = arith.cmpf olt, %get3A_1370, %get3A_1372 : vector<16xf32>
      %ge3A_1376 = arith.constant 0.000000e+00 : f32
      %ge3A_1377 = vector.broadcast %ge3A_1376 : f32 to vector<16xf32>
      %ge3A_1378 = arith.cmpf oge, %get3A_1372, %ge3A_1377 : vector<16xf32>
      %and3A_1379 = arith.andi %lt3A_1375, %ge3A_1378 : vector<16xi1>
      %select_n3A_1380 = arith.select %and3A_1379, %get3A_1370, %get3A_1372 : vector<16xi1>, vector<16xf32>
      %broadcast_in_dim3A_1381 = vector.broadcast %reduce_min3A_1277 : i32 to vector<16xi32>
      %select_n3A_1382 = arith.select %and3A_1379, %broadcast_in_dim3A_1381, %get3A_1374 : vector<16xi1>, vector<16xi32>
      %swap3A_1383 = arith.constant 16 : index
      %swap3A_1384 = tpu.vector_load %arg7[%swap3A_1383] {strides = array<i32>} : memref<256xi32, #tpu.memory_space<vmem>>, vector<16xi32>,
      tpu.vector_store %arg7[%swap3A_1383], %select_n3A_1382 {strides = array<i32>} : memref<256xi32, #tpu.memory_space<vmem>>, vector<16xi32>,
      %swap3A_1385 = arith.constant 16 : index
      %swap3A_1386 = tpu.vector_load %arg6[%swap3A_1385] {strides = array<i32>} : memref<256xf32, #tpu.memory_space<vmem>>, vector<16xf32>,
      tpu.vector_store %arg6[%swap3A_1385], %select_n3A_1380 {strides = array<i32>} : memref<256xf32, #tpu.memory_space<vmem>>, vector<16xf32>,
      %lt3A_1387 = arith.constant 0.000000e+00 : f32
      %lt3A_1388 = vector.broadcast %lt3A_1387 : f32 to vector<16xf32>
      %lt3A_1389 = arith.cmpf olt, %select_n3A_1380, %lt3A_1388 : vector<16xf32>
      %jit3A_1390 = arith.constant 0x7F800000 : f32
      %broadcast_in_dim3A_1391 = vector.broadcast %jit3A_1390 : f32 to vector<16xf32>
      %select_n3A_1392 = arith.select %lt3A_1389, %broadcast_in_dim3A_1391, %select_n3A_1380 : vector<16xi1>, vector<16xf32>
      %lt3A_1393 = arith.cmpf olt, %select_n3A_1392, %select_n3A_1363 : vector<16xf32>
      %select_n3A_1394 = arith.select %lt3A_1393, %select_n3A_1392, %select_n3A_1363 : vector<16xi1>, vector<16xf32>
      %add3A_1395 = arith.constant 16 : i32
      %add3A_1396 = arith.addi %mul3A_0, %add3A_1395 : i32
      %add3A_1397 = vector.broadcast %add3A_1396 : i32 to vector<16xi32>
      %add3A_1398 = arith.addi %add3A_1397, %iota3A : vector<16xi32>
      %select_n3A_1399 = arith.select %lt3A_1393, %add3A_1398, %select_n3A_1368 : vector<16xi1>, vector<16xi32>
      %get3A_1400 = arith.constant 32 : index
      %get3A_1401 = tpu.vector_load %arg5[%get3A_1400] {strides = array<i32>} : memref<256xf32, #tpu.memory_space<vmem>>, vector<16xf32>,
      %get3A_1402 = arith.constant 32 : index
      %get3A_1403 = tpu.vector_load %arg6[%get3A_1402] {strides = array<i32>} : memref<256xf32, #tpu.memory_space<vmem>>, vector<16xf32>,
      %get3A_1404 = arith.constant 32 : index
      %get3A_1405 = tpu.vector_load %arg7[%get3A_1404] {strides = array<i32>} : memref<256xi32, #tpu.memory_space<vmem>>, vector<16xi32>,
      %lt3A_1406 = arith.cmpf olt, %get3A_1401, %get3A_1403 : vector<16xf32>
      %ge3A_1407 = arith.constant 0.000000e+00 : f32
      %ge3A_1408 = vector.broadcast %ge3A_1407 : f32 to vector<16xf32>
      %ge3A_1409 = arith.cmpf oge, %get3A_1403, %ge3A_1408 : vector<16xf32>
      %and3A_1410 = arith.andi %lt3A_1406, %ge3A_1409 : vector<16xi1>
      %select_n3A_1411 = arith.select %and3A_1410, %get3A_1401, %get3A_1403 : vector<16xi1>, vector<16xf32>
      %broadcast_in_dim3A_1412 = vector.broadcast %reduce_min3A_1277 : i32 to vector<16xi32>
      %select_n3A_1413 = arith.select %and3A_1410, %broadcast_in_dim3A_1412, %get3A_1405 : vector<16xi1>, vector<16xi32>
      %swap3A_1414 = arith.constant 32 : index
      %swap3A_1415 = tpu.vector_load %arg7[%swap3A_1414] {strides = array<i32>} : memref<256xi32, #tpu.memory_space<vmem>>, vector<16xi32>,
      tpu.vector_store %arg7[%swap3A_1414], %select_n3A_1413 {strides = array<i32>} : memref<256xi32, #tpu.memory_space<vmem>>, vector<16xi32>,
      %swap3A_1416 = arith.constant 32 : index
      %swap3A_1417 = tpu.vector_load %arg6[%swap3A_1416] {strides = array<i32>} : memref<256xf32, #tpu.memory_space<vmem>>, vector<16xf32>,
      tpu.vector_store %arg6[%swap3A_1416], %select_n3A_1411 {strides = array<i32>} : memref<256xf32, #tpu.memory_space<vmem>>, vector<16xf32>,
      %lt3A_1418 = arith.constant 0.000000e+00 : f32
      %lt3A_1419 = vector.broadcast %lt3A_1418 : f32 to vector<16xf32>
      %lt3A_1420 = arith.cmpf olt, %select_n3A_1411, %lt3A_1419 : vector<16xf32>
      %jit3A_1421 = arith.constant 0x7F800000 : f32
      %broadcast_in_dim3A_1422 = vector.broadcast %jit3A_1421 : f32 to vector<16xf32>
      %select_n3A_1423 = arith.select %lt3A_1420, %broadcast_in_dim3A_1422, %select_n3A_1411 : vector<16xi1>, vector<16xf32>
      %lt3A_1424 = arith.cmpf olt, %select_n3A_1423, %select_n3A_1394 : vector<16xf32>
      %select_n3A_1425 = arith.select %lt3A_1424, %select_n3A_1423, %select_n3A_1394 : vector<16xi1>, vector<16xf32>
      %add3A_1426 = arith.constant 32 : i32
      %add3A_1427 = arith.addi %mul3A_0, %add3A_1426 : i32
      %add3A_1428 = vector.broadcast %add3A_1427 : i32 to vector<16xi32>
      %add3A_1429 = arith.addi %add3A_1428, %iota3A : vector<16xi32>
      %select_n3A_1430 = arith.select %lt3A_1424, %add3A_1429, %select_n3A_1399 : vector<16xi1>, vector<16xi32>
      %get3A_1431 = arith.constant 48 : index
      %get3A_1432 = tpu.vector_load %arg5[%get3A_1431] {strides = array<i32>} : memref<256xf32, #tpu.memory_space<vmem>>, vector<16xf32>,
      %get3A_1433 = arith.constant 48 : index
      %get3A_1434 = tpu.vector_load %arg6[%get3A_1433] {strides = array<i32>} : memref<256xf32, #tpu.memory_space<vmem>>, vector<16xf32>,
      %get3A_1435 = arith.constant 48 : index
      %get3A_1436 = tpu.vector_load %arg7[%get3A_1435] {strides = array<i32>} : memref<256xi32, #tpu.memory_space<vmem>>, vector<16xi32>,
      %lt3A_1437 = arith.cmpf olt, %get3A_1432, %get3A_1434 : vector<16xf32>
      %ge3A_1438 = arith.constant 0.000000e+00 : f32
      %ge3A_1439 = vector.broadcast %ge3A_1438 : f32 to vector<16xf32>
      %ge3A_1440 = arith.cmpf oge, %get3A_1434, %ge3A_1439 : vector<16xf32>
      %and3A_1441 = arith.andi %lt3A_1437, %ge3A_1440 : vector<16xi1>
      %select_n3A_1442 = arith.select %and3A_1441, %get3A_1432, %get3A_1434 : vector<16xi1>, vector<16xf32>
      %broadcast_in_dim3A_1443 = vector.broadcast %reduce_min3A_1277 : i32 to vector<16xi32>
      %select_n3A_1444 = arith.select %and3A_1441, %broadcast_in_dim3A_1443, %get3A_1436 : vector<16xi1>, vector<16xi32>
      %swap3A_1445 = arith.constant 48 : index
      %swap3A_1446 = tpu.vector_load %arg7[%swap3A_1445] {strides = array<i32>} : memref<256xi32, #tpu.memory_space<vmem>>, vector<16xi32>,
      tpu.vector_store %arg7[%swap3A_1445], %select_n3A_1444 {strides = array<i32>} : memref<256xi32, #tpu.memory_space<vmem>>, vector<16xi32>,
      %swap3A_1447 = arith.constant 48 : index
      %swap3A_1448 = tpu.vector_load %arg6[%swap3A_1447] {strides = array<i32>} : memref<256xf32, #tpu.memory_space<vmem>>, vector<16xf32>,
      tpu.vector_store %arg6[%swap3A_1447], %select_n3A_1442 {strides = array<i32>} : memref<256xf32, #tpu.memory_space<vmem>>, vector<16xf32>,
      %lt3A_1449 = arith.constant 0.000000e+00 : f32
      %lt3A_1450 = vector.broadcast %lt3A_1449 : f32 to vector<16xf32>
      %lt3A_1451 = arith.cmpf olt, %select_n3A_1442, %lt3A_1450 : vector<16xf32>
      %jit3A_1452 = arith.constant 0x7F800000 : f32
      %broadcast_in_dim3A_1453 = vector.broadcast %jit3A_1452 : f32 to vector<16xf32>
      %select_n3A_1454 = arith.select %lt3A_1451, %broadcast_in_dim3A_1453, %select_n3A_1442 : vector<16xi1>, vector<16xf32>
      %lt3A_1455 = arith.cmpf olt, %select_n3A_1454, %select_n3A_1425 : vector<16xf32>
      %select_n3A_1456 = arith.select %lt3A_1455, %select_n3A_1454, %select_n3A_1425 : vector<16xi1>, vector<16xf32>
      %add3A_1457 = arith.constant 48 : i32
      %add3A_1458 = arith.addi %mul3A_0, %add3A_1457 : i32
      %add3A_1459 = vector.broadcast %add3A_1458 : i32 to vector<16xi32>
      %add3A_1460 = arith.addi %add3A_1459, %iota3A : vector<16xi32>
      %select_n3A_1461 = arith.select %lt3A_1455, %add3A_1460, %select_n3A_1430 : vector<16xi1>, vector<16xi32>
      %get3A_1462 = arith.constant 64 : index
      %get3A_1463 = tpu.vector_load %arg5[%get3A_1462] {strides = array<i32>} : memref<256xf32, #tpu.memory_space<vmem>>, vector<16xf32>,
      %get3A_1464 = arith.constant 64 : index
      %get3A_1465 = tpu.vector_load %arg6[%get3A_1464] {strides = array<i32>} : memref<256xf32, #tpu.memory_space<vmem>>, vector<16xf32>,
      %get3A_1466 = arith.constant 64 : index
      %get3A_1467 = tpu.vector_load %arg7[%get3A_1466] {strides = array<i32>} : memref<256xi32, #tpu.memory_space<vmem>>, vector<16xi32>,
      %lt3A_1468 = arith.cmpf olt, %get3A_1463, %get3A_1465 : vector<16xf32>
      %ge3A_1469 = arith.constant 0.000000e+00 : f32
      %ge3A_1470 = vector.broadcast %ge3A_1469 : f32 to vector<16xf32>
      %ge3A_1471 = arith.cmpf oge, %get3A_1465, %ge3A_1470 : vector<16xf32>
      %and3A_1472 = arith.andi %lt3A_1468, %ge3A_1471 : vector<16xi1>
      %select_n3A_1473 = arith.select %and3A_1472, %get3A_1463, %get3A_1465 : vector<16xi1>, vector<16xf32>
      %broadcast_in_dim3A_1474 = vector.broadcast %reduce_min3A_1277 : i32 to vector<16xi32>
      %select_n3A_1475 = arith.select %and3A_1472, %broadcast_in_dim3A_1474, %get3A_1467 : vector<16xi1>, vector<16xi32>
      %swap3A_1476 = arith.constant 64 : index
      %swap3A_1477 = tpu.vector_load %arg7[%swap3A_1476] {strides = array<i32>} : memref<256xi32, #tpu.memory_space<vmem>>, vector<16xi32>,
      tpu.vector_store %arg7[%swap3A_1476], %select_n3A_1475 {strides = array<i32>} : memref<256xi32, #tpu.memory_space<vmem>>, vector<16xi32>,
      %swap3A_1478 = arith.constant 64 : index
      %swap3A_1479 = tpu.vector_load %arg6[%swap3A_1478] {strides = array<i32>} : memref<256xf32, #tpu.memory_space<vmem>>, vector<16xf32>,
      tpu.vector_store %arg6[%swap3A_1478], %select_n3A_1473 {strides = array<i32>} : memref<256xf32, #tpu.memory_space<vmem>>, vector<16xf32>,
      %lt3A_1480 = arith.constant 0.000000e+00 : f32
      %lt3A_1481 = vector.broadcast %lt3A_1480 : f32 to vector<16xf32>
      %lt3A_1482 = arith.cmpf olt, %select_n3A_1473, %lt3A_1481 : vector<16xf32>
      %jit3A_1483 = arith.constant 0x7F800000 : f32
      %broadcast_in_dim3A_1484 = vector.broadcast %jit3A_1483 : f32 to vector<16xf32>
      %select_n3A_1485 = arith.select %lt3A_1482, %broadcast_in_dim3A_1484, %select_n3A_1473 : vector<16xi1>, vector<16xf32>
      %lt3A_1486 = arith.cmpf olt, %select_n3A_1485, %select_n3A_1456 : vector<16xf32>
      %select_n3A_1487 = arith.select %lt3A_1486, %select_n3A_1485, %select_n3A_1456 : vector<16xi1>, vector<16xf32>
      %add3A_1488 = arith.constant 64 : i32
      %add3A_1489 = arith.addi %mul3A_0, %add3A_1488 : i32
      %add3A_1490 = vector.broadcast %add3A_1489 : i32 to vector<16xi32>
      %add3A_1491 = arith.addi %add3A_1490, %iota3A : vector<16xi32>
      %select_n3A_1492 = arith.select %lt3A_1486, %add3A_1491, %select_n3A_1461 : vector<16xi1>, vector<16xi32>
      %get3A_1493 = arith.constant 80 : index
      %get3A_1494 = tpu.vector_load %arg5[%get3A_1493] {strides = array<i32>} : memref<256xf32, #tpu.memory_space<vmem>>, vector<16xf32>,
      %get3A_1495 = arith.constant 80 : index
      %get3A_1496 = tpu.vector_load %arg6[%get3A_1495] {strides = array<i32>} : memref<256xf32, #tpu.memory_space<vmem>>, vector<16xf32>,
      %get3A_1497 = arith.constant 80 : index
      %get3A_1498 = tpu.vector_load %arg7[%get3A_1497] {strides = array<i32>} : memref<256xi32, #tpu.memory_space<vmem>>, vector<16xi32>,
      %lt3A_1499 = arith.cmpf olt, %get3A_1494, %get3A_1496 : vector<16xf32>
      %ge3A_1500 = arith.constant 0.000000e+00 : f32
      %ge3A_1501 = vector.broadcast %ge3A_1500 : f32 to vector<16xf32>
      %ge3A_1502 = arith.cmpf oge, %get3A_1496, %ge3A_1501 : vector<16xf32>
      %and3A_1503 = arith.andi %lt3A_1499, %ge3A_1502 : vector<16xi1>
      %select_n3A_1504 = arith.select %and3A_1503, %get3A_1494, %get3A_1496 : vector<16xi1>, vector<16xf32>
      %broadcast_in_dim3A_1505 = vector.broadcast %reduce_min3A_1277 : i32 to vector<16xi32>
      %select_n3A_1506 = arith.select %and3A_1503, %broadcast_in_dim3A_1505, %get3A_1498 : vector<16xi1>, vector<16xi32>
      %swap3A_1507 = arith.constant 80 : index
      %swap3A_1508 = tpu.vector_load %arg7[%swap3A_1507] {strides = array<i32>} : memref<256xi32, #tpu.memory_space<vmem>>, vector<16xi32>,
      tpu.vector_store %arg7[%swap3A_1507], %select_n3A_1506 {strides = array<i32>} : memref<256xi32, #tpu.memory_space<vmem>>, vector<16xi32>,
      %swap3A_1509 = arith.constant 80 : index
      %swap3A_1510 = tpu.vector_load %arg6[%swap3A_1509] {strides = array<i32>} : memref<256xf32, #tpu.memory_space<vmem>>, vector<16xf32>,
      tpu.vector_store %arg6[%swap3A_1509], %select_n3A_1504 {strides = array<i32>} : memref<256xf32, #tpu.memory_space<vmem>>, vector<16xf32>,
      %lt3A_1511 = arith.constant 0.000000e+00 : f32
      %lt3A_1512 = vector.broadcast %lt3A_1511 : f32 to vector<16xf32>
      %lt3A_1513 = arith.cmpf olt, %select_n3A_1504, %lt3A_1512 : vector<16xf32>
      %jit3A_1514 = arith.constant 0x7F800000 : f32
      %broadcast_in_dim3A_1515 = vector.broadcast %jit3A_1514 : f32 to vector<16xf32>
      %select_n3A_1516 = arith.select %lt3A_1513, %broadcast_in_dim3A_1515, %select_n3A_1504 : vector<16xi1>, vector<16xf32>
      %lt3A_1517 = arith.cmpf olt, %select_n3A_1516, %select_n3A_1487 : vector<16xf32>
      %select_n3A_1518 = arith.select %lt3A_1517, %select_n3A_1516, %select_n3A_1487 : vector<16xi1>, vector<16xf32>
      %add3A_1519 = arith.constant 80 : i32
      %add3A_1520 = arith.addi %mul3A_0, %add3A_1519 : i32
      %add3A_1521 = vector.broadcast %add3A_1520 : i32 to vector<16xi32>
      %add3A_1522 = arith.addi %add3A_1521, %iota3A : vector<16xi32>
      %select_n3A_1523 = arith.select %lt3A_1517, %add3A_1522, %select_n3A_1492 : vector<16xi1>, vector<16xi32>
      %get3A_1524 = arith.constant 96 : index
      %get3A_1525 = tpu.vector_load %arg5[%get3A_1524] {strides = array<i32>} : memref<256xf32, #tpu.memory_space<vmem>>, vector<16xf32>,
      %get3A_1526 = arith.constant 96 : index
      %get3A_1527 = tpu.vector_load %arg6[%get3A_1526] {strides = array<i32>} : memref<256xf32, #tpu.memory_space<vmem>>, vector<16xf32>,
      %get3A_1528 = arith.constant 96 : index
      %get3A_1529 = tpu.vector_load %arg7[%get3A_1528] {strides = array<i32>} : memref<256xi32, #tpu.memory_space<vmem>>, vector<16xi32>,
      %lt3A_1530 = arith.cmpf olt, %get3A_1525, %get3A_1527 : vector<16xf32>
      %ge3A_1531 = arith.constant 0.000000e+00 : f32
      %ge3A_1532 = vector.broadcast %ge3A_1531 : f32 to vector<16xf32>
      %ge3A_1533 = arith.cmpf oge, %get3A_1527, %ge3A_1532 : vector<16xf32>
      %and3A_1534 = arith.andi %lt3A_1530, %ge3A_1533 : vector<16xi1>
      %select_n3A_1535 = arith.select %and3A_1534, %get3A_1525, %get3A_1527 : vector<16xi1>, vector<16xf32>
      %broadcast_in_dim3A_1536 = vector.broadcast %reduce_min3A_1277 : i32 to vector<16xi32>
      %select_n3A_1537 = arith.select %and3A_1534, %broadcast_in_dim3A_1536, %get3A_1529 : vector<16xi1>, vector<16xi32>
      %swap3A_1538 = arith.constant 96 : index
      %swap3A_1539 = tpu.vector_load %arg7[%swap3A_1538] {strides = array<i32>} : memref<256xi32, #tpu.memory_space<vmem>>, vector<16xi32>,
      tpu.vector_store %arg7[%swap3A_1538], %select_n3A_1537 {strides = array<i32>} : memref<256xi32, #tpu.memory_space<vmem>>, vector<16xi32>,
      %swap3A_1540 = arith.constant 96 : index
      %swap3A_1541 = tpu.vector_load %arg6[%swap3A_1540] {strides = array<i32>} : memref<256xf32, #tpu.memory_space<vmem>>, vector<16xf32>,
      tpu.vector_store %arg6[%swap3A_1540], %select_n3A_1535 {strides = array<i32>} : memref<256xf32, #tpu.memory_space<vmem>>, vector<16xf32>,
      %lt3A_1542 = arith.constant 0.000000e+00 : f32
      %lt3A_1543 = vector.broadcast %lt3A_1542 : f32 to vector<16xf32>
      %lt3A_1544 = arith.cmpf olt, %select_n3A_1535, %lt3A_1543 : vector<16xf32>
      %jit3A_1545 = arith.constant 0x7F800000 : f32
      %broadcast_in_dim3A_1546 = vector.broadcast %jit3A_1545 : f32 to vector<16xf32>
      %select_n3A_1547 = arith.select %lt3A_1544, %broadcast_in_dim3A_1546, %select_n3A_1535 : vector<16xi1>, vector<16xf32>
      %lt3A_1548 = arith.cmpf olt, %select_n3A_1547, %select_n3A_1518 : vector<16xf32>
      %select_n3A_1549 = arith.select %lt3A_1548, %select_n3A_1547, %select_n3A_1518 : vector<16xi1>, vector<16xf32>
      %add3A_1550 = arith.constant 96 : i32
      %add3A_1551 = arith.addi %mul3A_0, %add3A_1550 : i32
      %add3A_1552 = vector.broadcast %add3A_1551 : i32 to vector<16xi32>
      %add3A_1553 = arith.addi %add3A_1552, %iota3A : vector<16xi32>
      %select_n3A_1554 = arith.select %lt3A_1548, %add3A_1553, %select_n3A_1523 : vector<16xi1>, vector<16xi32>
      %get3A_1555 = arith.constant 112 : index
      %get3A_1556 = tpu.vector_load %arg5[%get3A_1555] {strides = array<i32>} : memref<256xf32, #tpu.memory_space<vmem>>, vector<16xf32>,
      %get3A_1557 = arith.constant 112 : index
      %get3A_1558 = tpu.vector_load %arg6[%get3A_1557] {strides = array<i32>} : memref<256xf32, #tpu.memory_space<vmem>>, vector<16xf32>,
      %get3A_1559 = arith.constant 112 : index
      %get3A_1560 = tpu.vector_load %arg7[%get3A_1559] {strides = array<i32>} : memref<256xi32, #tpu.memory_space<vmem>>, vector<16xi32>,
      %lt3A_1561 = arith.cmpf olt, %get3A_1556, %get3A_1558 : vector<16xf32>
      %ge3A_1562 = arith.constant 0.000000e+00 : f32
      %ge3A_1563 = vector.broadcast %ge3A_1562 : f32 to vector<16xf32>
      %ge3A_1564 = arith.cmpf oge, %get3A_1558, %ge3A_1563 : vector<16xf32>
      %and3A_1565 = arith.andi %lt3A_1561, %ge3A_1564 : vector<16xi1>
      %select_n3A_1566 = arith.select %and3A_1565, %get3A_1556, %get3A_1558 : vector<16xi1>, vector<16xf32>
      %broadcast_in_dim3A_1567 = vector.broadcast %reduce_min3A_1277 : i32 to vector<16xi32>
      %select_n3A_1568 = arith.select %and3A_1565, %broadcast_in_dim3A_1567, %get3A_1560 : vector<16xi1>, vector<16xi32>
      %swap3A_1569 = arith.constant 112 : index
      %swap3A_1570 = tpu.vector_load %arg7[%swap3A_1569] {strides = array<i32>} : memref<256xi32, #tpu.memory_space<vmem>>, vector<16xi32>,
      tpu.vector_store %arg7[%swap3A_1569], %select_n3A_1568 {strides = array<i32>} : memref<256xi32, #tpu.memory_space<vmem>>, vector<16xi32>,
      %swap3A_1571 = arith.constant 112 : index
      %swap3A_1572 = tpu.vector_load %arg6[%swap3A_1571] {strides = array<i32>} : memref<256xf32, #tpu.memory_space<vmem>>, vector<16xf32>,
      tpu.vector_store %arg6[%swap3A_1571], %select_n3A_1566 {strides = array<i32>} : memref<256xf32, #tpu.memory_space<vmem>>, vector<16xf32>,
      %lt3A_1573 = arith.constant 0.000000e+00 : f32
      %lt3A_1574 = vector.broadcast %lt3A_1573 : f32 to vector<16xf32>
      %lt3A_1575 = arith.cmpf olt, %select_n3A_1566, %lt3A_1574 : vector<16xf32>
      %jit3A_1576 = arith.constant 0x7F800000 : f32
      %broadcast_in_dim3A_1577 = vector.broadcast %jit3A_1576 : f32 to vector<16xf32>
      %select_n3A_1578 = arith.select %lt3A_1575, %broadcast_in_dim3A_1577, %select_n3A_1566 : vector<16xi1>, vector<16xf32>
      %lt3A_1579 = arith.cmpf olt, %select_n3A_1578, %select_n3A_1549 : vector<16xf32>
      %select_n3A_1580 = arith.select %lt3A_1579, %select_n3A_1578, %select_n3A_1549 : vector<16xi1>, vector<16xf32>
      %add3A_1581 = arith.constant 112 : i32
      %add3A_1582 = arith.addi %mul3A_0, %add3A_1581 : i32
      %add3A_1583 = vector.broadcast %add3A_1582 : i32 to vector<16xi32>
      %add3A_1584 = arith.addi %add3A_1583, %iota3A : vector<16xi32>
      %select_n3A_1585 = arith.select %lt3A_1579, %add3A_1584, %select_n3A_1554 : vector<16xi1>, vector<16xi32>
      %get3A_1586 = arith.constant 128 : index
      %get3A_1587 = tpu.vector_load %arg5[%get3A_1586] {strides = array<i32>} : memref<256xf32, #tpu.memory_space<vmem>>, vector<16xf32>,
      %get3A_1588 = arith.constant 128 : index
      %get3A_1589 = tpu.vector_load %arg6[%get3A_1588] {strides = array<i32>} : memref<256xf32, #tpu.memory_space<vmem>>, vector<16xf32>,
      %get3A_1590 = arith.constant 128 : index
      %get3A_1591 = tpu.vector_load %arg7[%get3A_1590] {strides = array<i32>} : memref<256xi32, #tpu.memory_space<vmem>>, vector<16xi32>,
      %lt3A_1592 = arith.cmpf olt, %get3A_1587, %get3A_1589 : vector<16xf32>
      %ge3A_1593 = arith.constant 0.000000e+00 : f32
      %ge3A_1594 = vector.broadcast %ge3A_1593 : f32 to vector<16xf32>
      %ge3A_1595 = arith.cmpf oge, %get3A_1589, %ge3A_1594 : vector<16xf32>
      %and3A_1596 = arith.andi %lt3A_1592, %ge3A_1595 : vector<16xi1>
      %select_n3A_1597 = arith.select %and3A_1596, %get3A_1587, %get3A_1589 : vector<16xi1>, vector<16xf32>
      %broadcast_in_dim3A_1598 = vector.broadcast %reduce_min3A_1277 : i32 to vector<16xi32>
      %select_n3A_1599 = arith.select %and3A_1596, %broadcast_in_dim3A_1598, %get3A_1591 : vector<16xi1>, vector<16xi32>
      %swap3A_1600 = arith.constant 128 : index
      %swap3A_1601 = tpu.vector_load %arg7[%swap3A_1600] {strides = array<i32>} : memref<256xi32, #tpu.memory_space<vmem>>, vector<16xi32>,
      tpu.vector_store %arg7[%swap3A_1600], %select_n3A_1599 {strides = array<i32>} : memref<256xi32, #tpu.memory_space<vmem>>, vector<16xi32>,
      %swap3A_1602 = arith.constant 128 : index
      %swap3A_1603 = tpu.vector_load %arg6[%swap3A_1602] {strides = array<i32>} : memref<256xf32, #tpu.memory_space<vmem>>, vector<16xf32>,
      tpu.vector_store %arg6[%swap3A_1602], %select_n3A_1597 {strides = array<i32>} : memref<256xf32, #tpu.memory_space<vmem>>, vector<16xf32>,
      %lt3A_1604 = arith.constant 0.000000e+00 : f32
      %lt3A_1605 = vector.broadcast %lt3A_1604 : f32 to vector<16xf32>
      %lt3A_1606 = arith.cmpf olt, %select_n3A_1597, %lt3A_1605 : vector<16xf32>
      %jit3A_1607 = arith.constant 0x7F800000 : f32
      %broadcast_in_dim3A_1608 = vector.broadcast %jit3A_1607 : f32 to vector<16xf32>
      %select_n3A_1609 = arith.select %lt3A_1606, %broadcast_in_dim3A_1608, %select_n3A_1597 : vector<16xi1>, vector<16xf32>
      %lt3A_1610 = arith.cmpf olt, %select_n3A_1609, %select_n3A_1580 : vector<16xf32>
      %select_n3A_1611 = arith.select %lt3A_1610, %select_n3A_1609, %select_n3A_1580 : vector<16xi1>, vector<16xf32>
      %add3A_1612 = arith.constant 128 : i32
      %add3A_1613 = arith.addi %mul3A_0, %add3A_1612 : i32
      %add3A_1614 = vector.broadcast %add3A_1613 : i32 to vector<16xi32>
      %add3A_1615 = arith.addi %add3A_1614, %iota3A : vector<16xi32>
      %select_n3A_1616 = arith.select %lt3A_1610, %add3A_1615, %select_n3A_1585 : vector<16xi1>, vector<16xi32>
      %get3A_1617 = arith.constant 144 : index
      %get3A_1618 = tpu.vector_load %arg5[%get3A_1617] {strides = array<i32>} : memref<256xf32, #tpu.memory_space<vmem>>, vector<16xf32>,
      %get3A_1619 = arith.constant 144 : index
      %get3A_1620 = tpu.vector_load %arg6[%get3A_1619] {strides = array<i32>} : memref<256xf32, #tpu.memory_space<vmem>>, vector<16xf32>,
      %get3A_1621 = arith.constant 144 : index
      %get3A_1622 = tpu.vector_load %arg7[%get3A_1621] {strides = array<i32>} : memref<256xi32, #tpu.memory_space<vmem>>, vector<16xi32>,
      %lt3A_1623 = arith.cmpf olt, %get3A_1618, %get3A_1620 : vector<16xf32>
      %ge3A_1624 = arith.constant 0.000000e+00 : f32
      %ge3A_1625 = vector.broadcast %ge3A_1624 : f32 to vector<16xf32>
      %ge3A_1626 = arith.cmpf oge, %get3A_1620, %ge3A_1625 : vector<16xf32>
      %and3A_1627 = arith.andi %lt3A_1623, %ge3A_1626 : vector<16xi1>
      %select_n3A_1628 = arith.select %and3A_1627, %get3A_1618, %get3A_1620 : vector<16xi1>, vector<16xf32>
      %broadcast_in_dim3A_1629 = vector.broadcast %reduce_min3A_1277 : i32 to vector<16xi32>
      %select_n3A_1630 = arith.select %and3A_1627, %broadcast_in_dim3A_1629, %get3A_1622 : vector<16xi1>, vector<16xi32>
      %swap3A_1631 = arith.constant 144 : index
      %swap3A_1632 = tpu.vector_load %arg7[%swap3A_1631] {strides = array<i32>} : memref<256xi32, #tpu.memory_space<vmem>>, vector<16xi32>,
      tpu.vector_store %arg7[%swap3A_1631], %select_n3A_1630 {strides = array<i32>} : memref<256xi32, #tpu.memory_space<vmem>>, vector<16xi32>,
      %swap3A_1633 = arith.constant 144 : index
      %swap3A_1634 = tpu.vector_load %arg6[%swap3A_1633] {strides = array<i32>} : memref<256xf32, #tpu.memory_space<vmem>>, vector<16xf32>,
      tpu.vector_store %arg6[%swap3A_1633], %select_n3A_1628 {strides = array<i32>} : memref<256xf32, #tpu.memory_space<vmem>>, vector<16xf32>,
      %lt3A_1635 = arith.constant 0.000000e+00 : f32
      %lt3A_1636 = vector.broadcast %lt3A_1635 : f32 to vector<16xf32>
      %lt3A_1637 = arith.cmpf olt, %select_n3A_1628, %lt3A_1636 : vector<16xf32>
      %jit3A_1638 = arith.constant 0x7F800000 : f32
      %broadcast_in_dim3A_1639 = vector.broadcast %jit3A_1638 : f32 to vector<16xf32>
      %select_n3A_1640 = arith.select %lt3A_1637, %broadcast_in_dim3A_1639, %select_n3A_1628 : vector<16xi1>, vector<16xf32>
      %lt3A_1641 = arith.cmpf olt, %select_n3A_1640, %select_n3A_1611 : vector<16xf32>
      %select_n3A_1642 = arith.select %lt3A_1641, %select_n3A_1640, %select_n3A_1611 : vector<16xi1>, vector<16xf32>
      %add3A_1643 = arith.constant 144 : i32
      %add3A_1644 = arith.addi %mul3A_0, %add3A_1643 : i32
      %add3A_1645 = vector.broadcast %add3A_1644 : i32 to vector<16xi32>
      %add3A_1646 = arith.addi %add3A_1645, %iota3A : vector<16xi32>
      %select_n3A_1647 = arith.select %lt3A_1641, %add3A_1646, %select_n3A_1616 : vector<16xi1>, vector<16xi32>
      %get3A_1648 = arith.constant 160 : index
      %get3A_1649 = tpu.vector_load %arg5[%get3A_1648] {strides = array<i32>} : memref<256xf32, #tpu.memory_space<vmem>>, vector<16xf32>,
      %get3A_1650 = arith.constant 160 : index
      %get3A_1651 = tpu.vector_load %arg6[%get3A_1650] {strides = array<i32>} : memref<256xf32, #tpu.memory_space<vmem>>, vector<16xf32>,
      %get3A_1652 = arith.constant 160 : index
      %get3A_1653 = tpu.vector_load %arg7[%get3A_1652] {strides = array<i32>} : memref<256xi32, #tpu.memory_space<vmem>>, vector<16xi32>,
      %lt3A_1654 = arith.cmpf olt, %get3A_1649, %get3A_1651 : vector<16xf32>
      %ge3A_1655 = arith.constant 0.000000e+00 : f32
      %ge3A_1656 = vector.broadcast %ge3A_1655 : f32 to vector<16xf32>
      %ge3A_1657 = arith.cmpf oge, %get3A_1651, %ge3A_1656 : vector<16xf32>
      %and3A_1658 = arith.andi %lt3A_1654, %ge3A_1657 : vector<16xi1>
      %select_n3A_1659 = arith.select %and3A_1658, %get3A_1649, %get3A_1651 : vector<16xi1>, vector<16xf32>
      %broadcast_in_dim3A_1660 = vector.broadcast %reduce_min3A_1277 : i32 to vector<16xi32>
      %select_n3A_1661 = arith.select %and3A_1658, %broadcast_in_dim3A_1660, %get3A_1653 : vector<16xi1>, vector<16xi32>
      %swap3A_1662 = arith.constant 160 : index
      %swap3A_1663 = tpu.vector_load %arg7[%swap3A_1662] {strides = array<i32>} : memref<256xi32, #tpu.memory_space<vmem>>, vector<16xi32>,
      tpu.vector_store %arg7[%swap3A_1662], %select_n3A_1661 {strides = array<i32>} : memref<256xi32, #tpu.memory_space<vmem>>, vector<16xi32>,
      %swap3A_1664 = arith.constant 160 : index
      %swap3A_1665 = tpu.vector_load %arg6[%swap3A_1664] {strides = array<i32>} : memref<256xf32, #tpu.memory_space<vmem>>, vector<16xf32>,
      tpu.vector_store %arg6[%swap3A_1664], %select_n3A_1659 {strides = array<i32>} : memref<256xf32, #tpu.memory_space<vmem>>, vector<16xf32>,
      %lt3A_1666 = arith.constant 0.000000e+00 : f32
      %lt3A_1667 = vector.broadcast %lt3A_1666 : f32 to vector<16xf32>
      %lt3A_1668 = arith.cmpf olt, %select_n3A_1659, %lt3A_1667 : vector<16xf32>
      %jit3A_1669 = arith.constant 0x7F800000 : f32
      %broadcast_in_dim3A_1670 = vector.broadcast %jit3A_1669 : f32 to vector<16xf32>
      %select_n3A_1671 = arith.select %lt3A_1668, %broadcast_in_dim3A_1670, %select_n3A_1659 : vector<16xi1>, vector<16xf32>
      %lt3A_1672 = arith.cmpf olt, %select_n3A_1671, %select_n3A_1642 : vector<16xf32>
      %select_n3A_1673 = arith.select %lt3A_1672, %select_n3A_1671, %select_n3A_1642 : vector<16xi1>, vector<16xf32>
      %add3A_1674 = arith.constant 160 : i32
      %add3A_1675 = arith.addi %mul3A_0, %add3A_1674 : i32
      %add3A_1676 = vector.broadcast %add3A_1675 : i32 to vector<16xi32>
      %add3A_1677 = arith.addi %add3A_1676, %iota3A : vector<16xi32>
      %select_n3A_1678 = arith.select %lt3A_1672, %add3A_1677, %select_n3A_1647 : vector<16xi1>, vector<16xi32>
      %get3A_1679 = arith.constant 176 : index
      %get3A_1680 = tpu.vector_load %arg5[%get3A_1679] {strides = array<i32>} : memref<256xf32, #tpu.memory_space<vmem>>, vector<16xf32>,
      %get3A_1681 = arith.constant 176 : index
      %get3A_1682 = tpu.vector_load %arg6[%get3A_1681] {strides = array<i32>} : memref<256xf32, #tpu.memory_space<vmem>>, vector<16xf32>,
      %get3A_1683 = arith.constant 176 : index
      %get3A_1684 = tpu.vector_load %arg7[%get3A_1683] {strides = array<i32>} : memref<256xi32, #tpu.memory_space<vmem>>, vector<16xi32>,
      %lt3A_1685 = arith.cmpf olt, %get3A_1680, %get3A_1682 : vector<16xf32>
      %ge3A_1686 = arith.constant 0.000000e+00 : f32
      %ge3A_1687 = vector.broadcast %ge3A_1686 : f32 to vector<16xf32>
      %ge3A_1688 = arith.cmpf oge, %get3A_1682, %ge3A_1687 : vector<16xf32>
      %and3A_1689 = arith.andi %lt3A_1685, %ge3A_1688 : vector<16xi1>
      %select_n3A_1690 = arith.select %and3A_1689, %get3A_1680, %get3A_1682 : vector<16xi1>, vector<16xf32>
      %broadcast_in_dim3A_1691 = vector.broadcast %reduce_min3A_1277 : i32 to vector<16xi32>
      %select_n3A_1692 = arith.select %and3A_1689, %broadcast_in_dim3A_1691, %get3A_1684 : vector<16xi1>, vector<16xi32>
      %swap3A_1693 = arith.constant 176 : index
      %swap3A_1694 = tpu.vector_load %arg7[%swap3A_1693] {strides = array<i32>} : memref<256xi32, #tpu.memory_space<vmem>>, vector<16xi32>,
      tpu.vector_store %arg7[%swap3A_1693], %select_n3A_1692 {strides = array<i32>} : memref<256xi32, #tpu.memory_space<vmem>>, vector<16xi32>,
      %swap3A_1695 = arith.constant 176 : index
      %swap3A_1696 = tpu.vector_load %arg6[%swap3A_1695] {strides = array<i32>} : memref<256xf32, #tpu.memory_space<vmem>>, vector<16xf32>,
      tpu.vector_store %arg6[%swap3A_1695], %select_n3A_1690 {strides = array<i32>} : memref<256xf32, #tpu.memory_space<vmem>>, vector<16xf32>,
      %lt3A_1697 = arith.constant 0.000000e+00 : f32
      %lt3A_1698 = vector.broadcast %lt3A_1697 : f32 to vector<16xf32>
      %lt3A_1699 = arith.cmpf olt, %select_n3A_1690, %lt3A_1698 : vector<16xf32>
      %jit3A_1700 = arith.constant 0x7F800000 : f32
      %broadcast_in_dim3A_1701 = vector.broadcast %jit3A_1700 : f32 to vector<16xf32>
      %select_n3A_1702 = arith.select %lt3A_1699, %broadcast_in_dim3A_1701, %select_n3A_1690 : vector<16xi1>, vector<16xf32>
      %lt3A_1703 = arith.cmpf olt, %select_n3A_1702, %select_n3A_1673 : vector<16xf32>
      %select_n3A_1704 = arith.select %lt3A_1703, %select_n3A_1702, %select_n3A_1673 : vector<16xi1>, vector<16xf32>
      %add3A_1705 = arith.constant 176 : i32
      %add3A_1706 = arith.addi %mul3A_0, %add3A_1705 : i32
      %add3A_1707 = vector.broadcast %add3A_1706 : i32 to vector<16xi32>
      %add3A_1708 = arith.addi %add3A_1707, %iota3A : vector<16xi32>
      %select_n3A_1709 = arith.select %lt3A_1703, %add3A_1708, %select_n3A_1678 : vector<16xi1>, vector<16xi32>
      %get3A_1710 = arith.constant 192 : index
      %get3A_1711 = tpu.vector_load %arg5[%get3A_1710] {strides = array<i32>} : memref<256xf32, #tpu.memory_space<vmem>>, vector<16xf32>,
      %get3A_1712 = arith.constant 192 : index
      %get3A_1713 = tpu.vector_load %arg6[%get3A_1712] {strides = array<i32>} : memref<256xf32, #tpu.memory_space<vmem>>, vector<16xf32>,
      %get3A_1714 = arith.constant 192 : index
      %get3A_1715 = tpu.vector_load %arg7[%get3A_1714] {strides = array<i32>} : memref<256xi32, #tpu.memory_space<vmem>>, vector<16xi32>,
      %lt3A_1716 = arith.cmpf olt, %get3A_1711, %get3A_1713 : vector<16xf32>
      %ge3A_1717 = arith.constant 0.000000e+00 : f32
      %ge3A_1718 = vector.broadcast %ge3A_1717 : f32 to vector<16xf32>
      %ge3A_1719 = arith.cmpf oge, %get3A_1713, %ge3A_1718 : vector<16xf32>
      %and3A_1720 = arith.andi %lt3A_1716, %ge3A_1719 : vector<16xi1>
      %select_n3A_1721 = arith.select %and3A_1720, %get3A_1711, %get3A_1713 : vector<16xi1>, vector<16xf32>
      %broadcast_in_dim3A_1722 = vector.broadcast %reduce_min3A_1277 : i32 to vector<16xi32>
      %select_n3A_1723 = arith.select %and3A_1720, %broadcast_in_dim3A_1722, %get3A_1715 : vector<16xi1>, vector<16xi32>
      %swap3A_1724 = arith.constant 192 : index
      %swap3A_1725 = tpu.vector_load %arg7[%swap3A_1724] {strides = array<i32>} : memref<256xi32, #tpu.memory_space<vmem>>, vector<16xi32>,
      tpu.vector_store %arg7[%swap3A_1724], %select_n3A_1723 {strides = array<i32>} : memref<256xi32, #tpu.memory_space<vmem>>, vector<16xi32>,
      %swap3A_1726 = arith.constant 192 : index
      %swap3A_1727 = tpu.vector_load %arg6[%swap3A_1726] {strides = array<i32>} : memref<256xf32, #tpu.memory_space<vmem>>, vector<16xf32>,
      tpu.vector_store %arg6[%swap3A_1726], %select_n3A_1721 {strides = array<i32>} : memref<256xf32, #tpu.memory_space<vmem>>, vector<16xf32>,
      %lt3A_1728 = arith.constant 0.000000e+00 : f32
      %lt3A_1729 = vector.broadcast %lt3A_1728 : f32 to vector<16xf32>
      %lt3A_1730 = arith.cmpf olt, %select_n3A_1721, %lt3A_1729 : vector<16xf32>
      %jit3A_1731 = arith.constant 0x7F800000 : f32
      %broadcast_in_dim3A_1732 = vector.broadcast %jit3A_1731 : f32 to vector<16xf32>
      %select_n3A_1733 = arith.select %lt3A_1730, %broadcast_in_dim3A_1732, %select_n3A_1721 : vector<16xi1>, vector<16xf32>
      %lt3A_1734 = arith.cmpf olt, %select_n3A_1733, %select_n3A_1704 : vector<16xf32>
      %select_n3A_1735 = arith.select %lt3A_1734, %select_n3A_1733, %select_n3A_1704 : vector<16xi1>, vector<16xf32>
      %add3A_1736 = arith.constant 192 : i32
      %add3A_1737 = arith.addi %mul3A_0, %add3A_1736 : i32
      %add3A_1738 = vector.broadcast %add3A_1737 : i32 to vector<16xi32>
      %add3A_1739 = arith.addi %add3A_1738, %iota3A : vector<16xi32>
      %select_n3A_1740 = arith.select %lt3A_1734, %add3A_1739, %select_n3A_1709 : vector<16xi1>, vector<16xi32>
      %get3A_1741 = arith.constant 208 : index
      %get3A_1742 = tpu.vector_load %arg5[%get3A_1741] {strides = array<i32>} : memref<256xf32, #tpu.memory_space<vmem>>, vector<16xf32>,
      %get3A_1743 = arith.constant 208 : index
      %get3A_1744 = tpu.vector_load %arg6[%get3A_1743] {strides = array<i32>} : memref<256xf32, #tpu.memory_space<vmem>>, vector<16xf32>,
      %get3A_1745 = arith.constant 208 : index
      %get3A_1746 = tpu.vector_load %arg7[%get3A_1745] {strides = array<i32>} : memref<256xi32, #tpu.memory_space<vmem>>, vector<16xi32>,
      %lt3A_1747 = arith.cmpf olt, %get3A_1742, %get3A_1744 : vector<16xf32>
      %ge3A_1748 = arith.constant 0.000000e+00 : f32
      %ge3A_1749 = vector.broadcast %ge3A_1748 : f32 to vector<16xf32>
      %ge3A_1750 = arith.cmpf oge, %get3A_1744, %ge3A_1749 : vector<16xf32>
      %and3A_1751 = arith.andi %lt3A_1747, %ge3A_1750 : vector<16xi1>
      %select_n3A_1752 = arith.select %and3A_1751, %get3A_1742, %get3A_1744 : vector<16xi1>, vector<16xf32>
      %broadcast_in_dim3A_1753 = vector.broadcast %reduce_min3A_1277 : i32 to vector<16xi32>
      %select_n3A_1754 = arith.select %and3A_1751, %broadcast_in_dim3A_1753, %get3A_1746 : vector<16xi1>, vector<16xi32>
      %swap3A_1755 = arith.constant 208 : index
      %swap3A_1756 = tpu.vector_load %arg7[%swap3A_1755] {strides = array<i32>} : memref<256xi32, #tpu.memory_space<vmem>>, vector<16xi32>,
      tpu.vector_store %arg7[%swap3A_1755], %select_n3A_1754 {strides = array<i32>} : memref<256xi32, #tpu.memory_space<vmem>>, vector<16xi32>,
      %swap3A_1757 = arith.constant 208 : index
      %swap3A_1758 = tpu.vector_load %arg6[%swap3A_1757] {strides = array<i32>} : memref<256xf32, #tpu.memory_space<vmem>>, vector<16xf32>,
      tpu.vector_store %arg6[%swap3A_1757], %select_n3A_1752 {strides = array<i32>} : memref<256xf32, #tpu.memory_space<vmem>>, vector<16xf32>,
      %lt3A_1759 = arith.constant 0.000000e+00 : f32
      %lt3A_1760 = vector.broadcast %lt3A_1759 : f32 to vector<16xf32>
      %lt3A_1761 = arith.cmpf olt, %select_n3A_1752, %lt3A_1760 : vector<16xf32>
      %jit3A_1762 = arith.constant 0x7F800000 : f32
      %broadcast_in_dim3A_1763 = vector.broadcast %jit3A_1762 : f32 to vector<16xf32>
      %select_n3A_1764 = arith.select %lt3A_1761, %broadcast_in_dim3A_1763, %select_n3A_1752 : vector<16xi1>, vector<16xf32>
      %lt3A_1765 = arith.cmpf olt, %select_n3A_1764, %select_n3A_1735 : vector<16xf32>
      %select_n3A_1766 = arith.select %lt3A_1765, %select_n3A_1764, %select_n3A_1735 : vector<16xi1>, vector<16xf32>
      %add3A_1767 = arith.constant 208 : i32
      %add3A_1768 = arith.addi %mul3A_0, %add3A_1767 : i32
      %add3A_1769 = vector.broadcast %add3A_1768 : i32 to vector<16xi32>
      %add3A_1770 = arith.addi %add3A_1769, %iota3A : vector<16xi32>
      %select_n3A_1771 = arith.select %lt3A_1765, %add3A_1770, %select_n3A_1740 : vector<16xi1>, vector<16xi32>
      %get3A_1772 = arith.constant 224 : index
      %get3A_1773 = tpu.vector_load %arg5[%get3A_1772] {strides = array<i32>} : memref<256xf32, #tpu.memory_space<vmem>>, vector<16xf32>,
      %get3A_1774 = arith.constant 224 : index
      %get3A_1775 = tpu.vector_load %arg6[%get3A_1774] {strides = array<i32>} : memref<256xf32, #tpu.memory_space<vmem>>, vector<16xf32>,
      %get3A_1776 = arith.constant 224 : index
      %get3A_1777 = tpu.vector_load %arg7[%get3A_1776] {strides = array<i32>} : memref<256xi32, #tpu.memory_space<vmem>>, vector<16xi32>,
      %lt3A_1778 = arith.cmpf olt, %get3A_1773, %get3A_1775 : vector<16xf32>
      %ge3A_1779 = arith.constant 0.000000e+00 : f32
      %ge3A_1780 = vector.broadcast %ge3A_1779 : f32 to vector<16xf32>
      %ge3A_1781 = arith.cmpf oge, %get3A_1775, %ge3A_1780 : vector<16xf32>
      %and3A_1782 = arith.andi %lt3A_1778, %ge3A_1781 : vector<16xi1>
      %select_n3A_1783 = arith.select %and3A_1782, %get3A_1773, %get3A_1775 : vector<16xi1>, vector<16xf32>
      %broadcast_in_dim3A_1784 = vector.broadcast %reduce_min3A_1277 : i32 to vector<16xi32>
      %select_n3A_1785 = arith.select %and3A_1782, %broadcast_in_dim3A_1784, %get3A_1777 : vector<16xi1>, vector<16xi32>
      %swap3A_1786 = arith.constant 224 : index
      %swap3A_1787 = tpu.vector_load %arg7[%swap3A_1786] {strides = array<i32>} : memref<256xi32, #tpu.memory_space<vmem>>, vector<16xi32>,
      tpu.vector_store %arg7[%swap3A_1786], %select_n3A_1785 {strides = array<i32>} : memref<256xi32, #tpu.memory_space<vmem>>, vector<16xi32>,
      %swap3A_1788 = arith.constant 224 : index
      %swap3A_1789 = tpu.vector_load %arg6[%swap3A_1788] {strides = array<i32>} : memref<256xf32, #tpu.memory_space<vmem>>, vector<16xf32>,
      tpu.vector_store %arg6[%swap3A_1788], %select_n3A_1783 {strides = array<i32>} : memref<256xf32, #tpu.memory_space<vmem>>, vector<16xf32>,
      %lt3A_1790 = arith.constant 0.000000e+00 : f32
      %lt3A_1791 = vector.broadcast %lt3A_1790 : f32 to vector<16xf32>
      %lt3A_1792 = arith.cmpf olt, %select_n3A_1783, %lt3A_1791 : vector<16xf32>
      %jit3A_1793 = arith.constant 0x7F800000 : f32
      %broadcast_in_dim3A_1794 = vector.broadcast %jit3A_1793 : f32 to vector<16xf32>
      %select_n3A_1795 = arith.select %lt3A_1792, %broadcast_in_dim3A_1794, %select_n3A_1783 : vector<16xi1>, vector<16xf32>
      %lt3A_1796 = arith.cmpf olt, %select_n3A_1795, %select_n3A_1766 : vector<16xf32>
      %select_n3A_1797 = arith.select %lt3A_1796, %select_n3A_1795, %select_n3A_1766 : vector<16xi1>, vector<16xf32>
      %add3A_1798 = arith.constant 224 : i32
      %add3A_1799 = arith.addi %mul3A_0, %add3A_1798 : i32
      %add3A_1800 = vector.broadcast %add3A_1799 : i32 to vector<16xi32>
      %add3A_1801 = arith.addi %add3A_1800, %iota3A : vector<16xi32>
      %select_n3A_1802 = arith.select %lt3A_1796, %add3A_1801, %select_n3A_1771 : vector<16xi1>, vector<16xi32>
      %get3A_1803 = arith.constant 240 : index
      %get3A_1804 = tpu.vector_load %arg5[%get3A_1803] {strides = array<i32>} : memref<256xf32, #tpu.memory_space<vmem>>, vector<16xf32>,
      %get3A_1805 = arith.constant 240 : index
      %get3A_1806 = tpu.vector_load %arg6[%get3A_1805] {strides = array<i32>} : memref<256xf32, #tpu.memory_space<vmem>>, vector<16xf32>,
      %get3A_1807 = arith.constant 240 : index
      %get3A_1808 = tpu.vector_load %arg7[%get3A_1807] {strides = array<i32>} : memref<256xi32, #tpu.memory_space<vmem>>, vector<16xi32>,
      %lt3A_1809 = arith.cmpf olt, %get3A_1804, %get3A_1806 : vector<16xf32>
      %ge3A_1810 = arith.constant 0.000000e+00 : f32
      %ge3A_1811 = vector.broadcast %ge3A_1810 : f32 to vector<16xf32>
      %ge3A_1812 = arith.cmpf oge, %get3A_1806, %ge3A_1811 : vector<16xf32>
      %and3A_1813 = arith.andi %lt3A_1809, %ge3A_1812 : vector<16xi1>
      %select_n3A_1814 = arith.select %and3A_1813, %get3A_1804, %get3A_1806 : vector<16xi1>, vector<16xf32>
      %broadcast_in_dim3A_1815 = vector.broadcast %reduce_min3A_1277 : i32 to vector<16xi32>
      %select_n3A_1816 = arith.select %and3A_1813, %broadcast_in_dim3A_1815, %get3A_1808 : vector<16xi1>, vector<16xi32>
      %swap3A_1817 = arith.constant 240 : index
      %swap3A_1818 = tpu.vector_load %arg7[%swap3A_1817] {strides = array<i32>} : memref<256xi32, #tpu.memory_space<vmem>>, vector<16xi32>,
      tpu.vector_store %arg7[%swap3A_1817], %select_n3A_1816 {strides = array<i32>} : memref<256xi32, #tpu.memory_space<vmem>>, vector<16xi32>,
      %swap3A_1819 = arith.constant 240 : index
      %swap3A_1820 = tpu.vector_load %arg6[%swap3A_1819] {strides = array<i32>} : memref<256xf32, #tpu.memory_space<vmem>>, vector<16xf32>,
      tpu.vector_store %arg6[%swap3A_1819], %select_n3A_1814 {strides = array<i32>} : memref<256xf32, #tpu.memory_space<vmem>>, vector<16xf32>,
      %lt3A_1821 = arith.constant 0.000000e+00 : f32
      %lt3A_1822 = vector.broadcast %lt3A_1821 : f32 to vector<16xf32>
      %lt3A_1823 = arith.cmpf olt, %select_n3A_1814, %lt3A_1822 : vector<16xf32>
      %jit3A_1824 = arith.constant 0x7F800000 : f32
      %broadcast_in_dim3A_1825 = vector.broadcast %jit3A_1824 : f32 to vector<16xf32>
      %select_n3A_1826 = arith.select %lt3A_1823, %broadcast_in_dim3A_1825, %select_n3A_1814 : vector<16xi1>, vector<16xf32>
      %lt3A_1827 = arith.cmpf olt, %select_n3A_1826, %select_n3A_1797 : vector<16xf32>
      %select_n3A_1828 = arith.select %lt3A_1827, %select_n3A_1826, %select_n3A_1797 : vector<16xi1>, vector<16xf32>
      %add3A_1829 = arith.constant 240 : i32
      %add3A_1830 = arith.addi %mul3A_0, %add3A_1829 : i32
      %add3A_1831 = vector.broadcast %add3A_1830 : i32 to vector<16xi32>
      %add3A_1832 = arith.addi %add3A_1831, %iota3A : vector<16xi32>
      %select_n3A_1833 = arith.select %lt3A_1827, %add3A_1832, %select_n3A_1802 : vector<16xi1>, vector<16xi32>
      %reduce_min3A_1834 = arith.constant true
      %reduce_min3A_1835 = vector.broadcast %reduce_min3A_1834 : i1 to vector<16xi1>
      %reduce_min3A_1836 = tpu.scan <min>, %select_n3A_1828 masked %reduce_min3A_1835 : vector<16xf32>, vector<16xi1> -> vector<16xf32>
      %reduce_min3A_1837 = vector.extract %reduce_min3A_1836[15] : f32 from vector<16xf32>
      %eq3A_1838 = vector.broadcast %reduce_min3A_1837 : f32 to vector<16xf32>
      %eq3A_1839 = arith.cmpf oeq, %select_n3A_1828, %eq3A_1838 : vector<16xf32>
      %jit3A_1840 = arith.constant 4096 : i32
      %broadcast_in_dim3A_1841 = vector.broadcast %jit3A_1840 : i32 to vector<16xi32>
      %select_n3A_1842 = arith.select %eq3A_1839, %select_n3A_1833, %broadcast_in_dim3A_1841 : vector<16xi1>, vector<16xi32>
      %reduce_min3A_1843 = arith.constant true
      %reduce_min3A_1844 = vector.broadcast %reduce_min3A_1843 : i1 to vector<16xi1>
      %reduce_min3A_1845 = arith.constant -2147483648 : i32
      %reduce_min3A_1846 = vector.broadcast %reduce_min3A_1845 : i32 to vector<16xi32>
      %reduce_min3A_1847 = arith.xori %select_n3A_1842, %reduce_min3A_1846 : vector<16xi32>
      %reduce_min3A_1848 = tpu.scan <min>, %reduce_min3A_1847 masked %reduce_min3A_1844 : vector<16xi32>, vector<16xi1> -> vector<16xi32>
      %reduce_min3A_1849 = arith.xori %reduce_min3A_1848, %reduce_min3A_1846 : vector<16xi32>
      %reduce_min3A_1850 = vector.extract %reduce_min3A_1849[15] : i32 from vector<16xi32>
      %broadcast_in_dim3A_1851 = vector.broadcast %reduce_min3A_1837 : f32 to vector<16xf32>
      %bitcast3A_1852 = vector.bitcast %broadcast_in_dim3A_1851 : vector<16xf32> to vector<16xi32>
      %eq3A_1853 = arith.constant 0 : i32
      %eq3A_1854 = vector.broadcast %eq3A_1853 : i32 to vector<16xi32>
      %eq3A_1855 = arith.cmpi eq, %iota3A, %eq3A_1854 : vector<16xi32>
      %broadcast_in_dim3A_1856 = vector.broadcast %reduce_min3A_1850 : i32 to vector<16xi32>
      %select_n3A_1857 = arith.select %eq3A_1855, %bitcast3A_1852, %broadcast_in_dim3A_1856 : vector<16xi1>, vector<16xi32>
      %swap3A_1858 = arith.constant 0 : index
      %swap3A_1859 = tpu.vector_load %arg8[%swap3A_1858] {strides = array<i32>} : memref<16xi32, #tpu.memory_space<vmem>>, vector<16xi32>,
      tpu.vector_store %arg8[%swap3A_1858], %select_n3A_1857 {strides = array<i32>} : memref<16xi32, #tpu.memory_space<vmem>>, vector<16xi32>,
      %mul3A_1860 = arith.constant 8 : i32
      %mul3A_1861 = arith.muli %arg1, %mul3A_1860 : i32
      %add3A_1862 = arith.constant 128 : i32
      %add3A_1863 = arith.addi %add3A_1862, %mul3A_1861 : i32
      "tpu.region"() ({
        %run_scoped3A_1947 = tpu.sem_alloc : memref<!tpu.dma_semaphore, #tpu.memory_space<semaphore_mem>>
        %dma_start3A_1948 = arith.constant 0 : i32
        %dma_start3A_1949 = tpu.memref_slice %arg8[%dma_start3A_1948] : memref<16xi32, #tpu.memory_space<vmem>> -> memref<8xi32, #tpu.memory_space<vmem>>
        %dma_start3A_1950 = tpu.memref_slice %arg13[%add3A_1863] : memref<2048xi32, #tpu.memory_space<vmem_shared>> -> memref<8xi32, #tpu.memory_space<vmem_shared>>
        %dma_start3A_1951 = tpu.memref_slice %arg13[%add3A_1863] : memref<2048xi32, #tpu.memory_space<vmem_shared>> -> memref<8xi32, #tpu.memory_space<vmem_shared>>
        %dma_start3A_1952 = arith.constant 0 : i32
        %dma_start3A_1953 = tpu.memref_slice %arg8[%dma_start3A_1952] : memref<16xi32, #tpu.memory_space<vmem>> -> memref<8xi32, #tpu.memory_space<vmem>>
        tpu.enqueue_dma source(%dma_start3A_1953 : memref<8xi32, #tpu.memory_space<vmem>>) target(%dma_start3A_1951 : memref<8xi32, #tpu.memory_space<vmem_shared>>) target_semaphore(%run_scoped3A_1947 : memref<!tpu.dma_semaphore, #tpu.memory_space<semaphore_mem>>)
        %dma_wait3A_1954 = arith.constant 0 : i32
        %dma_wait3A_1955 = tpu.memref_slice %arg8[%dma_wait3A_1954] : memref<16xi32, #tpu.memory_space<vmem>> -> memref<8xi32, #tpu.memory_space<vmem>>
        %dma_wait3A_1956 = tpu.memref_slice %arg13[%add3A_1863] : memref<2048xi32, #tpu.memory_space<vmem_shared>> -> memref<8xi32, #tpu.memory_space<vmem_shared>>
        %dma_wait3A_1957 = tpu.memref_slice %arg13[%add3A_1863] : memref<2048xi32, #tpu.memory_space<vmem_shared>> -> memref<8xi32, #tpu.memory_space<vmem_shared>>
        %dma_wait3A_1958 = arith.constant 0 : i32
        %dma_wait3A_1959 = tpu.memref_slice %arg8[%dma_wait3A_1958] : memref<16xi32, #tpu.memory_space<vmem>> -> memref<8xi32, #tpu.memory_space<vmem>>
        tpu.wait_dma2 semaphore(%run_scoped3A_1947 : memref<!tpu.dma_semaphore, #tpu.memory_space<semaphore_mem>>) src(%dma_wait3A_1959 : memref<8xi32, #tpu.memory_space<vmem>>) dst(%dma_wait3A_1957 : memref<8xi32, #tpu.memory_space<vmem_shared>>)
        tpu.yield
      }) : () -> ()
      %barrier3A_1864 = arith.constant 0 : index
      tpu.barrier barrier_id(%barrier3A_1864)
      "tpu.region"() ({
        %run_scoped3A_1947 = tpu.sem_alloc : memref<!tpu.dma_semaphore, #tpu.memory_space<semaphore_mem>>
        %dma_start3A_1948 = arith.constant 128 : i32
        %dma_start3A_1949 = tpu.memref_slice %arg13[%dma_start3A_1948] : memref<2048xi32, #tpu.memory_space<vmem_shared>> -> memref<128xi32, #tpu.memory_space<vmem_shared>>
        %dma_start3A_1950 = arith.constant 128 : i32
        %dma_start3A_1951 = tpu.memref_slice %arg13[%dma_start3A_1950] : memref<2048xi32, #tpu.memory_space<vmem_shared>> -> memref<128xi32, #tpu.memory_space<vmem_shared>>
        tpu.enqueue_dma source(%dma_start3A_1951 : memref<128xi32, #tpu.memory_space<vmem_shared>>) target(%arg10 : memref<128xi32, #tpu.memory_space<vmem>>) target_semaphore(%run_scoped3A_1947 : memref<!tpu.dma_semaphore, #tpu.memory_space<semaphore_mem>>)
        %dma_wait3A_1952 = arith.constant 128 : i32
        %dma_wait3A_1953 = tpu.memref_slice %arg13[%dma_wait3A_1952] : memref<2048xi32, #tpu.memory_space<vmem_shared>> -> memref<128xi32, #tpu.memory_space<vmem_shared>>
        %dma_wait3A_1954 = arith.constant 128 : i32
        %dma_wait3A_1955 = tpu.memref_slice %arg13[%dma_wait3A_1954] : memref<2048xi32, #tpu.memory_space<vmem_shared>> -> memref<128xi32, #tpu.memory_space<vmem_shared>>
        tpu.wait_dma2 semaphore(%run_scoped3A_1947 : memref<!tpu.dma_semaphore, #tpu.memory_space<semaphore_mem>>) src(%dma_wait3A_1955 : memref<128xi32, #tpu.memory_space<vmem_shared>>) dst(%arg10 : memref<128xi32, #tpu.memory_space<vmem>>)
        tpu.yield
      }) : () -> ()
      %mul3A_1865 = arith.constant 8 : i32
      %mul3A_1866 = vector.broadcast %mul3A_1865 : i32 to vector<16xi32>
      %mul3A_1867 = arith.muli %iota3A, %mul3A_1866 : vector<16xi32>
      %gather3A_1868 = tpu.vector_load_idx %arg10[%mul3A_1867] : memref<128xi32, #tpu.memory_space<vmem>>[vector<16xi32>], vector<16xi32>,
      %mul3A_1869 = arith.constant 8 : i32
      %mul3A_1870 = vector.broadcast %mul3A_1869 : i32 to vector<16xi32>
      %mul3A_1871 = arith.muli %iota3A, %mul3A_1870 : vector<16xi32>
      %add3A_1872 = arith.addi %mul3A_1871, %broadcast_in_dim3A_3 : vector<16xi32>
      %gather3A_1873 = tpu.vector_load_idx %arg10[%add3A_1872] : memref<128xi32, #tpu.memory_space<vmem>>[vector<16xi32>], vector<16xi32>,
      %reduce_min3A_1874 = arith.constant true
      %reduce_min3A_1875 = vector.broadcast %reduce_min3A_1874 : i1 to vector<16xi1>
      %reduce_min3A_1876 = arith.constant -2147483648 : i32
      %reduce_min3A_1877 = vector.broadcast %reduce_min3A_1876 : i32 to vector<16xi32>
      %reduce_min3A_1878 = arith.xori %gather3A_1868, %reduce_min3A_1877 : vector<16xi32>
      %reduce_min3A_1879 = tpu.scan <min>, %reduce_min3A_1878 masked %reduce_min3A_1875 : vector<16xi32>, vector<16xi1> -> vector<16xi32>
      %reduce_min3A_1880 = arith.xori %reduce_min3A_1879, %reduce_min3A_1877 : vector<16xi32>
      %reduce_min3A_1881 = vector.extract %reduce_min3A_1880[15] : i32 from vector<16xi32>
      %eq3A_1882 = vector.broadcast %reduce_min3A_1881 : i32 to vector<16xi32>
      %eq3A_1883 = arith.cmpi eq, %gather3A_1868, %eq3A_1882 : vector<16xi32>
      %jit3A_1884 = arith.constant 4096 : i32
      %broadcast_in_dim3A_1885 = vector.broadcast %jit3A_1884 : i32 to vector<16xi32>
      %select_n3A_1886 = arith.select %eq3A_1883, %gather3A_1873, %broadcast_in_dim3A_1885 : vector<16xi1>, vector<16xi32>
      %reduce_min3A_1887 = arith.constant true
      %reduce_min3A_1888 = vector.broadcast %reduce_min3A_1887 : i1 to vector<16xi1>
      %reduce_min3A_1889 = arith.constant -2147483648 : i32
      %reduce_min3A_1890 = vector.broadcast %reduce_min3A_1889 : i32 to vector<16xi32>
      %reduce_min3A_1891 = arith.xori %select_n3A_1886, %reduce_min3A_1890 : vector<16xi32>
      %reduce_min3A_1892 = tpu.scan <min>, %reduce_min3A_1891 masked %reduce_min3A_1888 : vector<16xi32>, vector<16xi1> -> vector<16xi32>
      %reduce_min3A_1893 = arith.xori %reduce_min3A_1892, %reduce_min3A_1890 : vector<16xi32>
      %reduce_min3A_1894 = vector.extract %reduce_min3A_1893[15] : i32 from vector<16xi32>
      %eq3A_1895 = vector.broadcast %reduce_min3A_1894 : i32 to vector<16xi32>
      %eq3A_1896 = arith.cmpi eq, %gather3A_1873, %eq3A_1895 : vector<16xi32>
      %jit3A_1897 = arith.constant 2147483647 : i32
      %broadcast_in_dim3A_1898 = vector.broadcast %jit3A_1897 : i32 to vector<16xi32>
      %select_n3A_1899 = arith.select %eq3A_1896, %broadcast_in_dim3A_1898, %gather3A_1868 : vector<16xi1>, vector<16xi32>
      %reduce_min3A_1900 = arith.constant true
      %reduce_min3A_1901 = vector.broadcast %reduce_min3A_1900 : i1 to vector<16xi1>
      %reduce_min3A_1902 = arith.constant -2147483648 : i32
      %reduce_min3A_1903 = vector.broadcast %reduce_min3A_1902 : i32 to vector<16xi32>
      %reduce_min3A_1904 = arith.xori %select_n3A_1899, %reduce_min3A_1903 : vector<16xi32>
      %reduce_min3A_1905 = tpu.scan <min>, %reduce_min3A_1904 masked %reduce_min3A_1901 : vector<16xi32>, vector<16xi1> -> vector<16xi32>
      %reduce_min3A_1906 = arith.xori %reduce_min3A_1905, %reduce_min3A_1903 : vector<16xi32>
      %reduce_min3A_1907 = vector.extract %reduce_min3A_1906[15] : i32 from vector<16xi32>
      %eq3A_1908 = vector.broadcast %reduce_min3A_1907 : i32 to vector<16xi32>
      %eq3A_1909 = arith.cmpi eq, %gather3A_1868, %eq3A_1908 : vector<16xi32>
      %ne3A_1910 = vector.broadcast %reduce_min3A_1894 : i32 to vector<16xi32>
      %ne3A_1911 = arith.cmpi ne, %gather3A_1873, %ne3A_1910 : vector<16xi32>
      %and3A_1912 = arith.andi %eq3A_1909, %ne3A_1911 : vector<16xi1>
      %jit3A_1913 = arith.constant 4096 : i32
      %broadcast_in_dim3A_1914 = vector.broadcast %jit3A_1913 : i32 to vector<16xi32>
      %select_n3A_1915 = arith.select %and3A_1912, %gather3A_1873, %broadcast_in_dim3A_1914 : vector<16xi1>, vector<16xi32>
      %reduce_min3A_1916 = arith.constant true
      %reduce_min3A_1917 = vector.broadcast %reduce_min3A_1916 : i1 to vector<16xi1>
      %reduce_min3A_1918 = arith.constant -2147483648 : i32
      %reduce_min3A_1919 = vector.broadcast %reduce_min3A_1918 : i32 to vector<16xi32>
      %reduce_min3A_1920 = arith.xori %select_n3A_1915, %reduce_min3A_1919 : vector<16xi32>
      %reduce_min3A_1921 = tpu.scan <min>, %reduce_min3A_1920 masked %reduce_min3A_1917 : vector<16xi32>, vector<16xi1> -> vector<16xi32>
      %reduce_min3A_1922 = arith.xori %reduce_min3A_1921, %reduce_min3A_1919 : vector<16xi32>
      %reduce_min3A_1923 = vector.extract %reduce_min3A_1922[15] : i32 from vector<16xi32>
      %min3A_1924 = arith.constant 4095 : i32
      %min3A_1925 = arith.minsi %reduce_min3A_1923, %min3A_1924 : i32
      %dma_start3A_1926 = tpu.memref_slice %arg2[%min3A_1925, %mul3A_0] : memref<4096x4096xf32, #tpu.memory_space<hbm>> -> memref<1x256xf32, #tpu.memory_space<hbm>>
      %dma_start3A_1927 = tpu.memref_squeeze %dma_start3A_1926 : memref<1x256xf32, #tpu.memory_space<hbm>> -> memref<256xf32, #tpu.memory_space<hbm>>
      %dma_start3A_1928 = tpu.memref_slice %arg2[%min3A_1925, %mul3A_0] : memref<4096x4096xf32, #tpu.memory_space<hbm>> -> memref<1x256xf32, #tpu.memory_space<hbm>>
      %dma_start3A_1929 = tpu.memref_squeeze %dma_start3A_1928 : memref<1x256xf32, #tpu.memory_space<hbm>> -> memref<256xf32, #tpu.memory_space<hbm>>
      tpu.enqueue_dma source(%dma_start3A_1929 : memref<256xf32, #tpu.memory_space<hbm>>) target(%arg5 : memref<256xf32, #tpu.memory_space<vmem>>) target_semaphore(%arg12 : memref<!tpu.dma_semaphore, #tpu.memory_space<semaphore_mem>>)
      %ge3A_1930 = arith.cmpi sge, %reduce_min3A_1894, %mul3A_0 : i32
      %add3A_1931 = arith.constant 256 : i32
      %add3A_1932 = arith.addi %mul3A_0, %add3A_1931 : i32
      %lt3A_1933 = arith.cmpi slt, %reduce_min3A_1894, %add3A_1932 : i32
      %and3A_1934 = arith.andi %ge3A_1930, %lt3A_1933 : i1
      %convert_element_type3A_1935 = arith.extui %and3A_1934 : i1 to i32
      %cond3A_1936 = arith.constant 0 : i32
      %cond3A_1937 = arith.cmpi ne, %convert_element_type3A_1935, %cond3A_1936 : i32
      scf.if %cond3A_1937 {
        %sub3A = arith.subi %reduce_min3A_1894, %mul3A_0 : i32
        %broadcast_in_dim3A_1947 = vector.broadcast %sub3A : i32 to vector<16xi32>
        %gather3A_1948 = tpu.vector_load_idx %arg7[%broadcast_in_dim3A_1947] : memref<256xi32, #tpu.memory_space<vmem>>[vector<16xi32>], vector<16xi32>,
        %eq3A_1949 = arith.constant 0 : i32
        %eq3A_1950 = vector.broadcast %eq3A_1949 : i32 to vector<16xi32>
        %eq3A_1951 = arith.cmpi eq, %iota3A, %eq3A_1950 : vector<16xi32>
        %broadcast_in_dim3A_1952 = vector.broadcast %reduce_min3A_1894 : i32 to vector<16xi32>
        %select_n3A_1953 = arith.select %eq3A_1951, %gather3A_1948, %broadcast_in_dim3A_1952 : vector<16xi1>, vector<16xi32>
        %swap3A_1954 = arith.constant 0 : index
        %swap3A_1955 = tpu.vector_load %arg9[%swap3A_1954] {strides = array<i32>} : memref<16xi32, #tpu.memory_space<vmem>>, vector<16xi32>,
        tpu.vector_store %arg9[%swap3A_1954], %select_n3A_1953 {strides = array<i32>} : memref<16xi32, #tpu.memory_space<vmem>>, vector<16xi32>,
        "tpu.region"() ({
          %run_scoped3A_1961 = tpu.sem_alloc : memref<!tpu.dma_semaphore, #tpu.memory_space<semaphore_mem>>
          %dma_start3A_1962 = arith.constant 0 : i32
          %dma_start3A_1963 = tpu.memref_slice %arg14[%add3A_1333, %dma_start3A_1962] : memref<32768x16xi32, #tpu.memory_space<vmem_shared>> -> memref<1x16xi32, #tpu.memory_space<vmem_shared>>
          %dma_start3A_1964 = tpu.memref_squeeze %dma_start3A_1963 : memref<1x16xi32, #tpu.memory_space<vmem_shared>> -> memref<16xi32, #tpu.memory_space<vmem_shared>>
          %dma_start3A_1965 = arith.constant 0 : i32
          %dma_start3A_1966 = tpu.memref_slice %arg14[%add3A_1333, %dma_start3A_1965] : memref<32768x16xi32, #tpu.memory_space<vmem_shared>> -> memref<1x16xi32, #tpu.memory_space<vmem_shared>>
          %dma_start3A_1967 = tpu.memref_squeeze %dma_start3A_1966 : memref<1x16xi32, #tpu.memory_space<vmem_shared>> -> memref<16xi32, #tpu.memory_space<vmem_shared>>
          tpu.enqueue_dma source(%arg9 : memref<16xi32, #tpu.memory_space<vmem>>) target(%dma_start3A_1967 : memref<16xi32, #tpu.memory_space<vmem_shared>>) target_semaphore(%run_scoped3A_1961 : memref<!tpu.dma_semaphore, #tpu.memory_space<semaphore_mem>>)
          %dma_wait3A_1968 = arith.constant 0 : i32
          %dma_wait3A_1969 = tpu.memref_slice %arg14[%add3A_1333, %dma_wait3A_1968] : memref<32768x16xi32, #tpu.memory_space<vmem_shared>> -> memref<1x16xi32, #tpu.memory_space<vmem_shared>>
          %dma_wait3A_1970 = tpu.memref_squeeze %dma_wait3A_1969 : memref<1x16xi32, #tpu.memory_space<vmem_shared>> -> memref<16xi32, #tpu.memory_space<vmem_shared>>
          %dma_wait3A_1971 = arith.constant 0 : i32
          %dma_wait3A_1972 = tpu.memref_slice %arg14[%add3A_1333, %dma_wait3A_1971] : memref<32768x16xi32, #tpu.memory_space<vmem_shared>> -> memref<1x16xi32, #tpu.memory_space<vmem_shared>>
          %dma_wait3A_1973 = tpu.memref_squeeze %dma_wait3A_1972 : memref<1x16xi32, #tpu.memory_space<vmem_shared>> -> memref<16xi32, #tpu.memory_space<vmem_shared>>
          tpu.wait_dma2 semaphore(%run_scoped3A_1961 : memref<!tpu.dma_semaphore, #tpu.memory_space<semaphore_mem>>) src(%arg9 : memref<16xi32, #tpu.memory_space<vmem>>) dst(%dma_wait3A_1973 : memref<16xi32, #tpu.memory_space<vmem_shared>>)
          tpu.yield
        }) : () -> ()
        %broadcast_in_dim3A_1956 = arith.constant -1.000000e+00 : f32
        %broadcast_in_dim3A_1957 = vector.broadcast %broadcast_in_dim3A_1956 : f32 to vector<16xf32>
        %eq3A_1958 = arith.constant 0 : i32
        %eq3A_1959 = vector.broadcast %eq3A_1958 : i32 to vector<16xi32>
        %eq3A_1960 = arith.cmpi eq, %iota3A, %eq3A_1959 : vector<16xi32>
        tpu.vector_store_idx %arg6[%broadcast_in_dim3A_1947], %broadcast_in_dim3A_1957 masked %eq3A_1960 : memref<256xf32, #tpu.memory_space<vmem>>[vector<16xi32>], vector<16xf32>, vector<16xi1>
      } else {
      }
      %dma_wait3A_1938 = arith.constant 0 : i32
      %dma_wait3A_1939 = tpu.memref_slice %arg2[%dma_wait3A_1938, %mul3A_0] : memref<4096x4096xf32, #tpu.memory_space<hbm>> -> memref<1x256xf32, #tpu.memory_space<hbm>>
      %dma_wait3A_1940 = tpu.memref_squeeze %dma_wait3A_1939 : memref<1x256xf32, #tpu.memory_space<hbm>> -> memref<256xf32, #tpu.memory_space<hbm>>
      %dma_wait3A_1941 = tpu.memref_slice %arg2[%dma_wait3A_1938, %mul3A_0] : memref<4096x4096xf32, #tpu.memory_space<hbm>> -> memref<1x256xf32, #tpu.memory_space<hbm>>
      %dma_wait3A_1942 = tpu.memref_squeeze %dma_wait3A_1941 : memref<1x256xf32, #tpu.memory_space<hbm>> -> memref<256xf32, #tpu.memory_space<hbm>>
      tpu.wait_dma2 semaphore(%arg11 : memref<!tpu.dma_semaphore, #tpu.memory_space<semaphore_mem>>) src(%dma_wait3A_1942 : memref<256xf32, #tpu.memory_space<hbm>>) dst(%arg4 : memref<256xf32, #tpu.memory_space<vmem>>)
      %ne3A_1943 = arith.cmpi ne, %reduce_min3A_1894, %min3A_1308 : i32
      %convert_element_type3A_1944 = arith.extui %ne3A_1943 : i1 to i32
      %cond3A_1945 = arith.constant 0 : i32
      %cond3A_1946 = arith.cmpi ne, %convert_element_type3A_1944, %cond3A_1945 : i32
      scf.if %cond3A_1946 {
        "tpu.region"() ({
          %run_scoped3A_1947 = tpu.sem_alloc : memref<!tpu.dma_semaphore, #tpu.memory_space<semaphore_mem>>
          %dma_start3A_1948 = tpu.memref_slice %arg2[%reduce_min3A_1894, %mul3A_0] : memref<4096x4096xf32, #tpu.memory_space<hbm>> -> memref<1x256xf32, #tpu.memory_space<hbm>>
          %dma_start3A_1949 = tpu.memref_squeeze %dma_start3A_1948 : memref<1x256xf32, #tpu.memory_space<hbm>> -> memref<256xf32, #tpu.memory_space<hbm>>
          %dma_start3A_1950 = tpu.memref_slice %arg2[%reduce_min3A_1894, %mul3A_0] : memref<4096x4096xf32, #tpu.memory_space<hbm>> -> memref<1x256xf32, #tpu.memory_space<hbm>>
          %dma_start3A_1951 = tpu.memref_squeeze %dma_start3A_1950 : memref<1x256xf32, #tpu.memory_space<hbm>> -> memref<256xf32, #tpu.memory_space<hbm>>
          tpu.enqueue_dma source(%dma_start3A_1951 : memref<256xf32, #tpu.memory_space<hbm>>) target(%arg4 : memref<256xf32, #tpu.memory_space<vmem>>) target_semaphore(%run_scoped3A_1947 : memref<!tpu.dma_semaphore, #tpu.memory_space<semaphore_mem>>)
          %dma_wait3A_1952 = tpu.memref_slice %arg2[%reduce_min3A_1894, %mul3A_0] : memref<4096x4096xf32, #tpu.memory_space<hbm>> -> memref<1x256xf32, #tpu.memory_space<hbm>>
          %dma_wait3A_1953 = tpu.memref_squeeze %dma_wait3A_1952 : memref<1x256xf32, #tpu.memory_space<hbm>> -> memref<256xf32, #tpu.memory_space<hbm>>
          %dma_wait3A_1954 = tpu.memref_slice %arg2[%reduce_min3A_1894, %mul3A_0] : memref<4096x4096xf32, #tpu.memory_space<hbm>> -> memref<1x256xf32, #tpu.memory_space<hbm>>
          %dma_wait3A_1955 = tpu.memref_squeeze %dma_wait3A_1954 : memref<1x256xf32, #tpu.memory_space<hbm>> -> memref<256xf32, #tpu.memory_space<hbm>>
          tpu.wait_dma2 semaphore(%run_scoped3A_1947 : memref<!tpu.dma_semaphore, #tpu.memory_space<semaphore_mem>>) src(%dma_wait3A_1955 : memref<256xf32, #tpu.memory_space<hbm>>) dst(%arg4 : memref<256xf32, #tpu.memory_space<vmem>>)
          tpu.yield
        }) : () -> ()
      } else {
      }
      scf.yield %reduce_min3A_1894, %min3A_1925 : i32, i32
    }
    %scan3A_111 = arith.constant 2047 : i32
    %broadcast_in_dim3A_112 = arith.constant 0x7F800000 : f32
    %broadcast_in_dim3A_113 = vector.broadcast %broadcast_in_dim3A_112 : f32 to vector<16xf32>
    %broadcast_in_dim3A_114 = arith.constant 4096 : i32
    %broadcast_in_dim3A_115 = vector.broadcast %broadcast_in_dim3A_114 : i32 to vector<16xi32>
    %get3A = arith.constant 0 : index
    %get3A_116 = tpu.vector_load %arg4[%get3A] {strides = array<i32>} : memref<256xf32, #tpu.memory_space<vmem>>, vector<16xf32>,
    %get3A_117 = arith.constant 0 : index
    %get3A_118 = tpu.vector_load %arg6[%get3A_117] {strides = array<i32>} : memref<256xf32, #tpu.memory_space<vmem>>, vector<16xf32>,
    %get3A_119 = arith.constant 0 : index
    %get3A_120 = tpu.vector_load %arg7[%get3A_119] {strides = array<i32>} : memref<256xi32, #tpu.memory_space<vmem>>, vector<16xi32>,
    %lt3A = arith.cmpf olt, %get3A_116, %get3A_118 : vector<16xf32>
    %ge3A = arith.constant 0.000000e+00 : f32
    %ge3A_121 = vector.broadcast %ge3A : f32 to vector<16xf32>
    %ge3A_122 = arith.cmpf oge, %get3A_118, %ge3A_121 : vector<16xf32>
    %and3A = arith.andi %lt3A, %ge3A_122 : vector<16xi1>
    %select_n3A = arith.select %and3A, %get3A_116, %get3A_118 : vector<16xi1>, vector<16xf32>
    %broadcast_in_dim3A_123 = vector.broadcast %scan3A_110#0 : i32 to vector<16xi32>
    %select_n3A_124 = arith.select %and3A, %broadcast_in_dim3A_123, %get3A_120 : vector<16xi1>, vector<16xi32>
    %swap3A_125 = arith.constant 0 : index
    %swap3A_126 = tpu.vector_load %arg7[%swap3A_125] {strides = array<i32>} : memref<256xi32, #tpu.memory_space<vmem>>, vector<16xi32>,
    tpu.vector_store %arg7[%swap3A_125], %select_n3A_124 {strides = array<i32>} : memref<256xi32, #tpu.memory_space<vmem>>, vector<16xi32>,
    %swap3A_127 = arith.constant 0 : index
    %swap3A_128 = tpu.vector_load %arg6[%swap3A_127] {strides = array<i32>} : memref<256xf32, #tpu.memory_space<vmem>>, vector<16xf32>,
    tpu.vector_store %arg6[%swap3A_127], %select_n3A {strides = array<i32>} : memref<256xf32, #tpu.memory_space<vmem>>, vector<16xf32>,
    %lt3A_129 = arith.constant 0.000000e+00 : f32
    %lt3A_130 = vector.broadcast %lt3A_129 : f32 to vector<16xf32>
    %lt3A_131 = arith.cmpf olt, %select_n3A, %lt3A_130 : vector<16xf32>
    %jit3A = arith.constant 0x7F800000 : f32
    %broadcast_in_dim3A_132 = vector.broadcast %jit3A : f32 to vector<16xf32>
    %select_n3A_133 = arith.select %lt3A_131, %broadcast_in_dim3A_132, %select_n3A : vector<16xi1>, vector<16xf32>
    %lt3A_134 = arith.cmpf olt, %select_n3A_133, %broadcast_in_dim3A_113 : vector<16xf32>
    %select_n3A_135 = arith.select %lt3A_134, %select_n3A_133, %broadcast_in_dim3A_113 : vector<16xi1>, vector<16xf32>
    %add3A = arith.constant 0 : i32
    %add3A_136 = arith.addi %mul3A_0, %add3A : i32
    %add3A_137 = vector.broadcast %add3A_136 : i32 to vector<16xi32>
    %add3A_138 = arith.addi %add3A_137, %iota3A : vector<16xi32>
    %select_n3A_139 = arith.select %lt3A_134, %add3A_138, %broadcast_in_dim3A_115 : vector<16xi1>, vector<16xi32>
    %get3A_140 = arith.constant 16 : index
    %get3A_141 = tpu.vector_load %arg4[%get3A_140] {strides = array<i32>} : memref<256xf32, #tpu.memory_space<vmem>>, vector<16xf32>,
    %get3A_142 = arith.constant 16 : index
    %get3A_143 = tpu.vector_load %arg6[%get3A_142] {strides = array<i32>} : memref<256xf32, #tpu.memory_space<vmem>>, vector<16xf32>,
    %get3A_144 = arith.constant 16 : index
    %get3A_145 = tpu.vector_load %arg7[%get3A_144] {strides = array<i32>} : memref<256xi32, #tpu.memory_space<vmem>>, vector<16xi32>,
    %lt3A_146 = arith.cmpf olt, %get3A_141, %get3A_143 : vector<16xf32>
    %ge3A_147 = arith.constant 0.000000e+00 : f32
    %ge3A_148 = vector.broadcast %ge3A_147 : f32 to vector<16xf32>
    %ge3A_149 = arith.cmpf oge, %get3A_143, %ge3A_148 : vector<16xf32>
    %and3A_150 = arith.andi %lt3A_146, %ge3A_149 : vector<16xi1>
    %select_n3A_151 = arith.select %and3A_150, %get3A_141, %get3A_143 : vector<16xi1>, vector<16xf32>
    %broadcast_in_dim3A_152 = vector.broadcast %scan3A_110#0 : i32 to vector<16xi32>
    %select_n3A_153 = arith.select %and3A_150, %broadcast_in_dim3A_152, %get3A_145 : vector<16xi1>, vector<16xi32>
    %swap3A_154 = arith.constant 16 : index
    %swap3A_155 = tpu.vector_load %arg7[%swap3A_154] {strides = array<i32>} : memref<256xi32, #tpu.memory_space<vmem>>, vector<16xi32>,
    tpu.vector_store %arg7[%swap3A_154], %select_n3A_153 {strides = array<i32>} : memref<256xi32, #tpu.memory_space<vmem>>, vector<16xi32>,
    %swap3A_156 = arith.constant 16 : index
    %swap3A_157 = tpu.vector_load %arg6[%swap3A_156] {strides = array<i32>} : memref<256xf32, #tpu.memory_space<vmem>>, vector<16xf32>,
    tpu.vector_store %arg6[%swap3A_156], %select_n3A_151 {strides = array<i32>} : memref<256xf32, #tpu.memory_space<vmem>>, vector<16xf32>,
    %lt3A_158 = arith.constant 0.000000e+00 : f32
    %lt3A_159 = vector.broadcast %lt3A_158 : f32 to vector<16xf32>
    %lt3A_160 = arith.cmpf olt, %select_n3A_151, %lt3A_159 : vector<16xf32>
    %jit3A_161 = arith.constant 0x7F800000 : f32
    %broadcast_in_dim3A_162 = vector.broadcast %jit3A_161 : f32 to vector<16xf32>
    %select_n3A_163 = arith.select %lt3A_160, %broadcast_in_dim3A_162, %select_n3A_151 : vector<16xi1>, vector<16xf32>
    %lt3A_164 = arith.cmpf olt, %select_n3A_163, %select_n3A_135 : vector<16xf32>
    %select_n3A_165 = arith.select %lt3A_164, %select_n3A_163, %select_n3A_135 : vector<16xi1>, vector<16xf32>
    %add3A_166 = arith.constant 16 : i32
    %add3A_167 = arith.addi %mul3A_0, %add3A_166 : i32
    %add3A_168 = vector.broadcast %add3A_167 : i32 to vector<16xi32>
    %add3A_169 = arith.addi %add3A_168, %iota3A : vector<16xi32>
    %select_n3A_170 = arith.select %lt3A_164, %add3A_169, %select_n3A_139 : vector<16xi1>, vector<16xi32>
    %get3A_171 = arith.constant 32 : index
    %get3A_172 = tpu.vector_load %arg4[%get3A_171] {strides = array<i32>} : memref<256xf32, #tpu.memory_space<vmem>>, vector<16xf32>,
    %get3A_173 = arith.constant 32 : index
    %get3A_174 = tpu.vector_load %arg6[%get3A_173] {strides = array<i32>} : memref<256xf32, #tpu.memory_space<vmem>>, vector<16xf32>,
    %get3A_175 = arith.constant 32 : index
    %get3A_176 = tpu.vector_load %arg7[%get3A_175] {strides = array<i32>} : memref<256xi32, #tpu.memory_space<vmem>>, vector<16xi32>,
    %lt3A_177 = arith.cmpf olt, %get3A_172, %get3A_174 : vector<16xf32>
    %ge3A_178 = arith.constant 0.000000e+00 : f32
    %ge3A_179 = vector.broadcast %ge3A_178 : f32 to vector<16xf32>
    %ge3A_180 = arith.cmpf oge, %get3A_174, %ge3A_179 : vector<16xf32>
    %and3A_181 = arith.andi %lt3A_177, %ge3A_180 : vector<16xi1>
    %select_n3A_182 = arith.select %and3A_181, %get3A_172, %get3A_174 : vector<16xi1>, vector<16xf32>
    %broadcast_in_dim3A_183 = vector.broadcast %scan3A_110#0 : i32 to vector<16xi32>
    %select_n3A_184 = arith.select %and3A_181, %broadcast_in_dim3A_183, %get3A_176 : vector<16xi1>, vector<16xi32>
    %swap3A_185 = arith.constant 32 : index
    %swap3A_186 = tpu.vector_load %arg7[%swap3A_185] {strides = array<i32>} : memref<256xi32, #tpu.memory_space<vmem>>, vector<16xi32>,
    tpu.vector_store %arg7[%swap3A_185], %select_n3A_184 {strides = array<i32>} : memref<256xi32, #tpu.memory_space<vmem>>, vector<16xi32>,
    %swap3A_187 = arith.constant 32 : index
    %swap3A_188 = tpu.vector_load %arg6[%swap3A_187] {strides = array<i32>} : memref<256xf32, #tpu.memory_space<vmem>>, vector<16xf32>,
    tpu.vector_store %arg6[%swap3A_187], %select_n3A_182 {strides = array<i32>} : memref<256xf32, #tpu.memory_space<vmem>>, vector<16xf32>,
    %lt3A_189 = arith.constant 0.000000e+00 : f32
    %lt3A_190 = vector.broadcast %lt3A_189 : f32 to vector<16xf32>
    %lt3A_191 = arith.cmpf olt, %select_n3A_182, %lt3A_190 : vector<16xf32>
    %jit3A_192 = arith.constant 0x7F800000 : f32
    %broadcast_in_dim3A_193 = vector.broadcast %jit3A_192 : f32 to vector<16xf32>
    %select_n3A_194 = arith.select %lt3A_191, %broadcast_in_dim3A_193, %select_n3A_182 : vector<16xi1>, vector<16xf32>
    %lt3A_195 = arith.cmpf olt, %select_n3A_194, %select_n3A_165 : vector<16xf32>
    %select_n3A_196 = arith.select %lt3A_195, %select_n3A_194, %select_n3A_165 : vector<16xi1>, vector<16xf32>
    %add3A_197 = arith.constant 32 : i32
    %add3A_198 = arith.addi %mul3A_0, %add3A_197 : i32
    %add3A_199 = vector.broadcast %add3A_198 : i32 to vector<16xi32>
    %add3A_200 = arith.addi %add3A_199, %iota3A : vector<16xi32>
    %select_n3A_201 = arith.select %lt3A_195, %add3A_200, %select_n3A_170 : vector<16xi1>, vector<16xi32>
    %get3A_202 = arith.constant 48 : index
    %get3A_203 = tpu.vector_load %arg4[%get3A_202] {strides = array<i32>} : memref<256xf32, #tpu.memory_space<vmem>>, vector<16xf32>,
    %get3A_204 = arith.constant 48 : index
    %get3A_205 = tpu.vector_load %arg6[%get3A_204] {strides = array<i32>} : memref<256xf32, #tpu.memory_space<vmem>>, vector<16xf32>,
    %get3A_206 = arith.constant 48 : index
    %get3A_207 = tpu.vector_load %arg7[%get3A_206] {strides = array<i32>} : memref<256xi32, #tpu.memory_space<vmem>>, vector<16xi32>,
    %lt3A_208 = arith.cmpf olt, %get3A_203, %get3A_205 : vector<16xf32>
    %ge3A_209 = arith.constant 0.000000e+00 : f32
    %ge3A_210 = vector.broadcast %ge3A_209 : f32 to vector<16xf32>
    %ge3A_211 = arith.cmpf oge, %get3A_205, %ge3A_210 : vector<16xf32>
    %and3A_212 = arith.andi %lt3A_208, %ge3A_211 : vector<16xi1>
    %select_n3A_213 = arith.select %and3A_212, %get3A_203, %get3A_205 : vector<16xi1>, vector<16xf32>
    %broadcast_in_dim3A_214 = vector.broadcast %scan3A_110#0 : i32 to vector<16xi32>
    %select_n3A_215 = arith.select %and3A_212, %broadcast_in_dim3A_214, %get3A_207 : vector<16xi1>, vector<16xi32>
    %swap3A_216 = arith.constant 48 : index
    %swap3A_217 = tpu.vector_load %arg7[%swap3A_216] {strides = array<i32>} : memref<256xi32, #tpu.memory_space<vmem>>, vector<16xi32>,
    tpu.vector_store %arg7[%swap3A_216], %select_n3A_215 {strides = array<i32>} : memref<256xi32, #tpu.memory_space<vmem>>, vector<16xi32>,
    %swap3A_218 = arith.constant 48 : index
    %swap3A_219 = tpu.vector_load %arg6[%swap3A_218] {strides = array<i32>} : memref<256xf32, #tpu.memory_space<vmem>>, vector<16xf32>,
    tpu.vector_store %arg6[%swap3A_218], %select_n3A_213 {strides = array<i32>} : memref<256xf32, #tpu.memory_space<vmem>>, vector<16xf32>,
    %lt3A_220 = arith.constant 0.000000e+00 : f32
    %lt3A_221 = vector.broadcast %lt3A_220 : f32 to vector<16xf32>
    %lt3A_222 = arith.cmpf olt, %select_n3A_213, %lt3A_221 : vector<16xf32>
    %jit3A_223 = arith.constant 0x7F800000 : f32
    %broadcast_in_dim3A_224 = vector.broadcast %jit3A_223 : f32 to vector<16xf32>
    %select_n3A_225 = arith.select %lt3A_222, %broadcast_in_dim3A_224, %select_n3A_213 : vector<16xi1>, vector<16xf32>
    %lt3A_226 = arith.cmpf olt, %select_n3A_225, %select_n3A_196 : vector<16xf32>
    %select_n3A_227 = arith.select %lt3A_226, %select_n3A_225, %select_n3A_196 : vector<16xi1>, vector<16xf32>
    %add3A_228 = arith.constant 48 : i32
    %add3A_229 = arith.addi %mul3A_0, %add3A_228 : i32
    %add3A_230 = vector.broadcast %add3A_229 : i32 to vector<16xi32>
    %add3A_231 = arith.addi %add3A_230, %iota3A : vector<16xi32>
    %select_n3A_232 = arith.select %lt3A_226, %add3A_231, %select_n3A_201 : vector<16xi1>, vector<16xi32>
    %get3A_233 = arith.constant 64 : index
    %get3A_234 = tpu.vector_load %arg4[%get3A_233] {strides = array<i32>} : memref<256xf32, #tpu.memory_space<vmem>>, vector<16xf32>,
    %get3A_235 = arith.constant 64 : index
    %get3A_236 = tpu.vector_load %arg6[%get3A_235] {strides = array<i32>} : memref<256xf32, #tpu.memory_space<vmem>>, vector<16xf32>,
    %get3A_237 = arith.constant 64 : index
    %get3A_238 = tpu.vector_load %arg7[%get3A_237] {strides = array<i32>} : memref<256xi32, #tpu.memory_space<vmem>>, vector<16xi32>,
    %lt3A_239 = arith.cmpf olt, %get3A_234, %get3A_236 : vector<16xf32>
    %ge3A_240 = arith.constant 0.000000e+00 : f32
    %ge3A_241 = vector.broadcast %ge3A_240 : f32 to vector<16xf32>
    %ge3A_242 = arith.cmpf oge, %get3A_236, %ge3A_241 : vector<16xf32>
    %and3A_243 = arith.andi %lt3A_239, %ge3A_242 : vector<16xi1>
    %select_n3A_244 = arith.select %and3A_243, %get3A_234, %get3A_236 : vector<16xi1>, vector<16xf32>
    %broadcast_in_dim3A_245 = vector.broadcast %scan3A_110#0 : i32 to vector<16xi32>
    %select_n3A_246 = arith.select %and3A_243, %broadcast_in_dim3A_245, %get3A_238 : vector<16xi1>, vector<16xi32>
    %swap3A_247 = arith.constant 64 : index
    %swap3A_248 = tpu.vector_load %arg7[%swap3A_247] {strides = array<i32>} : memref<256xi32, #tpu.memory_space<vmem>>, vector<16xi32>,
    tpu.vector_store %arg7[%swap3A_247], %select_n3A_246 {strides = array<i32>} : memref<256xi32, #tpu.memory_space<vmem>>, vector<16xi32>,
    %swap3A_249 = arith.constant 64 : index
    %swap3A_250 = tpu.vector_load %arg6[%swap3A_249] {strides = array<i32>} : memref<256xf32, #tpu.memory_space<vmem>>, vector<16xf32>,
    tpu.vector_store %arg6[%swap3A_249], %select_n3A_244 {strides = array<i32>} : memref<256xf32, #tpu.memory_space<vmem>>, vector<16xf32>,
    %lt3A_251 = arith.constant 0.000000e+00 : f32
    %lt3A_252 = vector.broadcast %lt3A_251 : f32 to vector<16xf32>
    %lt3A_253 = arith.cmpf olt, %select_n3A_244, %lt3A_252 : vector<16xf32>
    %jit3A_254 = arith.constant 0x7F800000 : f32
    %broadcast_in_dim3A_255 = vector.broadcast %jit3A_254 : f32 to vector<16xf32>
    %select_n3A_256 = arith.select %lt3A_253, %broadcast_in_dim3A_255, %select_n3A_244 : vector<16xi1>, vector<16xf32>
    %lt3A_257 = arith.cmpf olt, %select_n3A_256, %select_n3A_227 : vector<16xf32>
    %select_n3A_258 = arith.select %lt3A_257, %select_n3A_256, %select_n3A_227 : vector<16xi1>, vector<16xf32>
    %add3A_259 = arith.constant 64 : i32
    %add3A_260 = arith.addi %mul3A_0, %add3A_259 : i32
    %add3A_261 = vector.broadcast %add3A_260 : i32 to vector<16xi32>
    %add3A_262 = arith.addi %add3A_261, %iota3A : vector<16xi32>
    %select_n3A_263 = arith.select %lt3A_257, %add3A_262, %select_n3A_232 : vector<16xi1>, vector<16xi32>
    %get3A_264 = arith.constant 80 : index
    %get3A_265 = tpu.vector_load %arg4[%get3A_264] {strides = array<i32>} : memref<256xf32, #tpu.memory_space<vmem>>, vector<16xf32>,
    %get3A_266 = arith.constant 80 : index
    %get3A_267 = tpu.vector_load %arg6[%get3A_266] {strides = array<i32>} : memref<256xf32, #tpu.memory_space<vmem>>, vector<16xf32>,
    %get3A_268 = arith.constant 80 : index
    %get3A_269 = tpu.vector_load %arg7[%get3A_268] {strides = array<i32>} : memref<256xi32, #tpu.memory_space<vmem>>, vector<16xi32>,
    %lt3A_270 = arith.cmpf olt, %get3A_265, %get3A_267 : vector<16xf32>
    %ge3A_271 = arith.constant 0.000000e+00 : f32
    %ge3A_272 = vector.broadcast %ge3A_271 : f32 to vector<16xf32>
    %ge3A_273 = arith.cmpf oge, %get3A_267, %ge3A_272 : vector<16xf32>
    %and3A_274 = arith.andi %lt3A_270, %ge3A_273 : vector<16xi1>
    %select_n3A_275 = arith.select %and3A_274, %get3A_265, %get3A_267 : vector<16xi1>, vector<16xf32>
    %broadcast_in_dim3A_276 = vector.broadcast %scan3A_110#0 : i32 to vector<16xi32>
    %select_n3A_277 = arith.select %and3A_274, %broadcast_in_dim3A_276, %get3A_269 : vector<16xi1>, vector<16xi32>
    %swap3A_278 = arith.constant 80 : index
    %swap3A_279 = tpu.vector_load %arg7[%swap3A_278] {strides = array<i32>} : memref<256xi32, #tpu.memory_space<vmem>>, vector<16xi32>,
    tpu.vector_store %arg7[%swap3A_278], %select_n3A_277 {strides = array<i32>} : memref<256xi32, #tpu.memory_space<vmem>>, vector<16xi32>,
    %swap3A_280 = arith.constant 80 : index
    %swap3A_281 = tpu.vector_load %arg6[%swap3A_280] {strides = array<i32>} : memref<256xf32, #tpu.memory_space<vmem>>, vector<16xf32>,
    tpu.vector_store %arg6[%swap3A_280], %select_n3A_275 {strides = array<i32>} : memref<256xf32, #tpu.memory_space<vmem>>, vector<16xf32>,
    %lt3A_282 = arith.constant 0.000000e+00 : f32
    %lt3A_283 = vector.broadcast %lt3A_282 : f32 to vector<16xf32>
    %lt3A_284 = arith.cmpf olt, %select_n3A_275, %lt3A_283 : vector<16xf32>
    %jit3A_285 = arith.constant 0x7F800000 : f32
    %broadcast_in_dim3A_286 = vector.broadcast %jit3A_285 : f32 to vector<16xf32>
    %select_n3A_287 = arith.select %lt3A_284, %broadcast_in_dim3A_286, %select_n3A_275 : vector<16xi1>, vector<16xf32>
    %lt3A_288 = arith.cmpf olt, %select_n3A_287, %select_n3A_258 : vector<16xf32>
    %select_n3A_289 = arith.select %lt3A_288, %select_n3A_287, %select_n3A_258 : vector<16xi1>, vector<16xf32>
    %add3A_290 = arith.constant 80 : i32
    %add3A_291 = arith.addi %mul3A_0, %add3A_290 : i32
    %add3A_292 = vector.broadcast %add3A_291 : i32 to vector<16xi32>
    %add3A_293 = arith.addi %add3A_292, %iota3A : vector<16xi32>
    %select_n3A_294 = arith.select %lt3A_288, %add3A_293, %select_n3A_263 : vector<16xi1>, vector<16xi32>
    %get3A_295 = arith.constant 96 : index
    %get3A_296 = tpu.vector_load %arg4[%get3A_295] {strides = array<i32>} : memref<256xf32, #tpu.memory_space<vmem>>, vector<16xf32>,
    %get3A_297 = arith.constant 96 : index
    %get3A_298 = tpu.vector_load %arg6[%get3A_297] {strides = array<i32>} : memref<256xf32, #tpu.memory_space<vmem>>, vector<16xf32>,
    %get3A_299 = arith.constant 96 : index
    %get3A_300 = tpu.vector_load %arg7[%get3A_299] {strides = array<i32>} : memref<256xi32, #tpu.memory_space<vmem>>, vector<16xi32>,
    %lt3A_301 = arith.cmpf olt, %get3A_296, %get3A_298 : vector<16xf32>
    %ge3A_302 = arith.constant 0.000000e+00 : f32
    %ge3A_303 = vector.broadcast %ge3A_302 : f32 to vector<16xf32>
    %ge3A_304 = arith.cmpf oge, %get3A_298, %ge3A_303 : vector<16xf32>
    %and3A_305 = arith.andi %lt3A_301, %ge3A_304 : vector<16xi1>
    %select_n3A_306 = arith.select %and3A_305, %get3A_296, %get3A_298 : vector<16xi1>, vector<16xf32>
    %broadcast_in_dim3A_307 = vector.broadcast %scan3A_110#0 : i32 to vector<16xi32>
    %select_n3A_308 = arith.select %and3A_305, %broadcast_in_dim3A_307, %get3A_300 : vector<16xi1>, vector<16xi32>
    %swap3A_309 = arith.constant 96 : index
    %swap3A_310 = tpu.vector_load %arg7[%swap3A_309] {strides = array<i32>} : memref<256xi32, #tpu.memory_space<vmem>>, vector<16xi32>,
    tpu.vector_store %arg7[%swap3A_309], %select_n3A_308 {strides = array<i32>} : memref<256xi32, #tpu.memory_space<vmem>>, vector<16xi32>,
    %swap3A_311 = arith.constant 96 : index
    %swap3A_312 = tpu.vector_load %arg6[%swap3A_311] {strides = array<i32>} : memref<256xf32, #tpu.memory_space<vmem>>, vector<16xf32>,
    tpu.vector_store %arg6[%swap3A_311], %select_n3A_306 {strides = array<i32>} : memref<256xf32, #tpu.memory_space<vmem>>, vector<16xf32>,
    %lt3A_313 = arith.constant 0.000000e+00 : f32
    %lt3A_314 = vector.broadcast %lt3A_313 : f32 to vector<16xf32>
    %lt3A_315 = arith.cmpf olt, %select_n3A_306, %lt3A_314 : vector<16xf32>
    %jit3A_316 = arith.constant 0x7F800000 : f32
    %broadcast_in_dim3A_317 = vector.broadcast %jit3A_316 : f32 to vector<16xf32>
    %select_n3A_318 = arith.select %lt3A_315, %broadcast_in_dim3A_317, %select_n3A_306 : vector<16xi1>, vector<16xf32>
    %lt3A_319 = arith.cmpf olt, %select_n3A_318, %select_n3A_289 : vector<16xf32>
    %select_n3A_320 = arith.select %lt3A_319, %select_n3A_318, %select_n3A_289 : vector<16xi1>, vector<16xf32>
    %add3A_321 = arith.constant 96 : i32
    %add3A_322 = arith.addi %mul3A_0, %add3A_321 : i32
    %add3A_323 = vector.broadcast %add3A_322 : i32 to vector<16xi32>
    %add3A_324 = arith.addi %add3A_323, %iota3A : vector<16xi32>
    %select_n3A_325 = arith.select %lt3A_319, %add3A_324, %select_n3A_294 : vector<16xi1>, vector<16xi32>
    %get3A_326 = arith.constant 112 : index
    %get3A_327 = tpu.vector_load %arg4[%get3A_326] {strides = array<i32>} : memref<256xf32, #tpu.memory_space<vmem>>, vector<16xf32>,
    %get3A_328 = arith.constant 112 : index
    %get3A_329 = tpu.vector_load %arg6[%get3A_328] {strides = array<i32>} : memref<256xf32, #tpu.memory_space<vmem>>, vector<16xf32>,
    %get3A_330 = arith.constant 112 : index
    %get3A_331 = tpu.vector_load %arg7[%get3A_330] {strides = array<i32>} : memref<256xi32, #tpu.memory_space<vmem>>, vector<16xi32>,
    %lt3A_332 = arith.cmpf olt, %get3A_327, %get3A_329 : vector<16xf32>
    %ge3A_333 = arith.constant 0.000000e+00 : f32
    %ge3A_334 = vector.broadcast %ge3A_333 : f32 to vector<16xf32>
    %ge3A_335 = arith.cmpf oge, %get3A_329, %ge3A_334 : vector<16xf32>
    %and3A_336 = arith.andi %lt3A_332, %ge3A_335 : vector<16xi1>
    %select_n3A_337 = arith.select %and3A_336, %get3A_327, %get3A_329 : vector<16xi1>, vector<16xf32>
    %broadcast_in_dim3A_338 = vector.broadcast %scan3A_110#0 : i32 to vector<16xi32>
    %select_n3A_339 = arith.select %and3A_336, %broadcast_in_dim3A_338, %get3A_331 : vector<16xi1>, vector<16xi32>
    %swap3A_340 = arith.constant 112 : index
    %swap3A_341 = tpu.vector_load %arg7[%swap3A_340] {strides = array<i32>} : memref<256xi32, #tpu.memory_space<vmem>>, vector<16xi32>,
    tpu.vector_store %arg7[%swap3A_340], %select_n3A_339 {strides = array<i32>} : memref<256xi32, #tpu.memory_space<vmem>>, vector<16xi32>,
    %swap3A_342 = arith.constant 112 : index
    %swap3A_343 = tpu.vector_load %arg6[%swap3A_342] {strides = array<i32>} : memref<256xf32, #tpu.memory_space<vmem>>, vector<16xf32>,
    tpu.vector_store %arg6[%swap3A_342], %select_n3A_337 {strides = array<i32>} : memref<256xf32, #tpu.memory_space<vmem>>, vector<16xf32>,
    %lt3A_344 = arith.constant 0.000000e+00 : f32
    %lt3A_345 = vector.broadcast %lt3A_344 : f32 to vector<16xf32>
    %lt3A_346 = arith.cmpf olt, %select_n3A_337, %lt3A_345 : vector<16xf32>
    %jit3A_347 = arith.constant 0x7F800000 : f32
    %broadcast_in_dim3A_348 = vector.broadcast %jit3A_347 : f32 to vector<16xf32>
    %select_n3A_349 = arith.select %lt3A_346, %broadcast_in_dim3A_348, %select_n3A_337 : vector<16xi1>, vector<16xf32>
    %lt3A_350 = arith.cmpf olt, %select_n3A_349, %select_n3A_320 : vector<16xf32>
    %select_n3A_351 = arith.select %lt3A_350, %select_n3A_349, %select_n3A_320 : vector<16xi1>, vector<16xf32>
    %add3A_352 = arith.constant 112 : i32
    %add3A_353 = arith.addi %mul3A_0, %add3A_352 : i32
    %add3A_354 = vector.broadcast %add3A_353 : i32 to vector<16xi32>
    %add3A_355 = arith.addi %add3A_354, %iota3A : vector<16xi32>
    %select_n3A_356 = arith.select %lt3A_350, %add3A_355, %select_n3A_325 : vector<16xi1>, vector<16xi32>
    %get3A_357 = arith.constant 128 : index
    %get3A_358 = tpu.vector_load %arg4[%get3A_357] {strides = array<i32>} : memref<256xf32, #tpu.memory_space<vmem>>, vector<16xf32>,
    %get3A_359 = arith.constant 128 : index
    %get3A_360 = tpu.vector_load %arg6[%get3A_359] {strides = array<i32>} : memref<256xf32, #tpu.memory_space<vmem>>, vector<16xf32>,
    %get3A_361 = arith.constant 128 : index
    %get3A_362 = tpu.vector_load %arg7[%get3A_361] {strides = array<i32>} : memref<256xi32, #tpu.memory_space<vmem>>, vector<16xi32>,
    %lt3A_363 = arith.cmpf olt, %get3A_358, %get3A_360 : vector<16xf32>
    %ge3A_364 = arith.constant 0.000000e+00 : f32
    %ge3A_365 = vector.broadcast %ge3A_364 : f32 to vector<16xf32>
    %ge3A_366 = arith.cmpf oge, %get3A_360, %ge3A_365 : vector<16xf32>
    %and3A_367 = arith.andi %lt3A_363, %ge3A_366 : vector<16xi1>
    %select_n3A_368 = arith.select %and3A_367, %get3A_358, %get3A_360 : vector<16xi1>, vector<16xf32>
    %broadcast_in_dim3A_369 = vector.broadcast %scan3A_110#0 : i32 to vector<16xi32>
    %select_n3A_370 = arith.select %and3A_367, %broadcast_in_dim3A_369, %get3A_362 : vector<16xi1>, vector<16xi32>
    %swap3A_371 = arith.constant 128 : index
    %swap3A_372 = tpu.vector_load %arg7[%swap3A_371] {strides = array<i32>} : memref<256xi32, #tpu.memory_space<vmem>>, vector<16xi32>,
    tpu.vector_store %arg7[%swap3A_371], %select_n3A_370 {strides = array<i32>} : memref<256xi32, #tpu.memory_space<vmem>>, vector<16xi32>,
    %swap3A_373 = arith.constant 128 : index
    %swap3A_374 = tpu.vector_load %arg6[%swap3A_373] {strides = array<i32>} : memref<256xf32, #tpu.memory_space<vmem>>, vector<16xf32>,
    tpu.vector_store %arg6[%swap3A_373], %select_n3A_368 {strides = array<i32>} : memref<256xf32, #tpu.memory_space<vmem>>, vector<16xf32>,
    %lt3A_375 = arith.constant 0.000000e+00 : f32
    %lt3A_376 = vector.broadcast %lt3A_375 : f32 to vector<16xf32>
    %lt3A_377 = arith.cmpf olt, %select_n3A_368, %lt3A_376 : vector<16xf32>
    %jit3A_378 = arith.constant 0x7F800000 : f32
    %broadcast_in_dim3A_379 = vector.broadcast %jit3A_378 : f32 to vector<16xf32>
    %select_n3A_380 = arith.select %lt3A_377, %broadcast_in_dim3A_379, %select_n3A_368 : vector<16xi1>, vector<16xf32>
    %lt3A_381 = arith.cmpf olt, %select_n3A_380, %select_n3A_351 : vector<16xf32>
    %select_n3A_382 = arith.select %lt3A_381, %select_n3A_380, %select_n3A_351 : vector<16xi1>, vector<16xf32>
    %add3A_383 = arith.constant 128 : i32
    %add3A_384 = arith.addi %mul3A_0, %add3A_383 : i32
    %add3A_385 = vector.broadcast %add3A_384 : i32 to vector<16xi32>
    %add3A_386 = arith.addi %add3A_385, %iota3A : vector<16xi32>
    %select_n3A_387 = arith.select %lt3A_381, %add3A_386, %select_n3A_356 : vector<16xi1>, vector<16xi32>
    %get3A_388 = arith.constant 144 : index
    %get3A_389 = tpu.vector_load %arg4[%get3A_388] {strides = array<i32>} : memref<256xf32, #tpu.memory_space<vmem>>, vector<16xf32>,
    %get3A_390 = arith.constant 144 : index
    %get3A_391 = tpu.vector_load %arg6[%get3A_390] {strides = array<i32>} : memref<256xf32, #tpu.memory_space<vmem>>, vector<16xf32>,
    %get3A_392 = arith.constant 144 : index
    %get3A_393 = tpu.vector_load %arg7[%get3A_392] {strides = array<i32>} : memref<256xi32, #tpu.memory_space<vmem>>, vector<16xi32>,
    %lt3A_394 = arith.cmpf olt, %get3A_389, %get3A_391 : vector<16xf32>
    %ge3A_395 = arith.constant 0.000000e+00 : f32
    %ge3A_396 = vector.broadcast %ge3A_395 : f32 to vector<16xf32>
    %ge3A_397 = arith.cmpf oge, %get3A_391, %ge3A_396 : vector<16xf32>
    %and3A_398 = arith.andi %lt3A_394, %ge3A_397 : vector<16xi1>
    %select_n3A_399 = arith.select %and3A_398, %get3A_389, %get3A_391 : vector<16xi1>, vector<16xf32>
    %broadcast_in_dim3A_400 = vector.broadcast %scan3A_110#0 : i32 to vector<16xi32>
    %select_n3A_401 = arith.select %and3A_398, %broadcast_in_dim3A_400, %get3A_393 : vector<16xi1>, vector<16xi32>
    %swap3A_402 = arith.constant 144 : index
    %swap3A_403 = tpu.vector_load %arg7[%swap3A_402] {strides = array<i32>} : memref<256xi32, #tpu.memory_space<vmem>>, vector<16xi32>,
    tpu.vector_store %arg7[%swap3A_402], %select_n3A_401 {strides = array<i32>} : memref<256xi32, #tpu.memory_space<vmem>>, vector<16xi32>,
    %swap3A_404 = arith.constant 144 : index
    %swap3A_405 = tpu.vector_load %arg6[%swap3A_404] {strides = array<i32>} : memref<256xf32, #tpu.memory_space<vmem>>, vector<16xf32>,
    tpu.vector_store %arg6[%swap3A_404], %select_n3A_399 {strides = array<i32>} : memref<256xf32, #tpu.memory_space<vmem>>, vector<16xf32>,
    %lt3A_406 = arith.constant 0.000000e+00 : f32
    %lt3A_407 = vector.broadcast %lt3A_406 : f32 to vector<16xf32>
    %lt3A_408 = arith.cmpf olt, %select_n3A_399, %lt3A_407 : vector<16xf32>
    %jit3A_409 = arith.constant 0x7F800000 : f32
    %broadcast_in_dim3A_410 = vector.broadcast %jit3A_409 : f32 to vector<16xf32>
    %select_n3A_411 = arith.select %lt3A_408, %broadcast_in_dim3A_410, %select_n3A_399 : vector<16xi1>, vector<16xf32>
    %lt3A_412 = arith.cmpf olt, %select_n3A_411, %select_n3A_382 : vector<16xf32>
    %select_n3A_413 = arith.select %lt3A_412, %select_n3A_411, %select_n3A_382 : vector<16xi1>, vector<16xf32>
    %add3A_414 = arith.constant 144 : i32
    %add3A_415 = arith.addi %mul3A_0, %add3A_414 : i32
    %add3A_416 = vector.broadcast %add3A_415 : i32 to vector<16xi32>
    %add3A_417 = arith.addi %add3A_416, %iota3A : vector<16xi32>
    %select_n3A_418 = arith.select %lt3A_412, %add3A_417, %select_n3A_387 : vector<16xi1>, vector<16xi32>
    %get3A_419 = arith.constant 160 : index
    %get3A_420 = tpu.vector_load %arg4[%get3A_419] {strides = array<i32>} : memref<256xf32, #tpu.memory_space<vmem>>, vector<16xf32>,
    %get3A_421 = arith.constant 160 : index
    %get3A_422 = tpu.vector_load %arg6[%get3A_421] {strides = array<i32>} : memref<256xf32, #tpu.memory_space<vmem>>, vector<16xf32>,
    %get3A_423 = arith.constant 160 : index
    %get3A_424 = tpu.vector_load %arg7[%get3A_423] {strides = array<i32>} : memref<256xi32, #tpu.memory_space<vmem>>, vector<16xi32>,
    %lt3A_425 = arith.cmpf olt, %get3A_420, %get3A_422 : vector<16xf32>
    %ge3A_426 = arith.constant 0.000000e+00 : f32
    %ge3A_427 = vector.broadcast %ge3A_426 : f32 to vector<16xf32>
    %ge3A_428 = arith.cmpf oge, %get3A_422, %ge3A_427 : vector<16xf32>
    %and3A_429 = arith.andi %lt3A_425, %ge3A_428 : vector<16xi1>
    %select_n3A_430 = arith.select %and3A_429, %get3A_420, %get3A_422 : vector<16xi1>, vector<16xf32>
    %broadcast_in_dim3A_431 = vector.broadcast %scan3A_110#0 : i32 to vector<16xi32>
    %select_n3A_432 = arith.select %and3A_429, %broadcast_in_dim3A_431, %get3A_424 : vector<16xi1>, vector<16xi32>
    %swap3A_433 = arith.constant 160 : index
    %swap3A_434 = tpu.vector_load %arg7[%swap3A_433] {strides = array<i32>} : memref<256xi32, #tpu.memory_space<vmem>>, vector<16xi32>,
    tpu.vector_store %arg7[%swap3A_433], %select_n3A_432 {strides = array<i32>} : memref<256xi32, #tpu.memory_space<vmem>>, vector<16xi32>,
    %swap3A_435 = arith.constant 160 : index
    %swap3A_436 = tpu.vector_load %arg6[%swap3A_435] {strides = array<i32>} : memref<256xf32, #tpu.memory_space<vmem>>, vector<16xf32>,
    tpu.vector_store %arg6[%swap3A_435], %select_n3A_430 {strides = array<i32>} : memref<256xf32, #tpu.memory_space<vmem>>, vector<16xf32>,
    %lt3A_437 = arith.constant 0.000000e+00 : f32
    %lt3A_438 = vector.broadcast %lt3A_437 : f32 to vector<16xf32>
    %lt3A_439 = arith.cmpf olt, %select_n3A_430, %lt3A_438 : vector<16xf32>
    %jit3A_440 = arith.constant 0x7F800000 : f32
    %broadcast_in_dim3A_441 = vector.broadcast %jit3A_440 : f32 to vector<16xf32>
    %select_n3A_442 = arith.select %lt3A_439, %broadcast_in_dim3A_441, %select_n3A_430 : vector<16xi1>, vector<16xf32>
    %lt3A_443 = arith.cmpf olt, %select_n3A_442, %select_n3A_413 : vector<16xf32>
    %select_n3A_444 = arith.select %lt3A_443, %select_n3A_442, %select_n3A_413 : vector<16xi1>, vector<16xf32>
    %add3A_445 = arith.constant 160 : i32
    %add3A_446 = arith.addi %mul3A_0, %add3A_445 : i32
    %add3A_447 = vector.broadcast %add3A_446 : i32 to vector<16xi32>
    %add3A_448 = arith.addi %add3A_447, %iota3A : vector<16xi32>
    %select_n3A_449 = arith.select %lt3A_443, %add3A_448, %select_n3A_418 : vector<16xi1>, vector<16xi32>
    %get3A_450 = arith.constant 176 : index
    %get3A_451 = tpu.vector_load %arg4[%get3A_450] {strides = array<i32>} : memref<256xf32, #tpu.memory_space<vmem>>, vector<16xf32>,
    %get3A_452 = arith.constant 176 : index
    %get3A_453 = tpu.vector_load %arg6[%get3A_452] {strides = array<i32>} : memref<256xf32, #tpu.memory_space<vmem>>, vector<16xf32>,
    %get3A_454 = arith.constant 176 : index
    %get3A_455 = tpu.vector_load %arg7[%get3A_454] {strides = array<i32>} : memref<256xi32, #tpu.memory_space<vmem>>, vector<16xi32>,
    %lt3A_456 = arith.cmpf olt, %get3A_451, %get3A_453 : vector<16xf32>
    %ge3A_457 = arith.constant 0.000000e+00 : f32
    %ge3A_458 = vector.broadcast %ge3A_457 : f32 to vector<16xf32>
    %ge3A_459 = arith.cmpf oge, %get3A_453, %ge3A_458 : vector<16xf32>
    %and3A_460 = arith.andi %lt3A_456, %ge3A_459 : vector<16xi1>
    %select_n3A_461 = arith.select %and3A_460, %get3A_451, %get3A_453 : vector<16xi1>, vector<16xf32>
    %broadcast_in_dim3A_462 = vector.broadcast %scan3A_110#0 : i32 to vector<16xi32>
    %select_n3A_463 = arith.select %and3A_460, %broadcast_in_dim3A_462, %get3A_455 : vector<16xi1>, vector<16xi32>
    %swap3A_464 = arith.constant 176 : index
    %swap3A_465 = tpu.vector_load %arg7[%swap3A_464] {strides = array<i32>} : memref<256xi32, #tpu.memory_space<vmem>>, vector<16xi32>,
    tpu.vector_store %arg7[%swap3A_464], %select_n3A_463 {strides = array<i32>} : memref<256xi32, #tpu.memory_space<vmem>>, vector<16xi32>,
    %swap3A_466 = arith.constant 176 : index
    %swap3A_467 = tpu.vector_load %arg6[%swap3A_466] {strides = array<i32>} : memref<256xf32, #tpu.memory_space<vmem>>, vector<16xf32>,
    tpu.vector_store %arg6[%swap3A_466], %select_n3A_461 {strides = array<i32>} : memref<256xf32, #tpu.memory_space<vmem>>, vector<16xf32>,
    %lt3A_468 = arith.constant 0.000000e+00 : f32
    %lt3A_469 = vector.broadcast %lt3A_468 : f32 to vector<16xf32>
    %lt3A_470 = arith.cmpf olt, %select_n3A_461, %lt3A_469 : vector<16xf32>
    %jit3A_471 = arith.constant 0x7F800000 : f32
    %broadcast_in_dim3A_472 = vector.broadcast %jit3A_471 : f32 to vector<16xf32>
    %select_n3A_473 = arith.select %lt3A_470, %broadcast_in_dim3A_472, %select_n3A_461 : vector<16xi1>, vector<16xf32>
    %lt3A_474 = arith.cmpf olt, %select_n3A_473, %select_n3A_444 : vector<16xf32>
    %select_n3A_475 = arith.select %lt3A_474, %select_n3A_473, %select_n3A_444 : vector<16xi1>, vector<16xf32>
    %add3A_476 = arith.constant 176 : i32
    %add3A_477 = arith.addi %mul3A_0, %add3A_476 : i32
    %add3A_478 = vector.broadcast %add3A_477 : i32 to vector<16xi32>
    %add3A_479 = arith.addi %add3A_478, %iota3A : vector<16xi32>
    %select_n3A_480 = arith.select %lt3A_474, %add3A_479, %select_n3A_449 : vector<16xi1>, vector<16xi32>
    %get3A_481 = arith.constant 192 : index
    %get3A_482 = tpu.vector_load %arg4[%get3A_481] {strides = array<i32>} : memref<256xf32, #tpu.memory_space<vmem>>, vector<16xf32>,
    %get3A_483 = arith.constant 192 : index
    %get3A_484 = tpu.vector_load %arg6[%get3A_483] {strides = array<i32>} : memref<256xf32, #tpu.memory_space<vmem>>, vector<16xf32>,
    %get3A_485 = arith.constant 192 : index
    %get3A_486 = tpu.vector_load %arg7[%get3A_485] {strides = array<i32>} : memref<256xi32, #tpu.memory_space<vmem>>, vector<16xi32>,
    %lt3A_487 = arith.cmpf olt, %get3A_482, %get3A_484 : vector<16xf32>
    %ge3A_488 = arith.constant 0.000000e+00 : f32
    %ge3A_489 = vector.broadcast %ge3A_488 : f32 to vector<16xf32>
    %ge3A_490 = arith.cmpf oge, %get3A_484, %ge3A_489 : vector<16xf32>
    %and3A_491 = arith.andi %lt3A_487, %ge3A_490 : vector<16xi1>
    %select_n3A_492 = arith.select %and3A_491, %get3A_482, %get3A_484 : vector<16xi1>, vector<16xf32>
    %broadcast_in_dim3A_493 = vector.broadcast %scan3A_110#0 : i32 to vector<16xi32>
    %select_n3A_494 = arith.select %and3A_491, %broadcast_in_dim3A_493, %get3A_486 : vector<16xi1>, vector<16xi32>
    %swap3A_495 = arith.constant 192 : index
    %swap3A_496 = tpu.vector_load %arg7[%swap3A_495] {strides = array<i32>} : memref<256xi32, #tpu.memory_space<vmem>>, vector<16xi32>,
    tpu.vector_store %arg7[%swap3A_495], %select_n3A_494 {strides = array<i32>} : memref<256xi32, #tpu.memory_space<vmem>>, vector<16xi32>,
    %swap3A_497 = arith.constant 192 : index
    %swap3A_498 = tpu.vector_load %arg6[%swap3A_497] {strides = array<i32>} : memref<256xf32, #tpu.memory_space<vmem>>, vector<16xf32>,
    tpu.vector_store %arg6[%swap3A_497], %select_n3A_492 {strides = array<i32>} : memref<256xf32, #tpu.memory_space<vmem>>, vector<16xf32>,
    %lt3A_499 = arith.constant 0.000000e+00 : f32
    %lt3A_500 = vector.broadcast %lt3A_499 : f32 to vector<16xf32>
    %lt3A_501 = arith.cmpf olt, %select_n3A_492, %lt3A_500 : vector<16xf32>
    %jit3A_502 = arith.constant 0x7F800000 : f32
    %broadcast_in_dim3A_503 = vector.broadcast %jit3A_502 : f32 to vector<16xf32>
    %select_n3A_504 = arith.select %lt3A_501, %broadcast_in_dim3A_503, %select_n3A_492 : vector<16xi1>, vector<16xf32>
    %lt3A_505 = arith.cmpf olt, %select_n3A_504, %select_n3A_475 : vector<16xf32>
    %select_n3A_506 = arith.select %lt3A_505, %select_n3A_504, %select_n3A_475 : vector<16xi1>, vector<16xf32>
    %add3A_507 = arith.constant 192 : i32
    %add3A_508 = arith.addi %mul3A_0, %add3A_507 : i32
    %add3A_509 = vector.broadcast %add3A_508 : i32 to vector<16xi32>
    %add3A_510 = arith.addi %add3A_509, %iota3A : vector<16xi32>
    %select_n3A_511 = arith.select %lt3A_505, %add3A_510, %select_n3A_480 : vector<16xi1>, vector<16xi32>
    %get3A_512 = arith.constant 208 : index
    %get3A_513 = tpu.vector_load %arg4[%get3A_512] {strides = array<i32>} : memref<256xf32, #tpu.memory_space<vmem>>, vector<16xf32>,
    %get3A_514 = arith.constant 208 : index
    %get3A_515 = tpu.vector_load %arg6[%get3A_514] {strides = array<i32>} : memref<256xf32, #tpu.memory_space<vmem>>, vector<16xf32>,
    %get3A_516 = arith.constant 208 : index
    %get3A_517 = tpu.vector_load %arg7[%get3A_516] {strides = array<i32>} : memref<256xi32, #tpu.memory_space<vmem>>, vector<16xi32>,
    %lt3A_518 = arith.cmpf olt, %get3A_513, %get3A_515 : vector<16xf32>
    %ge3A_519 = arith.constant 0.000000e+00 : f32
    %ge3A_520 = vector.broadcast %ge3A_519 : f32 to vector<16xf32>
    %ge3A_521 = arith.cmpf oge, %get3A_515, %ge3A_520 : vector<16xf32>
    %and3A_522 = arith.andi %lt3A_518, %ge3A_521 : vector<16xi1>
    %select_n3A_523 = arith.select %and3A_522, %get3A_513, %get3A_515 : vector<16xi1>, vector<16xf32>
    %broadcast_in_dim3A_524 = vector.broadcast %scan3A_110#0 : i32 to vector<16xi32>
    %select_n3A_525 = arith.select %and3A_522, %broadcast_in_dim3A_524, %get3A_517 : vector<16xi1>, vector<16xi32>
    %swap3A_526 = arith.constant 208 : index
    %swap3A_527 = tpu.vector_load %arg7[%swap3A_526] {strides = array<i32>} : memref<256xi32, #tpu.memory_space<vmem>>, vector<16xi32>,
    tpu.vector_store %arg7[%swap3A_526], %select_n3A_525 {strides = array<i32>} : memref<256xi32, #tpu.memory_space<vmem>>, vector<16xi32>,
    %swap3A_528 = arith.constant 208 : index
    %swap3A_529 = tpu.vector_load %arg6[%swap3A_528] {strides = array<i32>} : memref<256xf32, #tpu.memory_space<vmem>>, vector<16xf32>,
    tpu.vector_store %arg6[%swap3A_528], %select_n3A_523 {strides = array<i32>} : memref<256xf32, #tpu.memory_space<vmem>>, vector<16xf32>,
    %lt3A_530 = arith.constant 0.000000e+00 : f32
    %lt3A_531 = vector.broadcast %lt3A_530 : f32 to vector<16xf32>
    %lt3A_532 = arith.cmpf olt, %select_n3A_523, %lt3A_531 : vector<16xf32>
    %jit3A_533 = arith.constant 0x7F800000 : f32
    %broadcast_in_dim3A_534 = vector.broadcast %jit3A_533 : f32 to vector<16xf32>
    %select_n3A_535 = arith.select %lt3A_532, %broadcast_in_dim3A_534, %select_n3A_523 : vector<16xi1>, vector<16xf32>
    %lt3A_536 = arith.cmpf olt, %select_n3A_535, %select_n3A_506 : vector<16xf32>
    %select_n3A_537 = arith.select %lt3A_536, %select_n3A_535, %select_n3A_506 : vector<16xi1>, vector<16xf32>
    %add3A_538 = arith.constant 208 : i32
    %add3A_539 = arith.addi %mul3A_0, %add3A_538 : i32
    %add3A_540 = vector.broadcast %add3A_539 : i32 to vector<16xi32>
    %add3A_541 = arith.addi %add3A_540, %iota3A : vector<16xi32>
    %select_n3A_542 = arith.select %lt3A_536, %add3A_541, %select_n3A_511 : vector<16xi1>, vector<16xi32>
    %get3A_543 = arith.constant 224 : index
    %get3A_544 = tpu.vector_load %arg4[%get3A_543] {strides = array<i32>} : memref<256xf32, #tpu.memory_space<vmem>>, vector<16xf32>,
    %get3A_545 = arith.constant 224 : index
    %get3A_546 = tpu.vector_load %arg6[%get3A_545] {strides = array<i32>} : memref<256xf32, #tpu.memory_space<vmem>>, vector<16xf32>,
    %get3A_547 = arith.constant 224 : index
    %get3A_548 = tpu.vector_load %arg7[%get3A_547] {strides = array<i32>} : memref<256xi32, #tpu.memory_space<vmem>>, vector<16xi32>,
    %lt3A_549 = arith.cmpf olt, %get3A_544, %get3A_546 : vector<16xf32>
    %ge3A_550 = arith.constant 0.000000e+00 : f32
    %ge3A_551 = vector.broadcast %ge3A_550 : f32 to vector<16xf32>
    %ge3A_552 = arith.cmpf oge, %get3A_546, %ge3A_551 : vector<16xf32>
    %and3A_553 = arith.andi %lt3A_549, %ge3A_552 : vector<16xi1>
    %select_n3A_554 = arith.select %and3A_553, %get3A_544, %get3A_546 : vector<16xi1>, vector<16xf32>
    %broadcast_in_dim3A_555 = vector.broadcast %scan3A_110#0 : i32 to vector<16xi32>
    %select_n3A_556 = arith.select %and3A_553, %broadcast_in_dim3A_555, %get3A_548 : vector<16xi1>, vector<16xi32>
    %swap3A_557 = arith.constant 224 : index
    %swap3A_558 = tpu.vector_load %arg7[%swap3A_557] {strides = array<i32>} : memref<256xi32, #tpu.memory_space<vmem>>, vector<16xi32>,
    tpu.vector_store %arg7[%swap3A_557], %select_n3A_556 {strides = array<i32>} : memref<256xi32, #tpu.memory_space<vmem>>, vector<16xi32>,
    %swap3A_559 = arith.constant 224 : index
    %swap3A_560 = tpu.vector_load %arg6[%swap3A_559] {strides = array<i32>} : memref<256xf32, #tpu.memory_space<vmem>>, vector<16xf32>,
    tpu.vector_store %arg6[%swap3A_559], %select_n3A_554 {strides = array<i32>} : memref<256xf32, #tpu.memory_space<vmem>>, vector<16xf32>,
    %lt3A_561 = arith.constant 0.000000e+00 : f32
    %lt3A_562 = vector.broadcast %lt3A_561 : f32 to vector<16xf32>
    %lt3A_563 = arith.cmpf olt, %select_n3A_554, %lt3A_562 : vector<16xf32>
    %jit3A_564 = arith.constant 0x7F800000 : f32
    %broadcast_in_dim3A_565 = vector.broadcast %jit3A_564 : f32 to vector<16xf32>
    %select_n3A_566 = arith.select %lt3A_563, %broadcast_in_dim3A_565, %select_n3A_554 : vector<16xi1>, vector<16xf32>
    %lt3A_567 = arith.cmpf olt, %select_n3A_566, %select_n3A_537 : vector<16xf32>
    %select_n3A_568 = arith.select %lt3A_567, %select_n3A_566, %select_n3A_537 : vector<16xi1>, vector<16xf32>
    %add3A_569 = arith.constant 224 : i32
    %add3A_570 = arith.addi %mul3A_0, %add3A_569 : i32
    %add3A_571 = vector.broadcast %add3A_570 : i32 to vector<16xi32>
    %add3A_572 = arith.addi %add3A_571, %iota3A : vector<16xi32>
    %select_n3A_573 = arith.select %lt3A_567, %add3A_572, %select_n3A_542 : vector<16xi1>, vector<16xi32>
    %get3A_574 = arith.constant 240 : index
    %get3A_575 = tpu.vector_load %arg4[%get3A_574] {strides = array<i32>} : memref<256xf32, #tpu.memory_space<vmem>>, vector<16xf32>,
    %get3A_576 = arith.constant 240 : index
    %get3A_577 = tpu.vector_load %arg6[%get3A_576] {strides = array<i32>} : memref<256xf32, #tpu.memory_space<vmem>>, vector<16xf32>,
    %get3A_578 = arith.constant 240 : index
    %get3A_579 = tpu.vector_load %arg7[%get3A_578] {strides = array<i32>} : memref<256xi32, #tpu.memory_space<vmem>>, vector<16xi32>,
    %lt3A_580 = arith.cmpf olt, %get3A_575, %get3A_577 : vector<16xf32>
    %ge3A_581 = arith.constant 0.000000e+00 : f32
    %ge3A_582 = vector.broadcast %ge3A_581 : f32 to vector<16xf32>
    %ge3A_583 = arith.cmpf oge, %get3A_577, %ge3A_582 : vector<16xf32>
    %and3A_584 = arith.andi %lt3A_580, %ge3A_583 : vector<16xi1>
    %select_n3A_585 = arith.select %and3A_584, %get3A_575, %get3A_577 : vector<16xi1>, vector<16xf32>
    %broadcast_in_dim3A_586 = vector.broadcast %scan3A_110#0 : i32 to vector<16xi32>
    %select_n3A_587 = arith.select %and3A_584, %broadcast_in_dim3A_586, %get3A_579 : vector<16xi1>, vector<16xi32>
    %swap3A_588 = arith.constant 240 : index
    %swap3A_589 = tpu.vector_load %arg7[%swap3A_588] {strides = array<i32>} : memref<256xi32, #tpu.memory_space<vmem>>, vector<16xi32>,
    tpu.vector_store %arg7[%swap3A_588], %select_n3A_587 {strides = array<i32>} : memref<256xi32, #tpu.memory_space<vmem>>, vector<16xi32>,
    %swap3A_590 = arith.constant 240 : index
    %swap3A_591 = tpu.vector_load %arg6[%swap3A_590] {strides = array<i32>} : memref<256xf32, #tpu.memory_space<vmem>>, vector<16xf32>,
    tpu.vector_store %arg6[%swap3A_590], %select_n3A_585 {strides = array<i32>} : memref<256xf32, #tpu.memory_space<vmem>>, vector<16xf32>,
    %lt3A_592 = arith.constant 0.000000e+00 : f32
    %lt3A_593 = vector.broadcast %lt3A_592 : f32 to vector<16xf32>
    %lt3A_594 = arith.cmpf olt, %select_n3A_585, %lt3A_593 : vector<16xf32>
    %jit3A_595 = arith.constant 0x7F800000 : f32
    %broadcast_in_dim3A_596 = vector.broadcast %jit3A_595 : f32 to vector<16xf32>
    %select_n3A_597 = arith.select %lt3A_594, %broadcast_in_dim3A_596, %select_n3A_585 : vector<16xi1>, vector<16xf32>
    %lt3A_598 = arith.cmpf olt, %select_n3A_597, %select_n3A_568 : vector<16xf32>
    %select_n3A_599 = arith.select %lt3A_598, %select_n3A_597, %select_n3A_568 : vector<16xi1>, vector<16xf32>
    %add3A_600 = arith.constant 240 : i32
    %add3A_601 = arith.addi %mul3A_0, %add3A_600 : i32
    %add3A_602 = vector.broadcast %add3A_601 : i32 to vector<16xi32>
    %add3A_603 = arith.addi %add3A_602, %iota3A : vector<16xi32>
    %select_n3A_604 = arith.select %lt3A_598, %add3A_603, %select_n3A_573 : vector<16xi1>, vector<16xi32>
    %reduce_min3A = arith.constant true
    %reduce_min3A_605 = vector.broadcast %reduce_min3A : i1 to vector<16xi1>
    %reduce_min3A_606 = tpu.scan <min>, %select_n3A_599 masked %reduce_min3A_605 : vector<16xf32>, vector<16xi1> -> vector<16xf32>
    %reduce_min3A_607 = vector.extract %reduce_min3A_606[15] : f32 from vector<16xf32>
    %eq3A_608 = vector.broadcast %reduce_min3A_607 : f32 to vector<16xf32>
    %eq3A_609 = arith.cmpf oeq, %select_n3A_599, %eq3A_608 : vector<16xf32>
    %jit3A_610 = arith.constant 4096 : i32
    %broadcast_in_dim3A_611 = vector.broadcast %jit3A_610 : i32 to vector<16xi32>
    %select_n3A_612 = arith.select %eq3A_609, %select_n3A_604, %broadcast_in_dim3A_611 : vector<16xi1>, vector<16xi32>
    %reduce_min3A_613 = arith.constant true
    %reduce_min3A_614 = vector.broadcast %reduce_min3A_613 : i1 to vector<16xi1>
    %reduce_min3A_615 = arith.constant -2147483648 : i32
    %reduce_min3A_616 = vector.broadcast %reduce_min3A_615 : i32 to vector<16xi32>
    %reduce_min3A_617 = arith.xori %select_n3A_612, %reduce_min3A_616 : vector<16xi32>
    %reduce_min3A_618 = tpu.scan <min>, %reduce_min3A_617 masked %reduce_min3A_614 : vector<16xi32>, vector<16xi1> -> vector<16xi32>
    %reduce_min3A_619 = arith.xori %reduce_min3A_618, %reduce_min3A_616 : vector<16xi32>
    %reduce_min3A_620 = vector.extract %reduce_min3A_619[15] : i32 from vector<16xi32>
    %broadcast_in_dim3A_621 = vector.broadcast %reduce_min3A_607 : f32 to vector<16xf32>
    %bitcast3A = vector.bitcast %broadcast_in_dim3A_621 : vector<16xf32> to vector<16xi32>
    %eq3A_622 = arith.constant 0 : i32
    %eq3A_623 = vector.broadcast %eq3A_622 : i32 to vector<16xi32>
    %eq3A_624 = arith.cmpi eq, %iota3A, %eq3A_623 : vector<16xi32>
    %broadcast_in_dim3A_625 = vector.broadcast %reduce_min3A_620 : i32 to vector<16xi32>
    %select_n3A_626 = arith.select %eq3A_624, %bitcast3A, %broadcast_in_dim3A_625 : vector<16xi1>, vector<16xi32>
    %swap3A_627 = arith.constant 0 : index
    %swap3A_628 = tpu.vector_load %arg8[%swap3A_627] {strides = array<i32>} : memref<16xi32, #tpu.memory_space<vmem>>, vector<16xi32>,
    tpu.vector_store %arg8[%swap3A_627], %select_n3A_626 {strides = array<i32>} : memref<16xi32, #tpu.memory_space<vmem>>, vector<16xi32>,
    %mul3A_629 = arith.constant 8 : i32
    %mul3A_630 = arith.muli %arg1, %mul3A_629 : i32
    %add3A_631 = arith.constant 0 : i32
    %add3A_632 = arith.addi %add3A_631, %mul3A_630 : i32
    "tpu.region"() ({
      %run_scoped3A_712 = tpu.sem_alloc : memref<!tpu.dma_semaphore, #tpu.memory_space<semaphore_mem>>
      %dma_start3A_713 = arith.constant 0 : i32
      %dma_start3A_714 = tpu.memref_slice %arg8[%dma_start3A_713] : memref<16xi32, #tpu.memory_space<vmem>> -> memref<8xi32, #tpu.memory_space<vmem>>
      %dma_start3A_715 = tpu.memref_slice %arg13[%add3A_632] : memref<2048xi32, #tpu.memory_space<vmem_shared>> -> memref<8xi32, #tpu.memory_space<vmem_shared>>
      %dma_start3A_716 = tpu.memref_slice %arg13[%add3A_632] : memref<2048xi32, #tpu.memory_space<vmem_shared>> -> memref<8xi32, #tpu.memory_space<vmem_shared>>
      %dma_start3A_717 = arith.constant 0 : i32
      %dma_start3A_718 = tpu.memref_slice %arg8[%dma_start3A_717] : memref<16xi32, #tpu.memory_space<vmem>> -> memref<8xi32, #tpu.memory_space<vmem>>
      tpu.enqueue_dma source(%dma_start3A_718 : memref<8xi32, #tpu.memory_space<vmem>>) target(%dma_start3A_716 : memref<8xi32, #tpu.memory_space<vmem_shared>>) target_semaphore(%run_scoped3A_712 : memref<!tpu.dma_semaphore, #tpu.memory_space<semaphore_mem>>)
      %dma_wait3A_719 = arith.constant 0 : i32
      %dma_wait3A_720 = tpu.memref_slice %arg8[%dma_wait3A_719] : memref<16xi32, #tpu.memory_space<vmem>> -> memref<8xi32, #tpu.memory_space<vmem>>
      %dma_wait3A_721 = tpu.memref_slice %arg13[%add3A_632] : memref<2048xi32, #tpu.memory_space<vmem_shared>> -> memref<8xi32, #tpu.memory_space<vmem_shared>>
      %dma_wait3A_722 = tpu.memref_slice %arg13[%add3A_632] : memref<2048xi32, #tpu.memory_space<vmem_shared>> -> memref<8xi32, #tpu.memory_space<vmem_shared>>
      %dma_wait3A_723 = arith.constant 0 : i32
      %dma_wait3A_724 = tpu.memref_slice %arg8[%dma_wait3A_723] : memref<16xi32, #tpu.memory_space<vmem>> -> memref<8xi32, #tpu.memory_space<vmem>>
      tpu.wait_dma2 semaphore(%run_scoped3A_712 : memref<!tpu.dma_semaphore, #tpu.memory_space<semaphore_mem>>) src(%dma_wait3A_724 : memref<8xi32, #tpu.memory_space<vmem>>) dst(%dma_wait3A_722 : memref<8xi32, #tpu.memory_space<vmem_shared>>)
      tpu.yield
    }) : () -> ()
    %barrier3A = arith.constant 0 : index
    tpu.barrier barrier_id(%barrier3A)
    "tpu.region"() ({
      %run_scoped3A_712 = tpu.sem_alloc : memref<!tpu.dma_semaphore, #tpu.memory_space<semaphore_mem>>
      %dma_start3A_713 = arith.constant 0 : i32
      %dma_start3A_714 = tpu.memref_slice %arg13[%dma_start3A_713] : memref<2048xi32, #tpu.memory_space<vmem_shared>> -> memref<128xi32, #tpu.memory_space<vmem_shared>>
      %dma_start3A_715 = arith.constant 0 : i32
      %dma_start3A_716 = tpu.memref_slice %arg13[%dma_start3A_715] : memref<2048xi32, #tpu.memory_space<vmem_shared>> -> memref<128xi32, #tpu.memory_space<vmem_shared>>
      tpu.enqueue_dma source(%dma_start3A_716 : memref<128xi32, #tpu.memory_space<vmem_shared>>) target(%arg10 : memref<128xi32, #tpu.memory_space<vmem>>) target_semaphore(%run_scoped3A_712 : memref<!tpu.dma_semaphore, #tpu.memory_space<semaphore_mem>>)
      %dma_wait3A_717 = arith.constant 0 : i32
      %dma_wait3A_718 = tpu.memref_slice %arg13[%dma_wait3A_717] : memref<2048xi32, #tpu.memory_space<vmem_shared>> -> memref<128xi32, #tpu.memory_space<vmem_shared>>
      %dma_wait3A_719 = arith.constant 0 : i32
      %dma_wait3A_720 = tpu.memref_slice %arg13[%dma_wait3A_719] : memref<2048xi32, #tpu.memory_space<vmem_shared>> -> memref<128xi32, #tpu.memory_space<vmem_shared>>
      tpu.wait_dma2 semaphore(%run_scoped3A_712 : memref<!tpu.dma_semaphore, #tpu.memory_space<semaphore_mem>>) src(%dma_wait3A_720 : memref<128xi32, #tpu.memory_space<vmem_shared>>) dst(%arg10 : memref<128xi32, #tpu.memory_space<vmem>>)
      tpu.yield
    }) : () -> ()
    %mul3A_633 = arith.constant 8 : i32
    %mul3A_634 = vector.broadcast %mul3A_633 : i32 to vector<16xi32>
    %mul3A_635 = arith.muli %iota3A, %mul3A_634 : vector<16xi32>
    %gather3A = tpu.vector_load_idx %arg10[%mul3A_635] : memref<128xi32, #tpu.memory_space<vmem>>[vector<16xi32>], vector<16xi32>,
    %mul3A_636 = arith.constant 8 : i32
    %mul3A_637 = vector.broadcast %mul3A_636 : i32 to vector<16xi32>
    %mul3A_638 = arith.muli %iota3A, %mul3A_637 : vector<16xi32>
    %add3A_639 = arith.addi %mul3A_638, %broadcast_in_dim3A_3 : vector<16xi32>
    %gather3A_640 = tpu.vector_load_idx %arg10[%add3A_639] : memref<128xi32, #tpu.memory_space<vmem>>[vector<16xi32>], vector<16xi32>,
    %reduce_min3A_641 = arith.constant true
    %reduce_min3A_642 = vector.broadcast %reduce_min3A_641 : i1 to vector<16xi1>
    %reduce_min3A_643 = arith.constant -2147483648 : i32
    %reduce_min3A_644 = vector.broadcast %reduce_min3A_643 : i32 to vector<16xi32>
    %reduce_min3A_645 = arith.xori %gather3A, %reduce_min3A_644 : vector<16xi32>
    %reduce_min3A_646 = tpu.scan <min>, %reduce_min3A_645 masked %reduce_min3A_642 : vector<16xi32>, vector<16xi1> -> vector<16xi32>
    %reduce_min3A_647 = arith.xori %reduce_min3A_646, %reduce_min3A_644 : vector<16xi32>
    %reduce_min3A_648 = vector.extract %reduce_min3A_647[15] : i32 from vector<16xi32>
    %eq3A_649 = vector.broadcast %reduce_min3A_648 : i32 to vector<16xi32>
    %eq3A_650 = arith.cmpi eq, %gather3A, %eq3A_649 : vector<16xi32>
    %jit3A_651 = arith.constant 4096 : i32
    %broadcast_in_dim3A_652 = vector.broadcast %jit3A_651 : i32 to vector<16xi32>
    %select_n3A_653 = arith.select %eq3A_650, %gather3A_640, %broadcast_in_dim3A_652 : vector<16xi1>, vector<16xi32>
    %reduce_min3A_654 = arith.constant true
    %reduce_min3A_655 = vector.broadcast %reduce_min3A_654 : i1 to vector<16xi1>
    %reduce_min3A_656 = arith.constant -2147483648 : i32
    %reduce_min3A_657 = vector.broadcast %reduce_min3A_656 : i32 to vector<16xi32>
    %reduce_min3A_658 = arith.xori %select_n3A_653, %reduce_min3A_657 : vector<16xi32>
    %reduce_min3A_659 = tpu.scan <min>, %reduce_min3A_658 masked %reduce_min3A_655 : vector<16xi32>, vector<16xi1> -> vector<16xi32>
    %reduce_min3A_660 = arith.xori %reduce_min3A_659, %reduce_min3A_657 : vector<16xi32>
    %reduce_min3A_661 = vector.extract %reduce_min3A_660[15] : i32 from vector<16xi32>
    %eq3A_662 = vector.broadcast %reduce_min3A_661 : i32 to vector<16xi32>
    %eq3A_663 = arith.cmpi eq, %gather3A_640, %eq3A_662 : vector<16xi32>
    %jit3A_664 = arith.constant 2147483647 : i32
    %broadcast_in_dim3A_665 = vector.broadcast %jit3A_664 : i32 to vector<16xi32>
    %select_n3A_666 = arith.select %eq3A_663, %broadcast_in_dim3A_665, %gather3A : vector<16xi1>, vector<16xi32>
    %reduce_min3A_667 = arith.constant true
    %reduce_min3A_668 = vector.broadcast %reduce_min3A_667 : i1 to vector<16xi1>
    %reduce_min3A_669 = arith.constant -2147483648 : i32
    %reduce_min3A_670 = vector.broadcast %reduce_min3A_669 : i32 to vector<16xi32>
    %reduce_min3A_671 = arith.xori %select_n3A_666, %reduce_min3A_670 : vector<16xi32>
    %reduce_min3A_672 = tpu.scan <min>, %reduce_min3A_671 masked %reduce_min3A_668 : vector<16xi32>, vector<16xi1> -> vector<16xi32>
    %reduce_min3A_673 = arith.xori %reduce_min3A_672, %reduce_min3A_670 : vector<16xi32>
    %reduce_min3A_674 = vector.extract %reduce_min3A_673[15] : i32 from vector<16xi32>
    %eq3A_675 = vector.broadcast %reduce_min3A_674 : i32 to vector<16xi32>
    %eq3A_676 = arith.cmpi eq, %gather3A, %eq3A_675 : vector<16xi32>
    %ne3A = vector.broadcast %reduce_min3A_661 : i32 to vector<16xi32>
    %ne3A_677 = arith.cmpi ne, %gather3A_640, %ne3A : vector<16xi32>
    %and3A_678 = arith.andi %eq3A_676, %ne3A_677 : vector<16xi1>
    %jit3A_679 = arith.constant 4096 : i32
    %broadcast_in_dim3A_680 = vector.broadcast %jit3A_679 : i32 to vector<16xi32>
    %select_n3A_681 = arith.select %and3A_678, %gather3A_640, %broadcast_in_dim3A_680 : vector<16xi1>, vector<16xi32>
    %reduce_min3A_682 = arith.constant true
    %reduce_min3A_683 = vector.broadcast %reduce_min3A_682 : i1 to vector<16xi1>
    %reduce_min3A_684 = arith.constant -2147483648 : i32
    %reduce_min3A_685 = vector.broadcast %reduce_min3A_684 : i32 to vector<16xi32>
    %reduce_min3A_686 = arith.xori %select_n3A_681, %reduce_min3A_685 : vector<16xi32>
    %reduce_min3A_687 = tpu.scan <min>, %reduce_min3A_686 masked %reduce_min3A_683 : vector<16xi32>, vector<16xi1> -> vector<16xi32>
    %reduce_min3A_688 = arith.xori %reduce_min3A_687, %reduce_min3A_685 : vector<16xi32>
    %reduce_min3A_689 = vector.extract %reduce_min3A_688[15] : i32 from vector<16xi32>
    %min3A = arith.constant 4095 : i32
    %min3A_690 = arith.minsi %reduce_min3A_689, %min3A : i32
    %ge3A_691 = arith.cmpi sge, %reduce_min3A_661, %mul3A_0 : i32
    %add3A_692 = arith.constant 256 : i32
    %add3A_693 = arith.addi %mul3A_0, %add3A_692 : i32
    %lt3A_694 = arith.cmpi slt, %reduce_min3A_661, %add3A_693 : i32
    %and3A_695 = arith.andi %ge3A_691, %lt3A_694 : i1
    %convert_element_type3A_696 = arith.extui %and3A_695 : i1 to i32
    %cond3A_697 = arith.constant 0 : i32
    %cond3A_698 = arith.cmpi ne, %convert_element_type3A_696, %cond3A_697 : i32
    scf.if %cond3A_698 {
      %sub3A = arith.subi %reduce_min3A_661, %mul3A_0 : i32
      %broadcast_in_dim3A_712 = vector.broadcast %sub3A : i32 to vector<16xi32>
      %gather3A_713 = tpu.vector_load_idx %arg7[%broadcast_in_dim3A_712] : memref<256xi32, #tpu.memory_space<vmem>>[vector<16xi32>], vector<16xi32>,
      %eq3A_714 = arith.constant 0 : i32
      %eq3A_715 = vector.broadcast %eq3A_714 : i32 to vector<16xi32>
      %eq3A_716 = arith.cmpi eq, %iota3A, %eq3A_715 : vector<16xi32>
      %broadcast_in_dim3A_717 = vector.broadcast %reduce_min3A_661 : i32 to vector<16xi32>
      %select_n3A_718 = arith.select %eq3A_716, %gather3A_713, %broadcast_in_dim3A_717 : vector<16xi1>, vector<16xi32>
      %swap3A_719 = arith.constant 0 : index
      %swap3A_720 = tpu.vector_load %arg9[%swap3A_719] {strides = array<i32>} : memref<16xi32, #tpu.memory_space<vmem>>, vector<16xi32>,
      tpu.vector_store %arg9[%swap3A_719], %select_n3A_718 {strides = array<i32>} : memref<16xi32, #tpu.memory_space<vmem>>, vector<16xi32>,
      %run_scoped3A_721 = arith.constant 4094 : i32
      "tpu.region"() ({
        %run_scoped3A_727 = tpu.sem_alloc : memref<!tpu.dma_semaphore, #tpu.memory_space<semaphore_mem>>
        %dma_start3A_728 = arith.constant 0 : i32
        %dma_start3A_729 = tpu.memref_slice %arg14[%run_scoped3A_721, %dma_start3A_728] : memref<32768x16xi32, #tpu.memory_space<vmem_shared>> -> memref<1x16xi32, #tpu.memory_space<vmem_shared>>
        %dma_start3A_730 = tpu.memref_squeeze %dma_start3A_729 : memref<1x16xi32, #tpu.memory_space<vmem_shared>> -> memref<16xi32, #tpu.memory_space<vmem_shared>>
        %dma_start3A_731 = arith.constant 0 : i32
        %dma_start3A_732 = tpu.memref_slice %arg14[%run_scoped3A_721, %dma_start3A_731] : memref<32768x16xi32, #tpu.memory_space<vmem_shared>> -> memref<1x16xi32, #tpu.memory_space<vmem_shared>>
        %dma_start3A_733 = tpu.memref_squeeze %dma_start3A_732 : memref<1x16xi32, #tpu.memory_space<vmem_shared>> -> memref<16xi32, #tpu.memory_space<vmem_shared>>
        tpu.enqueue_dma source(%arg9 : memref<16xi32, #tpu.memory_space<vmem>>) target(%dma_start3A_733 : memref<16xi32, #tpu.memory_space<vmem_shared>>) target_semaphore(%run_scoped3A_727 : memref<!tpu.dma_semaphore, #tpu.memory_space<semaphore_mem>>)
        %dma_wait3A_734 = arith.constant 0 : i32
        %dma_wait3A_735 = tpu.memref_slice %arg14[%run_scoped3A_721, %dma_wait3A_734] : memref<32768x16xi32, #tpu.memory_space<vmem_shared>> -> memref<1x16xi32, #tpu.memory_space<vmem_shared>>
        %dma_wait3A_736 = tpu.memref_squeeze %dma_wait3A_735 : memref<1x16xi32, #tpu.memory_space<vmem_shared>> -> memref<16xi32, #tpu.memory_space<vmem_shared>>
        %dma_wait3A_737 = arith.constant 0 : i32
        %dma_wait3A_738 = tpu.memref_slice %arg14[%run_scoped3A_721, %dma_wait3A_737] : memref<32768x16xi32, #tpu.memory_space<vmem_shared>> -> memref<1x16xi32, #tpu.memory_space<vmem_shared>>
        %dma_wait3A_739 = tpu.memref_squeeze %dma_wait3A_738 : memref<1x16xi32, #tpu.memory_space<vmem_shared>> -> memref<16xi32, #tpu.memory_space<vmem_shared>>
        tpu.wait_dma2 semaphore(%run_scoped3A_727 : memref<!tpu.dma_semaphore, #tpu.memory_space<semaphore_mem>>) src(%arg9 : memref<16xi32, #tpu.memory_space<vmem>>) dst(%dma_wait3A_739 : memref<16xi32, #tpu.memory_space<vmem_shared>>)
        tpu.yield
      }) : () -> ()
      %broadcast_in_dim3A_722 = arith.constant -1.000000e+00 : f32
      %broadcast_in_dim3A_723 = vector.broadcast %broadcast_in_dim3A_722 : f32 to vector<16xf32>
      %eq3A_724 = arith.constant 0 : i32
      %eq3A_725 = vector.broadcast %eq3A_724 : i32 to vector<16xi32>
      %eq3A_726 = arith.cmpi eq, %iota3A, %eq3A_725 : vector<16xi32>
      tpu.vector_store_idx %arg6[%broadcast_in_dim3A_712], %broadcast_in_dim3A_723 masked %eq3A_726 : memref<256xf32, #tpu.memory_space<vmem>>[vector<16xi32>], vector<16xf32>, vector<16xi1>
    } else {
    }
    %dma_wait3A = arith.constant 0 : i32
    %dma_wait3A_699 = tpu.memref_slice %arg2[%dma_wait3A, %mul3A_0] : memref<4096x4096xf32, #tpu.memory_space<hbm>> -> memref<1x256xf32, #tpu.memory_space<hbm>>
    %dma_wait3A_700 = tpu.memref_squeeze %dma_wait3A_699 : memref<1x256xf32, #tpu.memory_space<hbm>> -> memref<256xf32, #tpu.memory_space<hbm>>
    %dma_wait3A_701 = tpu.memref_slice %arg2[%dma_wait3A, %mul3A_0] : memref<4096x4096xf32, #tpu.memory_space<hbm>> -> memref<1x256xf32, #tpu.memory_space<hbm>>
    %dma_wait3A_702 = tpu.memref_squeeze %dma_wait3A_701 : memref<1x256xf32, #tpu.memory_space<hbm>> -> memref<256xf32, #tpu.memory_space<hbm>>
    tpu.wait_dma2 semaphore(%arg12 : memref<!tpu.dma_semaphore, #tpu.memory_space<semaphore_mem>>) src(%dma_wait3A_702 : memref<256xf32, #tpu.memory_space<hbm>>) dst(%arg5 : memref<256xf32, #tpu.memory_space<vmem>>)
    %barrier3A_703 = arith.constant 0 : index
    tpu.barrier barrier_id(%barrier3A_703)
    %eq3A_704 = arith.constant 0 : i32
    %eq3A_705 = arith.cmpi eq, %arg0, %eq3A_704 : i32
    %eq3A_706 = arith.constant 0 : i32
    %eq3A_707 = arith.cmpi eq, %arg1, %eq3A_706 : i32
    %and3A_708 = arith.andi %eq3A_705, %eq3A_707 : i1
    %convert_element_type3A_709 = arith.extui %and3A_708 : i1 to i32
    %cond3A_710 = arith.constant 0 : i32
    %cond3A_711 = arith.cmpi ne, %convert_element_type3A_709, %cond3A_710 : i32
    scf.if %cond3A_711 {
      "tpu.region"() ({
        %run_scoped3A_712 = tpu.sem_alloc : memref<!tpu.dma_semaphore, #tpu.memory_space<semaphore_mem>>
        %dma_start3A_713 = arith.constant 0 : i32
        %dma_start3A_714 = arith.constant 0 : i32
        %dma_start3A_715 = tpu.memref_slice %arg14[%dma_start3A_713, %dma_start3A_714] : memref<32768x16xi32, #tpu.memory_space<vmem_shared>> -> memref<4096x16xi32, #tpu.memory_space<vmem_shared>>
        tpu.enqueue_dma source(%dma_start3A_715 : memref<4096x16xi32, #tpu.memory_space<vmem_shared>>) target(%arg3 : memref<4096x16xi32, #tpu.memory_space<hbm>>) target_semaphore(%run_scoped3A_712 : memref<!tpu.dma_semaphore, #tpu.memory_space<semaphore_mem>>)
        %dma_wait3A_716 = arith.constant 0 : i32
        %dma_wait3A_717 = arith.constant 0 : i32
        %dma_wait3A_718 = tpu.memref_slice %arg14[%dma_wait3A_716, %dma_wait3A_717] : memref<32768x16xi32, #tpu.memory_space<vmem_shared>> -> memref<4096x16xi32, #tpu.memory_space<vmem_shared>>
        tpu.wait_dma2 semaphore(%run_scoped3A_712 : memref<!tpu.dma_semaphore, #tpu.memory_space<semaphore_mem>>) src(%dma_wait3A_718 : memref<4096x16xi32, #tpu.memory_space<vmem_shared>>) dst(%arg3 : memref<4096x16xi32, #tpu.memory_space<hbm>>)
        tpu.yield
      }) : () -> ()
    } else {
    }
    return
  }
}

</mosaic_0001>

<sc_bundles>
// kernel: kernel.3.cloned.1.call-start
scs
__scs_entry_jumppad:
0x0: {  	(pc) =	sbr.rel $0x88, $3  }
0x1: {  	(tag) =	ssettag $0x0;
	lr =	simm.s32 $0x1  }
0x2: {  	[smem:$0x3FA0] =	sst lr;
	_ =	strace $0xD0000000  }
0x3: {  	_ = 	snop  }
0x4: {  	_ = 	snop  }
0x5: {  	_ = 	snop  }
0x6: {  	_ = 	snop  }
0x7: {  	_ = 	snop  }
__scs_overlays_trampoline_lowered:
0x8: {  	[smem:$0x3FAF] =	sst s0  }
0x9: {  	[smem:$0x3FB0] =	sst s1  }
0xa: {  	[smem:$0x3FB1] =	sst s2  }
0xb: {  	[smem:$0x3FB2] =	sst s3  }
0xc: {  	[smem:$0x3FB3] =	sst s4  }
0xd: {  	[smem:$0x3FB4] =	sst s5  }
0xe: {  	[smem:$0x3FB5] =	sst s6  }
0xf: {  	[smem:$0x3FB6] =	sst s7  }
0x10: {  	[smem:$0x3FB7] =	sst s8  }
0x11: {  	[smem:$0x3FB8] =	sst s9;
	s0 =	simm.s32 @!p0 $0x0  }
0x12: {  	s1 =	sld [smem:$0x3F9E];
	s0 =	simm.s32 @p0 $0x1  }
0x13: {  	[smem:$0x3FB9] =	sst s0;
	s0 =	simm.s32 @!p1 $0x0  }
0x14: {  	s2 =	sld [smem:$0x3F9D];
	s0 =	simm.s32 @p1 $0x1  }
0x15: {  	[smem:$0x3FBA] =	sst s0;
	s0 =	simm.s32 @!p2 $0x0  }
0x16: {  	s3 =	sld [smem:$0x3FDB];
	s0 =	simm.s32 @p2 $0x1  }
0x17: {  	s4 =	simm.s32 $0x1BF5;
	[smem:$0x3FBC] =	sst s0  }
0x18: {  	s0 =	sld [smem:$0x3F9F];
	_ =	swait.ge [sflag:s4], $0x0  }
0x19: {  	s7 =	sld [smem:$0x3FA0]  }
0x1a: {  	s8 =	sadd.s32 $0xFFFFE003, lr  }
0x1b: {  	s9 =	sadd.s32 $0xFFFFFEF7, lr;
	s5 =	simm.s32 $0xFFFFFFFF;
	p2 =	slt.u32 s8, $0xFFFFF086  }
0x1c: {  	p1 =	slt.u32 s9, $0xF7A;
	s5 =	simm.s32 @!p2 $0x0  }
0x1d: {  	s5 =	simm.s32 @p1 $0x1;
	p0 =	seq.s32 s7, s2  }
0x1e: {  	s7 =	smul.u32 @!p0 $0xF7A, s2;
	p2 =	seq.s32 @!p0 s5, $0x0  }
0x1f: {  	s9 =	smul.u32 $0xF7A, s1;
	s8 =	simm.s32 @!p0 $0x1BF5;
	p2 =	por !p2, p0  }
0x20: {  	[sflag:s8] =	ssyncset.s32 @!p0 $0xFFFFF086;
	s6 =	sadd.s32 @!p0 s3, s7;
	s7 =	simm.s32 @!p0 $0x108  }
0x21: {  	s3 =	sadd.s32 s3, s9;
	s6 =	sadd.s32 @!p0 $0x88, s6;
	s7 =	simm.s32 @p2 $0x1082  }
0x22: {  	[simem:s7], [sflag:s8] =	dma.local @!p0 [hbm:s6], $0xF7A  }
0x23: {  	s9 =	sor.u32 $0xD0000000, s2;
	s6 =	simm.s32 $0x108;
	_ =	swait.ge @!p0 [sflag:s8], $0x0  }
0x24: {  	s3 =	sadd.s32 $0x88, s3;
	s6 =	simm.s32 @!p1 $0x1082;
	[sflag:s4] =	ssyncset.s32 $0xFFFFF086  }
0x25: {  	[simem:s6], [sflag:s4] =	dma.local [hbm:s3], $0xF7A  }
0x26: {  	[smem:$0x3FA0] =	sst s1;
	(tag) =	ssettag s2;
	_ =	strace s9  }
0x27: {  	s1 =	sld [smem:$0x3FB0]  }
0x28: {  	s2 =	sld [smem:$0x3FB1]  }
0x29: {  	s4 =	sld [smem:$0x3FB3]  }
0x2a: {  	p0 =	seq.s32 s5, $0x0;
	s5 =	sld [smem:$0x3FB4]  }
0x2b: {  	s6 =	sld [smem:$0x3FB5]  }
0x2c: {  	s7 =	sld [smem:$0x3FB6]  }
0x2d: {  	s3 =	simm.s32 $0x108;
	s8 =	sld [smem:$0x3FB7]  }
0x2e: {  	s3 =	simm.s32 @!p0 $0x1082;
	s9 =	sld [smem:$0x3FB8]  }
0x2f: {  	lr =	sadd.s32 s0, s3;
	s0 =	sld [smem:$0x3FAF]  }
0x30: {  	s3 =	sld [smem:$0x3FB2]  }
0x31: {  	[smem:$0x3FBB] =	sst s10  }
0x32: {  	s10 =	sld [smem:$0x3FB9];
	_ =	sdelay $0x3  }
0x33: {  	p0 =	seq.s32 s10, $0x1;
	s10 =	sld [smem:$0x3FBB];
	_ =	sdelay $0x3  }
0x34: {  	[smem:$0x3FBB] =	sst s10  }
0x35: {  	s10 =	sld [smem:$0x3FBA];
	_ =	sdelay $0x3  }
0x36: {  	p1 =	seq.s32 s10, $0x1;
	s10 =	sld [smem:$0x3FBB];
	_ =	sdelay $0x3  }
0x37: {  	[smem:$0x3FBB] =	sst s10  }
0x38: {  	s10 =	sld [smem:$0x3FBC]  }
0x39: {  	_ = 	snop;
	(pc) =	sbr.ind lr, $3  }
0x3a: {  	_ = 	snop  }
0x3b: {  	_ = 	snop  }
0x3c: {  	p2 =	seq.s32 s10, $0x1;
	s10 =	sld [smem:$0x3FBB]  }
0x3d: {  	_ =	shalt  }
0x3e: {  	_ =	shalt  }
0x3f: {  	_ =	shalt  }
0x40: {  	_ =	shalt  }
0x41: {  	_ =	shalt  }
0x42: {  	_ =	shalt  }
0x43: {  	_ =	shalt  }
0x44: {  	_ =	shalt  }
0x45: {  	_ =	shalt  }
0x46: {  	_ =	shalt  }
0x47: {  	_ =	shalt  }
0x48: {  	_ =	shalt  }
0x49: {  	_ =	shalt  }
0x4a: {  	_ =	shalt  }
0x4b: {  	_ =	shalt  }
0x4c: {  	_ =	shalt  }
0x4d: {  	_ =	shalt  }
0x4e: {  	_ =	shalt  }
0x4f: {  	_ =	shalt  }
0x50: {  	_ =	shalt  }
0x51: {  	_ =	shalt  }
0x52: {  	_ =	shalt  }
0x53: {  	_ =	shalt  }
0x54: {  	_ =	shalt  }
0x55: {  	_ =	shalt  }
0x56: {  	_ =	shalt  }
0x57: {  	_ =	shalt  }
0x58: {  	_ =	shalt  }
0x59: {  	_ =	shalt  }
0x5a: {  	_ =	shalt  }
0x5b: {  	_ =	shalt  }
0x5c: {  	_ =	shalt  }
0x5d: {  	_ =	shalt  }
0x5e: {  	_ =	shalt  }
0x5f: {  	_ =	shalt  }
0x60: {  	_ =	shalt  }
0x61: {  	_ =	shalt  }
0x62: {  	_ =	shalt  }
0x63: {  	_ =	shalt  }
0x64: {  	_ =	shalt  }
0x65: {  	_ =	shalt  }
0x66: {  	_ =	shalt  }
0x67: {  	_ =	shalt  }
0x68: {  	_ =	shalt  }
0x69: {  	_ =	shalt  }
0x6a: {  	_ =	shalt  }
0x6b: {  	_ =	shalt  }
0x6c: {  	_ =	shalt  }
0x6d: {  	_ =	shalt  }
0x6e: {  	_ =	shalt  }
0x6f: {  	_ =	shalt  }
0x70: {  	_ =	shalt  }
0x71: {  	_ =	shalt  }
0x72: {  	_ =	shalt  }
0x73: {  	_ =	shalt  }
0x74: {  	_ =	shalt  }
0x75: {  	_ =	shalt  }
0x76: {  	_ =	shalt  }
0x77: {  	_ =	shalt  }
0x78: {  	_ =	shalt  }
0x79: {  	_ =	shalt  }
0x7a: {  	_ =	shalt  }
0x7b: {  	_ =	shalt  }
0x7c: {  	_ =	shalt  }
0x7d: {  	_ =	shalt  }
0x7e: {  	_ =	shalt  }
0x7f: {  	_ =	shalt  }
0x80: {  	_ =	shalt  }
0x81: {  	_ =	shalt  }
0x82: {  	_ =	shalt  }
0x83: {  	_ =	shalt  }
0x84: {  	_ =	shalt  }
0x85: {  	_ =	shalt  }
0x86: {  	_ =	shalt  }
0x87: {  	_ =	shalt  }
.Lfunc_end0:
.L_simem_size_0:
called_computation_lowered:
.L_overlay_start_0:
0x88: {  	s2 =	sld [smem:$0x3FD9]  }
0x89: {  	s3 =	sld [smem:$0x3FFE];
	_ =	sdelay $0x1  }
0x8a: {  	s1 =	srdreg.scid  }
0x8b: {  	s0 =	sand.u32 $0x1, s1  }
0x8c: {  	s17 =	sshll.u32 s0, $0xA;
	s2 =	sadd.s32 s3, s2  }
0x8d: {  	s2 =	sadd.s32 s2, s17  }
0x8e: {  	[smem:$0x3FC7] =	sst s2  }
0x8f: {  	_ = 	snop  }
0x90: {  	s2 =	sld [smem:$0x3FC9];
	(tm) =	ssettm $0x1  }
0x91: {  	s18 =	sld [smem:$0x3FFB];
	_ =	sdelay $0x3  }
0x92: {  	_ =	strace s18  }
0x93: {  	s3 =	sld [smem:$0x3FFC];
	_ =	sdelay $0x3  }
0x94: {  	_ =	strace s3  }
0x95: {  	s3 =	sld [smem:$0x3FFD];
	_ =	sdelay $0x3  }
0x96: {  	_ =	strace s3  }
0x97: {  	_ =	strace $0x8FFFFFFF  }
0x98: {  	s19 =	sld [smem:$0x3FDB];
	_ =	sdelay $0x1  }
0x99: {  	s4 =	simm.s32 $_scs_section_size  }
0x9a: {  	s5 =	simm.s32 $_size__tile_overlayer_lowered;
	s6 =	simm.s32 $_tile_overlayer_lowered  }
0x9b: {  	s22 =	simm.s32 $0x1BFF;
	s21 =	sshll.u32 s6, $0x1;
	s3 =	sadd.s32 s4, s19  }
0x9c: {  	s7 =	simm.s32 $0x0;
	s20 =	sshll.u32 s5, $0x1;
	s5 =	sadd.s32 s21, s3  }
0x9d: {  	[timem:s7], [sflag:s22] =	dma.local [hbm:s5], s20  }
0x9e: {  	_ =	swait.ge [sflag:s22], s20  }
0x9f: {  	s4 =	ssub.s32 $0x0, s20;
	[sflag:s22] =	ssyncset.done $0x0  }
0xa0: {  	[sflag:s22] =	ssyncadd.s32 s4;
	_ =	sdelay $0x1  }
0xa1: {  	s23 =	simm.s32 $0x1B8B  }
0xa2: {  	_ =	swait.ge [sflag:s23], $0x1  }
0xa3: {  	[sflag:s23] =	ssyncset.done $0x0  }
0xa4: {  	s25 =	simm.s32 $0x1B8E;
	s24 =	sld [smem:$0x3FFE];
	[sflag:s23] =	ssyncadd.s32 $0xFFFFFFFF  }
0xa5: {  	s26 =	simm.s32 $execute0_lowered;
	[smem:$0x3FD2] =	sst s25  }
0xa6: {  	s5 =	sshll.u32 s26, $0x1;
	_ =	strace $0x80000046;
	[dreg:$0x1] =	wrdreg $0xFFFFFFFF  }
0xa7: {  	s28 =	simm.s32 $_size_execute0_lowered;
	s3 =	sadd.s32 s3, s5;
	[dreg:$0x0] =	wrdreg $0x0  }
0xa8: {  	s5 =	sshll.u32 s28, $0x1;
	[dreg:$0x2] =	wrdreg s3  }
0xa9: {  	[dreg:$0x3] =	wrdreg s5  }
0xaa: {  	[dreg:$0x4] =	wrdreg $0xC0  }
0xab: {  	_ =	task [dreg:s7], $0x5FFFF  }
0xac: {  	[dreg:$0x1] =	wrdreg $0xFFFFFFFF  }
0xad: {  	[dreg:$0x0] =	wrdreg $0x60  }
0xae: {  	[dreg:$0x2] =	wrdreg s2  }
0xaf: {  	[dreg:$0x3] =	wrdreg s24  }
0xb0: {  	[dreg:$0x4] =	wrdreg $0x6000  }
0xb1: {  	[dreg:$0x5] =	wrdreg $0x5800  }
0xb2: {  	[dreg:$0x6] =	wrdreg $0x9  }
0xb3: {  	_ =	task.clear_ibuf [dreg:s7], $0x7FFFF;
	_ =	strace $0x90000046  }
0xb4: {  	s29 =	simm.s32 $0x9;
	_ =	strace $0x80000048  }
0xb5: {  	_ =	swait.ge [sflag:s29], $0x1  }
0xb6: {  	[sflag:s29] =	ssyncadd.s32 $0xFFFFFFFF  }
0xb7: {  	_ =	strace $0x90000048  }
0xb8: {  	_ =	sfence  }
0xb9: {  	s30 =	sld [smem:$0x0];
	_ =	sdelay $0x2  }
0xba: {  	s31 =	sshll.u32 s1, $0xD;
	s1 =	sshrl.u32 s1, $0x2  }
0xbb: {  	s3 =	sand.u32 $0x4000, s31;
	s1 =	sadd.s32 s1, s30  }
0xbc: {  	s0 =	sor.u32 s3, s0;
	s1 =	sshll.u32 s1, $0x11  }
0xbd: {  	s0 =	sor.u32 s1, s0  }
0xbe: {  	s0 =	sadd.s32 $0x8F2B, s0  }
0xbf: {  	[sflag:s0] =	ssyncadd.remote.s32 $0x1  }
0xc0: {  	_ =	sfence.sel $0xFFFF  }
0xc1: {  	[dreg:$0x0] =	wrdreg $0xFFFFFFFF;
	(pc) =	sbr.abs _section_cstart, $3  }
0xc2: {  	[dreg:$0x1] =	wrdreg $0xFFFFFFFF  }
0xc3: {  	_ =	task.clear_ibuf [dreg:s7], $0x2FFFF;
	_ =	strace $0x9FFFFFFF  }
0xc4: {  	(tm) =	ssettm $0x7FFFFFFF  }
0xc5: {  	_ =	shalt  }
tec
execute0_lowered:
.L_overlay_start_1:
0x0: {  	(tag) =	ssettag $0x1  }
0x1: {  	s1 =	rddreg [dreg:$0x0]  }
0x2: {  	s6 =	rddreg [dreg:$0x1]  }
0x3: {  	s2 =	rddreg [dreg:$0x2]  }
0x4: {  	s3 =	rddreg [dreg:$0x3]  }
0x5: {  	s0 =	rddreg [dreg:$0x4];
	s4 =	simm.s32 $0x0;
	s5 =	srdreg.scid  }
0x6: {  	[smem:$0x7FF] =	sst s4;
	s13 =	sand.u32 $0x1, s5  }
0x7: {  	s5 =	stileid.u32;
	s6 =	sadd.s32 $0x400, s6;
	s31 =	sadd.s32 $0x80, s3  }
0x8: {  	_ =	strace $0x80000047;
	s8 =	ssub.s32 $0x2, s13;
	s7 =	sshll.u32 s5, $0x8  }
0x9: {  	s10 =	sshll.u32 s5, $0x3;
	[dreg:$0x6] =	wrdreg s31;
	s29 =	sor.u32 s5, s13  }
0xa: {  	p0 =	sne.s32 s5, $0x0;
	s9 =	sshrl.u32 s8, $0x1;
	s11 =	sor.u32 $0x10, s7  }
0xb: {  	s12 =	sor.u32 $0x20, s7;
	s15 =	sor.u32 $0x30, s7;
	s16 =	sor.u32 $0x40, s7  }
0xc: {  	s17 =	sor.u32 $0x50, s7;
	s18 =	sor.u32 $0x60, s7;
	s19 =	sor.u32 $0x70, s7  }
0xd: {  	v16 =	vlaneseq.u32;
	s20 =	sor.u32 $0x80, s7;
	s21 =	sor.u32 $0x90, s7;
	s22 =	sor.u32 $0xA0, s7  }
0xe: {  	v14 =	vmul.u32 $0x8, v16;
	s23 =	sor.u32 $0xB0, s7;
	s24 =	sor.u32 $0xC0, s7;
	s25 =	sor.u32 $0xD0, s7  }
0xf: {  	v17 =	vimm.f32 $+Inf;
	s10 =	sadd.s32 s10, s3;
	s26 =	sor.u32 $0xE0, s7;
	s28 =	sor.u32 $0xF0, s7  }
0x10: {  	v18 =	vimm.s32 $0x0;
	v7 =	vor.u32 s7, v16;
	v19 =	vor.u32 $0x1, v14;
	p1 =	sne.s32 s29, $0x0;
	s14 =	ssub.s32 s8, s9;
	s8 =	sshll.u32 s5, $0xB  }
0x11: {  	s9 =	sadd.s32 s1, s7;
	v0 =	vor.u32 s11, v16;
	v1 =	vor.u32 s12, v16;
	v2 =	vor.u32 s15, v16;
	s30 =	sadd.s32 $0x80, s10;
	s11 =	sadd.s32 $0x100, s7  }
0x12: {  	v3 =	vor.u32 s16, v16;
	v4 =	vor.u32 s17, v16;
	v5 =	vor.u32 s18, v16;
	s12 =	sadd.s32 $0x7FF00, s2;
	s15 =	simm.s32 $0x400;
	s16 =	simm.s32 $0x3  }
0x13: {  	v6 =	vor.u32 s19, v16;
	v8 =	vor.u32 s20, v16;
	v9 =	vor.u32 s21, v16;
	s17 =	simm.s32 $0x100;
	s18 =	simm.s32 $0x4;
	s19 =	simm.s32 $0x500  }
0x14: {  	v10 =	vor.u32 s22, v16;
	v11 =	vor.u32 s23, v16;
	v12 =	vor.u32 s24, v16;
	s20 =	simm.s32 $0x2;
	s21 =	simm.s32 $0x1;
	s22 =	simm.s32 $0x0  }
0x15: {  	v13 =	vor.u32 s25, v16;
	v15 =	vor.u32 s26, v16;
	v16 =	vor.u32 s28, v16;
	[dreg:$0x5] =	wrdreg s30;
	s13 =	smax.u32 s14, $0x1;
	s14 =	simm.s32 $0x80  }
.LBB2_1:
0x16: {  	[tilespmem:$0x200] =	vst v17  }
0x17: {  	[tilespmem:$0x300] =	vst v18  }
0x18: {  	[tilespmem:$0x210] =	vst v17  }
0x19: {  	[tilespmem:$0x310] =	vst v18  }
0x1a: {  	[tilespmem:$0x220] =	vst v17  }
0x1b: {  	[tilespmem:$0x320] =	vst v18  }
0x1c: {  	[tilespmem:$0x230] =	vst v17  }
0x1d: {  	[tilespmem:$0x330] =	vst v18  }
0x1e: {  	[tilespmem:$0x240] =	vst v17  }
0x1f: {  	[tilespmem:$0x340] =	vst v18  }
0x20: {  	[tilespmem:$0x250] =	vst v17  }
0x21: {  	[tilespmem:$0x350] =	vst v18  }
0x22: {  	[tilespmem:$0x260] =	vst v17  }
0x23: {  	[tilespmem:$0x360] =	vst v18  }
0x24: {  	[tilespmem:$0x270] =	vst v17  }
0x25: {  	[tilespmem:$0x370] =	vst v18  }
0x26: {  	[tilespmem:$0x280] =	vst v17  }
0x27: {  	[tilespmem:$0x380] =	vst v18  }
0x28: {  	[tilespmem:$0x290] =	vst v17  }
0x29: {  	[tilespmem:$0x390] =	vst v18  }
0x2a: {  	[tilespmem:$0x2A0] =	vst v17  }
0x2b: {  	[tilespmem:$0x3A0] =	vst v18  }
0x2c: {  	[tilespmem:$0x2B0] =	vst v17  }
0x2d: {  	[tilespmem:$0x3B0] =	vst v18  }
0x2e: {  	[tilespmem:$0x2C0] =	vst v17  }
0x2f: {  	[tilespmem:$0x3C0] =	vst v18  }
0x30: {  	[tilespmem:$0x2D0] =	vst v17  }
0x31: {  	[tilespmem:$0x3D0] =	vst v18;
	v20 =	vimm.s32 @!p0 $0x0  }
0x32: {  	[tilespmem:$0x2E0] =	vst v17  }
0x33: {  	[tilespmem:$0x3E0] =	vst v18  }
0x34: {  	[tilespmem:$0x2F0] =	vst v17  }
0x35: {  	[tilespmem:$0x3F0] =	vst v18;
	v21 =	vimm.f32 @!p0 $-1.000000000e+00;
	s23 =	simm.s32 @!p0 $0x200  }
0x36: {  	[tilespmem:v20+s23+$0x0] =	vst.idx.msk @!p0 $0x1, v21  }
0x37: {  	[tilespmem:s4], [sflag:$0x3] =	stream.strided.gather [hbm4b:s9+s14], $0x100, s15, s14, $0x38;
	[tilespmem:$0x8600] =	vst v63  }
0x38: {  	_ =	swait.ge [sflag:s16], $0x100  }
0x39: {  	s24 =	simm.s32 $0xFFFFFFFF;
	[sflag:s16] =	ssyncset.done $0x0  }
0x3a: {  	s26 =	simm.s32 $0x0;
	s23 =	simm.s32 $0x0;
	[sflag:s16] =	ssyncadd.s32 $0xFFFFFF00  }
0x3b: {  	[tilespmem:s17], [sflag:$0x2] =	stream.strided.gather [hbm4b:s9+s14], $0x100, s15, s14, $0x38;
	[tilespmem:$0x8600] =	vst v63  }
.LBB2_2:
0x3c: {  	v20 =	vld [tilespmem:$0x0]  }
0x3d: {  	v21 =	vld [tilespmem:$0x200]  }
0x3e: {  	v22 =	vld [tilespmem:$0x10]  }
0x3f: {  	v23 =	vld [tilespmem:$0x210]  }
0x40: {  	v36 =	vld [tilespmem:$0x20]  }
0x41: {  	v25 =	vld [tilespmem:$0x220]  }
0x42: {  	v27 =	vld [tilespmem:$0x30]  }
0x43: {  	v28 =	vld [tilespmem:$0x230]  }
0x44: {  	v29 =	vld [tilespmem:$0x40]  }
0x45: {  	v30 =	vld [tilespmem:$0x240]  }
0x46: {  	v38 =	vld [tilespmem:$0x50]  }
0x47: {  	v24 =	vimm.s32 $0x0;
	v31 =	vld [tilespmem:$0x250];
	v42 =	vimm.s32 $0x0  }
0x48: {  	v41 =	vld [tilespmem:$0x60];
	v45 =	vimm.s32 $0x0;
	v48 =	vimm.s32 $0x0;
	v51 =	vimm.s32 $0x0  }
0x49: {  	v32 =	vld [tilespmem:$0x260];
	vm0 =	vlt.f32 v20, v21;
	vm1 =	vge.f32 v21, $0.0e+00;
	vm6 =	vlt.f32 v22, v23  }
0x4a: {  	vm7 =	vge.f32 v23, $0.0e+00;
	vm8 =	vlt.f32 v36, v25;
	vm9 =	vge.f32 v25, $0.0e+00  }
0x4b: {  	vm10 =	vlt.f32 v27, v28;
	vm11 =	vge.f32 v28, $0.0e+00;
	vm14 =	vlt.f32 v29, v30  }
0x4c: {  	vm15 =	vge.f32 v30, $0.0e+00;
	vm0 =	vmand vm0, vm1;
	vm1 =	vmand vm8, vm9  }
0x4d: {  	v34 =	vld [tilespmem:$0x280];
	vm12 =	vmand vm10, vm11;
	vm8 =	vlt.f32 v38, v31;
	vm9 =	vge.f32 v31, $0.0e+00  }
0x4e: {  	v56 =	vld [tilespmem:$0xC0];
	vm11 =	vlt.f32 v41, v32;
	v24 =	vsel vm0, $0xFFFFFFFF, v24;
	v20 =	vsel vm0, v20, v21  }
0x4f: {  	v57 =	vld [tilespmem:$0x2C0];
	v21 =	vimm.s32 $0x0;
	vm10 =	vmand vm8, vm9;
	vm0 =	vlt.f32 v20, $0.0e+00  }
0x50: {  	v26 =	vsel vm0, $0x7F800000, v20;
	vm0 =	vmand vm6, vm7;
	vm6 =	vmand vm14, vm15  }
0x51: {  	v43 =	vld [tilespmem:$0x70];
	[tilespmem:$0x1FE80] =	vst v24;
	vm2 =	vlt.f32 v26, $+Inf;
	vm3 =	vgt.f32 v26, $+Inf;
	v21 =	vsel vm0, $0xFFFFFFFF, v21  }
0x52: {  	v46 =	vld [tilespmem:$0x270];
	vm9 =	vge.f32 v34, $0.0e+00;
	v24 =	vsel vm6, $0xFFFFFFFF, v42;
	[tilespmem:$0x1FE90] =	vst v21;
	vm13 =	vmor vm3, vm2  }
0x53: {  	v21 =	vsel vm0, v22, v23;
	v22 =	vimm.s32 $0x0;
	[tilespmem:$0x1FEC0] =	vst v24;
	v24 =	vsel vm6, v29, v30  }
0x54: {  	v30 =	vsel vm10, $0xFFFFFFFF, v45;
	vm2 =	vlt.f32 v56, v57;
	vm0 =	vlt.f32 v21, $0.0e+00  }
0x55: {  	v23 =	vnsel vm13, $0x7F800000, v26;
	v22 =	vsel vm1, $0xFFFFFFFF, v22;
	v61 =	vnsel vm13, $0x1000, v7  }
0x56: {  	v37 =	vsel vm0, $0x7F800000, v21;
	[tilespmem:$0x1FEA0] =	vst v22;
	v22 =	vsel vm1, v36, v25;
	v25 =	vsel vm10, v38, v31  }
0x57: {  	vm10 =	vlt.f32 v43, v46;
	v36 =	vimm.s32 $0x0;
	vm0 =	vlt.f32 v37, v23  }
0x58: {  	vm1 =	vlt.f32 v22, $0.0e+00;
	v39 =	vsel vm0, v37, v23;
	v23 =	vimm.s32 $0x0  }
0x59: {  	v49 =	vld [tilespmem:$0x90];
	v38 =	vimm.s32 $0x0;
	v40 =	vsel vm1, $0x7F800000, v22;
	v23 =	vsel vm12, $0xFFFFFFFF, v23  }
0x5a: {  	v35 =	vld [tilespmem:$0x290];
	v37 =	vimm.s32 $0x0;
	vm7 =	vlt.f32 v40, v39;
	[tilespmem:$0x1FEB0] =	vst v23;
	v23 =	vsel vm12, v27, v28  }
0x5b: {  	v26 =	vsel vm7, v40, v39;
	vm12 =	vge.f32 v32, $0.0e+00;
	vm1 =	vlt.f32 v23, $0.0e+00  }
0x5c: {  	v39 =	vimm.s32 $0x0;
	vm6 =	vmand vm11, vm12;
	v28 =	vsel vm1, $0x7F800000, v23  }
0x5d: {  	v47 =	vld [tilespmem:$0x80];
	vm12 =	vge.f32 v46, $0.0e+00;
	vm1 =	vlt.f32 v24, $0.0e+00;
	vm14 =	vlt.f32 v28, v26  }
0x5e: {  	vm5 =	vmand vm10, vm12;
	v44 =	vsel vm1, $0x7F800000, v24;
	v26 =	vsel vm14, v28, v26  }
0x5f: {  	vm12 =	vlt.f32 v49, v35;
	v27 =	vsel vm5, $0xFFFFFFFF, v51;
	vm15 =	vlt.f32 v44, v26  }
0x60: {  	v52 =	vld [tilespmem:$0xA0];
	vm1 =	vlt.f32 v25, $0.0e+00;
	[tilespmem:$0x1FEF0] =	vst v27;
	v28 =	vsel vm15, v44, v26;
	v26 =	vsel vm6, $0xFFFFFFFF, v48  }
0x61: {  	v53 =	vld [tilespmem:$0x2A0];
	v33 =	vsel vm1, $0x7F800000, v25;
	v27 =	vsel vm5, v43, v46;
	[tilespmem:$0x1FEE0] =	vst v26;
	v26 =	vsel vm6, v41, v32  }
0x62: {  	vm11 =	vlt.f32 v33, v28;
	vm6 =	vlt.f32 v47, v34;
	vm1 =	vlt.f32 v26, $0.0e+00  }
0x63: {  	v54 =	vld [tilespmem:$0xB0];
	v28 =	vsel vm11, v33, v28;
	vm10 =	vmand vm6, vm9;
	v50 =	vsel vm1, $0x7F800000, v26  }
0x64: {  	v55 =	vld [tilespmem:$0x2B0];
	vm9 =	vge.f32 v35, $0.0e+00;
	vm1 =	vlt.f32 v27, $0.0e+00;
	vm8 =	vlt.f32 v50, v28  }
0x65: {  	v36 =	vsel vm10, $0xFFFFFFFF, v36;
	v29 =	vsel vm1, $0x7F800000, v27;
	v33 =	vsel vm8, v50, v28  }
0x66: {  	v62 =	vld [tilespmem:$0xE0];
	v28 =	vsel vm10, v47, v34;
	vm10 =	vmand vm12, vm9;
	vm12 =	vlt.f32 v52, v53  }
0x67: {  	v63 =	vld [tilespmem:$0x2E0];
	vm9 =	vge.f32 v53, $0.0e+00;
	vm6 =	vlt.f32 v29, v33;
	vm1 =	vlt.f32 v28, $0.0e+00  }
0x68: {  	v58 =	vld [tilespmem:$0xD0];
	v37 =	vsel vm10, $0xFFFFFFFF, v37;
	v34 =	vsel vm1, $0x7F800000, v28;
	v33 =	vsel vm6, v29, v33  }
0x69: {  	v60 =	vld [tilespmem:$0x2D0];
	v29 =	vsel vm10, v49, v35;
	vm10 =	vmand vm12, vm9;
	vm12 =	vlt.f32 v54, v55  }
0x6a: {  	vm9 =	vge.f32 v55, $0.0e+00;
	vm5 =	vlt.f32 v34, v33;
	vm1 =	vlt.f32 v29, $0.0e+00  }
0x6b: {  	[tilespmem:$0x1FED0] =	vst v30;
	v38 =	vsel vm10, $0xFFFFFFFF, v38;
	v30 =	vsel vm10, v52, v53;
	vm12 =	vmand vm12, vm9  }
0x6c: {  	vm10 =	vge.f32 v57, $0.0e+00;
	vm9 =	vlt.f32 v62, v63;
	v35 =	vsel vm1, $0x7F800000, v29  }
0x6d: {  	v33 =	vsel vm5, v34, v33;
	vm1 =	vlt.f32 v30, $0.0e+00;
	v39 =	vsel vm12, $0xFFFFFFFF, v39  }
0x6e: {  	v45 =	vld [tilespmem:$0xF0];
	v31 =	vsel vm12, v54, v55;
	vm13 =	vmand vm2, vm10;
	vm12 =	vlt.f32 v58, v60  }
0x6f: {  	v41 =	vld [tilespmem:$0x2F0];
	vm4 =	vlt.f32 v35, v33;
	v59 =	vsel vm1, $0x7F800000, v30;
	vm1 =	vlt.f32 v31, $0.0e+00  }
0x70: {  	[tilespmem:$0x1FF30] =	vst v39;
	v39 =	vsel vm0, v0, v61;
	v32 =	vsel vm13, v56, v57;
	v33 =	vsel vm4, v35, v33  }
0x71: {  	v40 =	vsel vm1, $0x7F800000, v31;
	vm0 =	vlt.f32 v32, $0.0e+00;
	vm1 =	vge.f32 v60, $0.0e+00  }
0x72: {  	v39 =	vsel vm7, v1, v39;
	vm3 =	vlt.f32 v59, v33;
	v42 =	vsel vm0, $0x7F800000, v32  }
0x73: {  	vm10 =	vmand vm12, vm1;
	vm12 =	vge.f32 v63, $0.0e+00;
	v33 =	vsel vm3, v59, v33  }
0x74: {  	vm0 =	vlt.f32 v45, v41;
	v46 =	vsel vm14, v2, v39;
	vm2 =	vlt.f32 v40, v33  }
0x75: {  	v35 =	vsel vm10, v58, v60;
	vm9 =	vmand vm9, vm12;
	v33 =	vsel vm2, v40, v33  }
0x76: {  	[tilespmem:$0x1FF00] =	vst v36;
	vm12 =	vge.f32 v41, $0.0e+00;
	vm7 =	vlt.f32 v35, $0.0e+00;
	vm1 =	vlt.f32 v42, v33  }
0x77: {  	[tilespmem:$0x1FF10] =	vst v37;
	v37 =	vsel vm9, v62, v63;
	v36 =	vsel vm7, $0x7F800000, v35;
	v33 =	vsel vm1, v42, v33  }
0x78: {  	[tilespmem:$0x230] =	vst v23;
	vm7 =	vmand vm0, vm12;
	vm12 =	vlt.f32 v37, $0.0e+00;
	vm0 =	vlt.f32 v36, v33  }
0x79: {  	v23 =	vld [tilespmem:$0x1FEC0];
	[tilespmem:$0x1FF20] =	vst v38;
	v38 =	vsel vm12, $0x7F800000, v37;
	v34 =	vsel vm7, v45, v41;
	v33 =	vsel vm0, v36, v33  }
0x7a: {  	v54 =	vld [tilespmem:$0x340];
	vm14 =	vlt.f32 v34, $0.0e+00;
	v36 =	vsel vm15, v3, v46;
	vm12 =	vlt.f32 v38, v33  }
0x7b: {  	v47 =	vsel vm14, $0x7F800000, v34;
	v36 =	vsel vm11, v4, v36;
	v33 =	vsel vm12, v38, v33  }
0x7c: {  	v36 =	vsel vm8, v5, v36;
	vm11 =	vlt.f32 v47, v33  }
0x7d: {  	v36 =	vsel vm6, v6, v36;
	v33 =	vsel vm11, v47, v33  }
0x7e: {  	v53 =	vld [tilespmem:$0x1FE90];
	v36 =	vsel vm5, v8, v36;
	vm5 =	vnez.u8 v23;
	(xrf0) =	vmin.scan.msk.f32 $0xffff, v33  }
0x7f: {  	v49 =	vld [tilespmem:$0x310];
	v23 =	vsel vm5, s26, v54  }
0x80: {  	v36 =	vsel vm4, v9, v36;
	[tilespmem:$0x340] =	vst v23;
	v23 =	vld [tilespmem:$0x1FED0]  }
0x81: {  	v36 =	vsel vm3, v10, v36  }
0x82: {  	v36 =	vsel vm2, v11, v36  }
0x83: {  	vm8 =	vnez.u8 v53;
	v36 =	vsel vm1, v12, v36  }
0x84: {  	[tilespmem:$0x200] =	vst v20;
	v39 =	vsel vm8, s26, v49;
	v20 =	vsel vm0, v13, v36;
	v55, _, _ =	vpop (xrf0)  }
0x85: {  	[tilespmem:$0x310] =	vst v39;
	v20 =	vsel vm12, v15, v20;
	vm6 =	vnez.u8 v23;
	v23 =	vld [tilespmem:$0x1FEE0];
	v39 =	vbroadcast v55, $0xF  }
0x86: {  	v20 =	vsel vm11, v16, v20  }
0x87: {  	v20 =	vxor.u32 $0x80000000, v20;
	vm4 =	veq.f32 v33, v39  }
0x88: {  	[tilespmem:$0x210] =	vst v21;
	v21 =	vld [tilespmem:$0x1FEA0];
	v20 =	vnsel vm4, $0x80001000, v20  }
0x89: {  	[tilespmem:$0x220] =	vst v22;
	v22 =	vld [tilespmem:$0x1FEB0];
	(xrf0) =	vmin.scan.msk.u32 $0xffff, v20  }
0x8a: {  	vm8 =	vnez.u8 v23;
	v23 =	vld [tilespmem:$0x1FEF0]  }
0x8b: {  	v51 =	vld [tilespmem:$0x1FE80]  }
0x8c: {  	v48 =	vld [tilespmem:$0x300]  }
0x8d: {  	v50 =	vld [tilespmem:$0x320]  }
0x8e: {  	v52 =	vld [tilespmem:$0x330]  }
0x8f: {  	vm11 =	vnez.u8 v23;
	v23, _, _ =	vpop (xrf0)  }
0x90: {  	(v2sf) =	vpush v23, $0xF;
	v23 =	vld [tilespmem:$0x1FF00]  }
0x91: {  	vm14 =	vnez.u8 v21;
	vm15 =	vnez.u8 v51  }
0x92: {  	v21 =	vsel vm14, s26, v50;
	v38 =	vsel vm15, s26, v48;
	vm15 =	vnez.u8 v22  }
0x93: {  	[tilespmem:$0x320] =	vst v21;
	v21 =	vld [tilespmem:$0x350];
	v22 =	vsel vm15, s26, v52  }
0x94: {  	[tilespmem:$0x330] =	vst v22;
	v22 =	vld [tilespmem:$0x360]  }
0x95: {  	vm12 =	vnez.u8 v23;
	v23 =	vld [tilespmem:$0x1FF10]  }
0x96: {  	[tilespmem:$0x240] =	vst v24  }
0x97: {  	[tilespmem:$0x250] =	vst v25  }
0x98: {  	[tilespmem:$0x270] =	vst v27;
	v21 =	vsel vm6, s26, v21;
	v20 =	vld [tilespmem:$0x370]  }
0x99: {  	[tilespmem:$0x350] =	vst v21;
	v21 =	vld [tilespmem:$0x380]  }
0x9a: {  	[tilespmem:$0x260] =	vst v26;
	v22 =	vsel vm8, s26, v22;
	vm14 =	vnez.u8 v23;
	v23 =	vld [tilespmem:$0x1FF20]  }
0x9b: {  	[tilespmem:$0x360] =	vst v22;
	v22 =	vld [tilespmem:$0x390]  }
0x9c: {  	[tilespmem:$0x280] =	vst v28  }
0x9d: {  	[tilespmem:$0x290] =	vst v29;
	v20 =	vsel vm11, s26, v20  }
0x9e: {  	[tilespmem:$0x370] =	vst v20;
	v20 =	vld [tilespmem:$0x3A0]  }
0x9f: {  	[tilespmem:$0x2A0] =	vst v30;
	v21 =	vsel vm12, s26, v21;
	vm15 =	vnez.u8 v23;
	v23 =	vld [tilespmem:$0x1FF30]  }
0xa0: {  	[tilespmem:$0x380] =	vst v21;
	v21 =	vld [tilespmem:$0x3B0];
	v22 =	vsel vm14, s26, v22  }
0xa1: {  	[tilespmem:$0x390] =	vst v22;
	v22 =	vld [tilespmem:$0x3C0]  }
0xa2: {  	[tilespmem:$0x2B0] =	vst v31  }
0xa3: {  	[tilespmem:$0x2C0] =	vst v32  }
0xa4: {  	[tilespmem:$0x2D0] =	vst v35;
	v20 =	vsel vm15, s26, v20;
	vm4 =	vnez.u8 v23  }
0xa5: {  	[tilespmem:$0x3A0] =	vst v20;
	v20 =	vld [tilespmem:$0x3D0];
	v21 =	vsel vm4, s26, v21  }
0xa6: {  	v22 =	vsel vm13, s26, v22;
	[tilespmem:$0x3B0] =	vst v21;
	v21 =	vld [tilespmem:$0x3E0]  }
0xa7: {  	[tilespmem:$0x3C0] =	vst v22;
	v22 =	vld [tilespmem:$0x3F0]  }
0xa8: {  	[tilespmem:$0x2E0] =	vst v37  }
0xa9: {  	[tilespmem:$0x2F0] =	vst v34  }
0xaa: {  	[tilespmem:$0x300] =	vst v38;
	v20 =	vsel vm10, s26, v20  }
0xab: {  	s25 =	spop (v2sf);
	[tilespmem:$0x3D0] =	vst v20;
	v20 =	vsel vm9, s26, v21  }
0xac: {  	vm5 =	vcmask $0x3F04;
	s25 =	sxor.u32 $0x80000000, s25;
	[tilespmem:$0x3E0] =	vst v20;
	v20 =	vsel vm7, s26, v22  }
0xad: {  	[tilespmem:$0x3F0] =	vst v20;
	v20 =	vsel vm5, s25, v39  }
0xae: {  	[tilespmem:$0x400] =	vst v20  }
0xaf: {  	[spmem:s10] =	stream.linear.scatter [tilespmem:s15], [sflag:$0x4], $0x8, $0x38;
	[tilespmem:$0x8600] =	vst v63  }
0xb0: {  	_ =	swait.ge [sflag:s18], $0x8  }
0xb1: {  	[sflag:s18] =	ssyncset.done $0x0  }
0xb2: {  	[sflag:s18] =	ssyncadd.s32 $0xFFFFFFF8  }
0xb3: {  	[bflag:$0x0] =	sbarrier.arrive $0xFFFF  }
0xb4: {  	[tilespmem:s19], [sflag:$0x4] =	stream.linear.gather [spmem:s3], $0x80, $0x38;
	[tilespmem:$0x8600] =	vst v63  }
0xb5: {  	_ =	swait.ge [sflag:s18], $0x80  }
0xb6: {  	[sflag:s18] =	ssyncset.done $0x0  }
0xb7: {  	[sflag:s18] =	ssyncadd.s32 $0xFFFFFF80  }
0xb8: {  	v20 =	vld.idx.msk [tilespmem:v14+s19+$0x0], $0xffff;
	_ =	sdelay $0x4  }
0xb9: {  	v21 =	vxor.u32 $0x80000000, v20  }
0xba: {  	(xrf0) =	vmin.scan.msk.u32 $0xffff, v21;
	_ =	sdelay $0x5  }
0xbb: {  	v22, _, _ =	vpop (xrf0)  }
0xbc: {  	(v2sf) =	vpush v22, $0xF;
	_ =	sdelay $0xb  }
0xbd: {  	v22 =	vld.idx.msk [tilespmem:v19+s19+$0x0], $0xffff;
	_ =	sdelay $0x2  }
0xbe: {  	s30 =	spop (v2sf)  }
0xbf: {  	s25 =	sxor.u32 $0x80000000, s30  }
0xc0: {  	v23 =	vxor.u32 $0x80000000, v22;
	vm6 =	veq.s32 v20, s25  }
0xc1: {  	v56 =	vnsel vm6, $0x80001000, v23  }
0xc2: {  	(xrf0) =	vmin.scan.msk.u32 $0xffff, v56;
	_ =	sdelay $0x5  }
0xc3: {  	v24, _, _ =	vpop (xrf0)  }
0xc4: {  	(v2sf) =	vpush v24, $0xF;
	_ =	sdelay $0xe  }
0xc5: {  	s26 =	spop (v2sf)  }
0xc6: {  	s28 =	sxor.u32 $0x80000000, s26  }
0xc7: {  	vm7 =	veq.s32 v22, s28  }
0xc8: {  	v21 =	vsel vm7, $0xFFFFFFFF, v21  }
0xc9: {  	(xrf0) =	vmin.scan.msk.u32 $0xffff, v21;
	_ =	sdelay $0x5  }
0xca: {  	v21, _, _ =	vpop (xrf0)  }
0xcb: {  	(v2sf) =	vpush v21, $0xF;
	_ =	sdelay $0xe  }
0xcc: {  	s31 =	spop (v2sf)  }
0xcd: {  	s25 =	sxor.u32 $0x80000000, s31  }
0xce: {  	vm9 =	vne.s32 v22, s28;
	vm8 =	veq.s32 v20, s25  }
0xcf: {  	vm0 =	vmand vm9, vm8  }
0xd0: {  	v20 =	vnsel vm0, $0x80001000, v23  }
0xd1: {  	(xrf0) =	vmin.scan.msk.u32 $0xffff, v20;
	_ =	sdelay $0x5  }
0xd2: {  	v20, _, _ =	vpop (xrf0)  }
0xd3: {  	(v2sf) =	vpush v20, $0xF;
	_ =	sdelay $0xe  }
0xd4: {  	s29 =	spop (v2sf)  }
0xd5: {  	s25 =	sxor.u32 $0x80000000, s29  }
0xd6: {  	p2 =	slt.s32 s25, $0xFFF  }
0xd7: {  	s25 =	simm.s32 @!p2 $0xFFF;
	p2 =	slt.s32 s28, s7  }
0xd8: {  	s29 =	sshll.u32 s25, $0x7;
	s30 =	sshll.u32 s25, $0xC;
	p3 =	sge.s32 @!p2 s28, s11  }
0xd9: {  	s29 =	sand.u32 $0x380, s29;
	s30 =	sand.u32 $0xFFFF8000, s30;
	p2 =	por p3, p2  }
0xda: {  	s29 =	sor.u32 s30, s29;
	s30 =	ssub.s32 @!p2 s28, s7  }
0xdb: {  	s29 =	sor.u32 s8, s29;
	v21 =	vmov @!p2 s30  }
0xdc: {  	s29 =	sshrl.u32 s29, $0x3  }
0xdd: {  	s29 =	sadd.s32 s1, s29  }
0xde: {  	[tilespmem:s4], [sflag:$0x1] =	stream.strided.gather [hbm4b:s29+s14], $0x100, s15, s14, $0x38;
	[tilespmem:$0x8600] =	vst v63  }
0xdf: {  	s29 =	simm.s32 @!p2 $0x300  }
0xe0: {  	v22 =	vld.idx.msk @!p2 [tilespmem:v21+s29+$0x0], $0xffff;
	_ =	sdelay $0x3  }
0xe1: {  	v20 =	vmov s28;
	vm0 =	vmmov @!p2 $0x1  }
0xe2: {  	s29 =	sshra.s32 @!p2 s23, $0x2;
	v22 =	vsel @!p2 vm0, v22, v20  }
0xe3: {  	s30 =	simm.s32 @!p2 $0x480;
	s29 =	sadd.s32 @!p2 s29, s2;
	[tilespmem:$0x480] =	vst @!p2 v22  }
0xe4: {  	[spmem:s29] =	stream.linear.scatter @!p2 [tilespmem:s30], [sflag:$0x4], $0x80, $0x38;
	[tilespmem:$0x8600] =	vst v63  }
0xe5: {  	p3 =	seq.s32 s28, s24;
	s29 =	simm.s32 @!p2 $0x4  }
0xe6: {  	s24 =	sshll.u32 @!p3 s26, $0x7;
	s26 =	sshll.u32 @!p3 s26, $0xC;
	_ =	swait.ge @!p2 [sflag:s29], $0x80  }
0xe7: {  	s24 =	sand.u32 @!p3 $0x380, s24;
	s26 =	sand.u32 @!p3 $0xFFFF8000, s26;
	[sflag:s29] =	ssyncset.done @!p2 $0x0  }
0xe8: {  	s28 =	simm.s32 @!p2 $0x200;
	s24 =	sor.u32 @!p3 s26, s24;
	v22 =	vimm.f32 @!p2 $-1.000000000e+00;
	[sflag:s29] =	ssyncadd.s32 @!p2 $0xFFFFFF80  }
0xe9: {  	s24 =	sor.u32 @!p3 s8, s24;
	[tilespmem:v21+s28+$0x0] =	vst.idx.msk @!p2 $0x1, v22  }
0xea: {  	s24 =	sshrl.u32 @!p3 s24, $0x3;
	_ =	swait.ge [sflag:s20], $0x100  }
0xeb: {  	s26 =	simm.s32 @!p3 $0x80;
	s24 =	sadd.s32 @!p3 s1, s24;
	[sflag:s20] =	ssyncset.done $0x0  }
0xec: {  	s29 =	simm.s32 @!p3 $0x100;
	s28 =	simm.s32 @!p3 $0x400;
	[sflag:s20] =	ssyncadd.s32 $0xFFFFFF00  }
0xed: {  	[tilespmem:s29], [sflag:$0x4] =	stream.strided.gather @!p3 [hbm4b:s24+s26], $0x100, s28, s26, $0x38;
	[tilespmem:$0x8600] =	vst v63  }
0xee: {  	s24 =	simm.s32 @!p3 $0x4  }
0xef: {  	_ =	swait.ge @!p3 [sflag:s24], $0x100  }
0xf0: {  	[sflag:s24] =	ssyncset.done @!p3 $0x0  }
0xf1: {  	[sflag:s24] =	ssyncadd.s32 @!p3 $0xFFFFFF00  }
0xf2: {  	v21 =	vld [tilespmem:$0x100]  }
0xf3: {  	v22 =	vld [tilespmem:$0x200]  }
0xf4: {  	v23 =	vld [tilespmem:$0x110]  }
0xf5: {  	v57 =	vld [tilespmem:$0x210]  }
0xf6: {  	v59 =	vld [tilespmem:$0x120]  }
0xf7: {  	v60 =	vld [tilespmem:$0x220]  }
0xf8: {  	v62 =	vld [tilespmem:$0x130]  }
0xf9: {  	v63 =	vld [tilespmem:$0x230]  }
0xfa: {  	v36 =	vld [tilespmem:$0x140]  }
0xfb: {  	v43 =	vimm.s32 $0x0;
	v39 =	vld [tilespmem:$0x240]  }
0xfc: {  	v58 =	vimm.s32 $0x0;
	v46 =	vimm.s32 $0x0;
	v50 =	vimm.s32 $0x0;
	v44 =	vld [tilespmem:$0x250]  }
0xfd: {  	v54 =	vimm.s32 $0x0;
	v48 =	vld [tilespmem:$0x170];
	vm10 =	vlt.f32 v21, v22;
	vm11 =	vge.f32 v22, $0.0e+00  }
0xfe: {  	v51 =	vld [tilespmem:$0x270];
	vm12 =	vlt.f32 v23, v57;
	vm13 =	vge.f32 v57, $0.0e+00;
	vm4 =	vlt.f32 v59, v60  }
0xff: {  	vm5 =	vge.f32 v60, $0.0e+00;
	vm6 =	vlt.f32 v62, v63;
	vm7 =	vge.f32 v63, $0.0e+00  }
0x100: {  	vm9 =	vlt.f32 v36, v39;
	vm0 =	vmand vm10, vm11;
	vm1 =	vmand vm4, vm5  }
0x101: {  	v40 =	vld [tilespmem:$0x150];
	vm8 =	vmand vm6, vm7;
	vm10 =	vge.f32 v39, $0.0e+00;
	vm6 =	vge.f32 v44, $0.0e+00  }
0x102: {  	v45 =	vld [tilespmem:$0x160];
	v25 =	vsel vm0, $0xFFFFFFFF, v58;
	v21 =	vsel vm0, v21, v22;
	v22 =	vimm.s32 $0x0  }
0x103: {  	v47 =	vld [tilespmem:$0x260];
	v24 =	vsel vm8, $0xFFFFFFFF, v43;
	vm11 =	vmand vm9, vm10;
	vm9 =	vlt.f32 v48, v51  }
0x104: {  	v58 =	vimm.s32 $0x0;
	v43 =	vimm.s32 $0x0;
	[tilespmem:$0x1FF40] =	vst v25;
	vm0 =	vlt.f32 v21, $0.0e+00  }
0x105: {  	[tilespmem:$0x1FF70] =	vst v24;
	v24 =	vsel vm8, v62, v63;
	v25 =	vsel vm11, $0xFFFFFFFF, v46;
	v46 =	vimm.s32 $0x0  }
0x106: {  	v61 =	vsel vm0, $0x7F800000, v21;
	vm0 =	vmand vm12, vm13;
	[tilespmem:$0x1FF80] =	vst v25;
	v25 =	vsel vm11, v36, v39  }
0x107: {  	vm12 =	vlt.f32 v40, v44;
	vm14 =	vlt.f32 v61, $+Inf;
	vm15 =	vgt.f32 v61, $+Inf  }
0x108: {  	v52 =	vld [tilespmem:$0x180];
	v22 =	vsel vm0, $0xFFFFFFFF, v22;
	vm7 =	vmand vm12, vm6;
	vm12 =	vlt.f32 v45, v47  }
0x109: {  	v55 =	vld [tilespmem:$0x280];
	vm6 =	vge.f32 v47, $0.0e+00;
	[tilespmem:$0x1FF50] =	vst v22;
	vm14 =	vmor vm15, vm14;
	v22 =	vsel vm0, v23, v57  }
0x10a: {  	v23 =	vimm.s32 $0x0;
	v31 =	vsel vm7, $0xFFFFFFFF, v50;
	v26 =	vsel vm7, v40, v44  }
0x10b: {  	vm7 =	vmand vm12, vm6;
	vm0 =	vlt.f32 v22, $0.0e+00;
	v23 =	vsel vm1, $0xFFFFFFFF, v23  }
0x10c: {  	v37 =	vnsel vm14, $0x7F800000, v61;
	v38 =	vsel vm0, $0x7F800000, v22;
	[tilespmem:$0x1FF60] =	vst v23;
	v23 =	vsel vm1, v59, v60  }
0x10d: {  	vm12 =	vge.f32 v51, $0.0e+00;
	vm0 =	vlt.f32 v38, v37;
	vm1 =	vlt.f32 v23, $0.0e+00  }
0x10e: {  	vm6 =	vlt.f32 v52, v55;
	v41 =	vsel vm0, v38, v37;
	v42 =	vsel vm1, $0x7F800000, v23  }
0x10f: {  	v56 =	vld [tilespmem:$0x190];
	v50 =	vimm.s32 $0x0;
	vm1 =	vlt.f32 v24, $0.0e+00;
	vm15 =	vlt.f32 v42, v41  }
0x110: {  	vm5 =	vmand vm9, vm12;
	v59 =	vld [tilespmem:$0x290];
	v29 =	vsel vm1, $0x7F800000, v24;
	v27 =	vsel vm15, v42, v41  }
0x111: {  	v61 =	vimm.s32 $0x0;
	vm1 =	vlt.f32 v25, $0.0e+00;
	vm13 =	vlt.f32 v29, v27  }
0x112: {  	v28 =	vsel vm5, $0xFFFFFFFF, v58;
	v49 =	vsel vm1, $0x7F800000, v25;
	v27 =	vsel vm13, v29, v27  }
0x113: {  	[tilespmem:$0x1FFB0] =	vst v28;
	v28 =	vsel vm5, v48, v51;
	vm1 =	vlt.f32 v26, $0.0e+00;
	vm11 =	vlt.f32 v49, v27  }
0x114: {  	v62 =	vld [tilespmem:$0x2A0];
	v53 =	vsel vm1, $0x7F800000, v26;
	v29 =	vsel vm11, v49, v27;
	v27 =	vsel vm7, $0xFFFFFFFF, v54  }
0x115: {  	v60 =	vld [tilespmem:$0x1A0];
	vm12 =	vlt.f32 v56, v59;
	[tilespmem:$0x1FFA0] =	vst v27;
	vm10 =	vlt.f32 v53, v29;
	v27 =	vsel vm7, v45, v47  }
0x116: {  	vm7 =	vge.f32 v55, $0.0e+00;
	v45 =	vld [tilespmem:$0x1C0];
	vm1 =	vlt.f32 v27, $0.0e+00;
	v29 =	vsel vm10, v53, v29  }
0x117: {  	v47 =	vld [tilespmem:$0x2C0];
	vm9 =	vmand vm6, vm7;
	vm7 =	vge.f32 v59, $0.0e+00;
	v57 =	vsel vm1, $0x7F800000, v27  }
0x118: {  	v63 =	vld [tilespmem:$0x1B0];
	vm1 =	vlt.f32 v28, $0.0e+00;
	v37 =	vsel vm9, $0xFFFFFFFF, v61;
	vm8 =	vlt.f32 v57, v29  }
0x119: {  	v44 =	vld [tilespmem:$0x2B0];
	v30 =	vsel vm1, $0x7F800000, v28;
	v34 =	vsel vm8, v57, v29;
	v29 =	vsel vm9, v52, v55  }
0x11a: {  	vm9 =	vmand vm12, vm7;
	vm12 =	vlt.f32 v60, v62;
	vm7 =	vge.f32 v62, $0.0e+00  }
0x11b: {  	v52 =	vnsel vm14, $0x1000, v7;
	vm6 =	vlt.f32 v30, v34;
	vm1 =	vlt.f32 v29, $0.0e+00  }
0x11c: {  	v38 =	vsel vm9, $0xFFFFFFFF, v43;
	vm14 =	vlt.f32 v45, v47;
	vm2 =	vge.f32 v47, $0.0e+00  }
0x11d: {  	v48 =	vld [tilespmem:$0x1D0];
	v35 =	vsel vm1, $0x7F800000, v29;
	v34 =	vsel vm6, v30, v34;
	v30 =	vsel vm9, v56, v59  }
0x11e: {  	v51 =	vld [tilespmem:$0x2D0];
	vm9 =	vmand vm12, vm7;
	vm12 =	vlt.f32 v63, v44;
	vm14 =	vmand vm14, vm2  }
0x11f: {  	v53 =	vld [tilespmem:$0x1E0];
	vm5 =	vlt.f32 v35, v34;
	vm1 =	vlt.f32 v30, $0.0e+00;
	v39 =	vsel vm9, $0xFFFFFFFF, v46  }
0x120: {  	[tilespmem:$0x1FF90] =	vst v31;
	v55 =	vld [tilespmem:$0x2E0];
	v31 =	vsel vm9, v60, v62;
	vm9 =	vge.f32 v44, $0.0e+00;
	v33 =	vsel vm14, v45, v47  }
0x121: {  	v57 =	vld [tilespmem:$0x2F0];
	v36 =	vsel vm1, $0x7F800000, v30;
	v34 =	vsel vm5, v35, v34;
	vm1 =	vlt.f32 v31, $0.0e+00  }
0x122: {  	v56 =	vld [tilespmem:$0x1F0];
	vm12 =	vmand vm12, vm9;
	vm4 =	vlt.f32 v36, v34;
	v49 =	vsel vm1, $0x7F800000, v31  }
0x123: {  	v40 =	vsel vm12, $0xFFFFFFFF, v50;
	v32 =	vsel vm12, v63, v44;
	vm12 =	vlt.f32 v48, v51  }
0x124: {  	[tilespmem:$0x1FFF0] =	vst v40;
	v34 =	vsel vm4, v36, v34;
	vm1 =	vlt.f32 v32, $0.0e+00;
	v40 =	vsel vm0, v0, v52  }
0x125: {  	vm0 =	vlt.f32 v33, $0.0e+00;
	vm3 =	vlt.f32 v49, v34;
	v54 =	vsel vm1, $0x7F800000, v32  }
0x126: {  	vm1 =	vge.f32 v51, $0.0e+00;
	v43 =	vsel vm0, $0x7F800000, v33;
	v40 =	vsel vm15, v1, v40  }
0x127: {  	vm15 =	vlt.f32 v53, v55;
	vm0 =	vlt.f32 v56, v57;
	v34 =	vsel vm3, v49, v34  }
0x128: {  	vm9 =	vmand vm12, vm1;
	vm12 =	vge.f32 v55, $0.0e+00;
	vm2 =	vlt.f32 v54, v34  }
0x129: {  	v36 =	vsel vm9, v48, v51;
	vm15 =	vmand vm15, vm12;
	v34 =	vsel vm2, v54, v34  }
0x12a: {  	[tilespmem:$0x1FFC0] =	vst v37;
	vm12 =	vge.f32 v57, $0.0e+00;
	vm7 =	vlt.f32 v36, $0.0e+00;
	vm1 =	vlt.f32 v43, v34  }
0x12b: {  	[tilespmem:$0x1FFD0] =	vst v38;
	v38 =	vsel vm15, v53, v55;
	v37 =	vsel vm7, $0x7F800000, v36;
	v34 =	vsel vm1, v43, v34  }
0x12c: {  	vm7 =	vmand vm0, vm12;
	vm12 =	vlt.f32 v38, $0.0e+00;
	vm0 =	vlt.f32 v37, v34  }
0x12d: {  	[tilespmem:$0x1FFE0] =	vst v39;
	v39 =	vsel vm12, $0x7F800000, v38;
	v35 =	vsel vm7, v56, v57;
	v34 =	vsel vm0, v37, v34  }
0x12e: {  	v58 =	vsel vm13, v2, v40;
	vm13 =	vlt.f32 v35, $0.0e+00;
	vm12 =	vlt.f32 v39, v34  }
0x12f: {  	v37 =	vsel vm11, v3, v58;
	v59 =	vsel vm13, $0x7F800000, v35;
	v34 =	vsel vm12, v39, v34  }
0x130: {  	v37 =	vsel vm10, v4, v37;
	vm10 =	vlt.f32 v59, v34  }
0x131: {  	v37 =	vsel vm8, v5, v37;
	v34 =	vsel vm10, v59, v34  }
0x132: {  	v37 =	vsel vm6, v6, v37;
	(xrf0) =	vmin.scan.msk.f32 $0xffff, v34  }
0x133: {  	v37 =	vsel vm5, v8, v37  }
0x134: {  	[tilespmem:$0x220] =	vst v23;
	v23 =	vld [tilespmem:$0x1FF70];
	v37 =	vsel vm4, v9, v37  }
0x135: {  	v61 =	vld [tilespmem:$0x310];
	v37 =	vsel vm3, v10, v37  }
0x136: {  	v60 =	vld [tilespmem:$0x300];
	v37 =	vsel vm2, v11, v37  }
0x137: {  	[tilespmem:$0x200] =	vst v21;
	v45 =	vld [tilespmem:$0x330];
	v37 =	vsel vm1, v12, v37  }
0x138: {  	[tilespmem:$0x230] =	vst v24;
	v62 =	vld [tilespmem:$0x320];
	v21 =	vsel vm0, v13, v37;
	v48, _, _ =	vpop (xrf0)  }
0x139: {  	[tilespmem:$0x210] =	vst v22;
	v46 =	vld [tilespmem:$0x1FF50];
	v21 =	vsel vm12, v15, v21;
	v22 =	vbroadcast v48, $0xF  }
0x13a: {  	[tilespmem:$0x240] =	vst v25;
	v47 =	vld [tilespmem:$0x340];
	v21 =	vsel vm10, v16, v21  }
0x13b: {  	[tilespmem:$0x250] =	vst v26;
	v63 =	vld [tilespmem:$0x1FF40];
	vm8 =	vnez.u8 v23;
	v21 =	vxor.u32 $0x80000000, v21;
	vm10 =	veq.f32 v34, v22  }
0x13c: {  	[tilespmem:$0x270] =	vst v28;
	v54 =	vld [tilespmem:$0x1FFA0];
	v23 =	vsel vm8, v20, v45;
	v21 =	vnsel vm10, $0x80001000, v21  }
0x13d: {  	[tilespmem:$0x330] =	vst v23;
	v23 =	vld [tilespmem:$0x360];
	(xrf0) =	vmin.scan.msk.u32 $0xffff, v21  }
0x13e: {  	[tilespmem:$0x260] =	vst v27;
	v50 =	vld [tilespmem:$0x350]  }
0x13f: {  	[tilespmem:$0x280] =	vst v29;
	v49 =	vld [tilespmem:$0x1FF60]  }
0x140: {  	[tilespmem:$0x290] =	vst v30;
	v55 =	vld [tilespmem:$0x1FFB0];
	vm13 =	vnez.u8 v63  }
0x141: {  	[tilespmem:$0x2A0] =	vst v31;
	v39 =	vsel vm13, v20, v60;
	vm13 =	vnez.u8 v54;
	v21 =	vld [tilespmem:$0x370]  }
0x142: {  	[tilespmem:$0x2C0] =	vst v33;
	v59 =	vld [tilespmem:$0x1FFD0];
	v23 =	vsel vm13, v20, v23  }
0x143: {  	[tilespmem:$0x360] =	vst v23;
	v23 =	vld [tilespmem:$0x390];
	v56, _, _ =	vpop (xrf0)  }
0x144: {  	v52 =	vld [tilespmem:$0x1FF90];
	[tilespmem:$0x2B0] =	vst v32;
	(v2sf) =	vpush v56, $0xF  }
0x145: {  	v51 =	vld [tilespmem:$0x1FF80];
	[tilespmem:$0x2D0] =	vst v36;
	vm4 =	vnez.u8 v55  }
0x146: {  	[tilespmem:$0x2E0] =	vst v38;
	v60 =	vld [tilespmem:$0x1FFE0];
	vm6 =	vnez.u8 v49;
	v21 =	vsel vm4, v20, v21  }
0x147: {  	v41 =	vsel vm6, v20, v62;
	vm6 =	vnez.u8 v59;
	[tilespmem:$0x370] =	vst v21;
	v21 =	vld [tilespmem:$0x3A0]  }
0x148: {  	v57 =	vld [tilespmem:$0x1FFC0];
	[tilespmem:$0x2F0] =	vst v35;
	v23 =	vsel vm6, v20, v23  }
0x149: {  	[tilespmem:$0x390] =	vst v23;
	v23 =	vld [tilespmem:$0x3C0]  }
0x14a: {  	v53 =	vld [tilespmem:$0x380];
	[tilespmem:$0x300] =	vst v39;
	vm5 =	vnez.u8 v46  }
0x14b: {  	v40 =	vsel vm5, v20, v61;
	[tilespmem:$0x320] =	vst v41;
	v61 =	vld [tilespmem:$0x1FFF0];
	vm8 =	vnez.u8 v60  }
0x14c: {  	v58 =	vld [tilespmem:$0x3B0];
	[tilespmem:$0x310] =	vst v40;
	vm12 =	vnez.u8 v52;
	v21 =	vsel vm8, v20, v21  }
0x14d: {  	v24 =	vsel vm12, v20, v50;
	[tilespmem:$0x3A0] =	vst v21;
	v21 =	vld [tilespmem:$0x3D0]  }
0x14e: {  	v62 =	vld [tilespmem:$0x3E0];
	vm5 =	vnez.u8 v57;
	[tilespmem:$0x350] =	vst v24;
	v23 =	vsel vm14, v20, v23  }
0x14f: {  	vm11 =	vnez.u8 v51;
	v24 =	vsel vm5, v20, v53;
	[tilespmem:$0x3C0] =	vst v23;
	v23 =	vld [tilespmem:$0x3F0]  }
0x150: {  	[tilespmem:$0x380] =	vst v24;
	v34 =	vsel vm11, v20, v47;
	vm10 =	vnez.u8 v61  }
0x151: {  	[tilespmem:$0x340] =	vst v34;
	v24 =	vsel vm10, v20, v58  }
0x152: {  	[tilespmem:$0x3B0] =	vst v24;
	v21 =	vsel vm9, v20, v21  }
0x153: {  	[tilespmem:$0x3D0] =	vst v21;
	v21 =	vsel vm15, v20, v62;
	s30 =	spop (v2sf)  }
0x154: {  	vm11 =	vcmask $0x3F04;
	v20 =	vsel vm7, v20, v23;
	[tilespmem:$0x3E0] =	vst v21;
	s24 =	sxor.u32 $0x80000000, s30  }
0x155: {  	[tilespmem:$0x3F0] =	vst v20;
	v20 =	vsel vm11, s24, v22  }
0x156: {  	s31 =	rddreg [dreg:$0x5];
	[tilespmem:$0x400] =	vst v20  }
0x157: {  	[spmem:s31] =	stream.linear.scatter [tilespmem:s15], [sflag:$0x4], $0x8, $0x38;
	[tilespmem:$0x8600] =	vst v63  }
0x158: {  	_ =	swait.ge [sflag:s18], $0x8  }
0x159: {  	[sflag:s18] =	ssyncset.done $0x0  }
0x15a: {  	[sflag:s18] =	ssyncadd.s32 $0xFFFFFFF8  }
0x15b: {  	[bflag:$0x0] =	sbarrier.arrive $0xFFFF  }
0x15c: {  	s26 =	rddreg [dreg:$0x6]  }
0x15d: {  	[tilespmem:s19], [sflag:$0x4] =	stream.linear.gather [spmem:s26], $0x80, $0x38;
	[tilespmem:$0x8600] =	vst v63  }
0x15e: {  	_ =	swait.ge [sflag:s18], $0x80  }
0x15f: {  	[sflag:s18] =	ssyncset.done $0x0  }
0x160: {  	[sflag:s18] =	ssyncadd.s32 $0xFFFFFF80  }
0x161: {  	v20 =	vld.idx.msk [tilespmem:v14+s19+$0x0], $0xffff;
	_ =	sdelay $0x4  }
0x162: {  	v21 =	vxor.u32 $0x80000000, v20  }
0x163: {  	(xrf0) =	vmin.scan.msk.u32 $0xffff, v21;
	_ =	sdelay $0x5  }
0x164: {  	v22, _, _ =	vpop (xrf0)  }
0x165: {  	(v2sf) =	vpush v22, $0xF;
	_ =	sdelay $0xb  }
0x166: {  	v22 =	vld.idx.msk [tilespmem:v19+s19+$0x0], $0xffff;
	_ =	sdelay $0x2  }
0x167: {  	s28 =	spop (v2sf)  }
0x168: {  	s24 =	sxor.u32 $0x80000000, s28  }
0x169: {  	v23 =	vxor.u32 $0x80000000, v22;
	vm12 =	veq.s32 v20, s24  }
0x16a: {  	v63 =	vnsel vm12, $0x80001000, v23  }
0x16b: {  	(xrf0) =	vmin.scan.msk.u32 $0xffff, v63;
	_ =	sdelay $0x5  }
0x16c: {  	v24, _, _ =	vpop (xrf0)  }
0x16d: {  	(v2sf) =	vpush v24, $0xF;
	_ =	sdelay $0xe  }
0x16e: {  	s28 =	spop (v2sf)  }
0x16f: {  	s26 =	sxor.u32 $0x80000000, s28  }
0x170: {  	vm13 =	veq.s32 v22, s26  }
0x171: {  	v21 =	vsel vm13, $0xFFFFFFFF, v21  }
0x172: {  	(xrf0) =	vmin.scan.msk.u32 $0xffff, v21;
	_ =	sdelay $0x5  }
0x173: {  	v21, _, _ =	vpop (xrf0)  }
0x174: {  	(v2sf) =	vpush v21, $0xF;
	_ =	sdelay $0xe  }
0x175: {  	s29 =	spop (v2sf)  }
0x176: {  	s24 =	sxor.u32 $0x80000000, s29  }
0x177: {  	vm15 =	vne.s32 v22, s26;
	vm14 =	veq.s32 v20, s24  }
0x178: {  	vm0 =	vmand vm15, vm14  }
0x179: {  	v20 =	vnsel vm0, $0x80001000, v23  }
0x17a: {  	(xrf0) =	vmin.scan.msk.u32 $0xffff, v20;
	_ =	sdelay $0x5  }
0x17b: {  	v20, _, _ =	vpop (xrf0)  }
0x17c: {  	(v2sf) =	vpush v20, $0xF;
	_ =	sdelay $0xe  }
0x17d: {  	s30 =	spop (v2sf)  }
0x17e: {  	s24 =	sxor.u32 $0x80000000, s30  }
0x17f: {  	p2 =	slt.s32 s24, $0xFFF  }
0x180: {  	s24 =	simm.s32 @!p2 $0xFFF;
	p2 =	slt.s32 s26, s7  }
0x181: {  	s29 =	sshll.u32 s24, $0x7;
	s31 =	sshll.u32 s24, $0xC;
	p3 =	sge.s32 @!p2 s26, s11  }
0x182: {  	s29 =	sand.u32 $0x380, s29;
	s30 =	sand.u32 $0xFFFF8000, s31;
	p2 =	por p3, p2  }
0x183: {  	s29 =	sor.u32 s30, s29;
	s30 =	ssub.s32 @!p2 s26, s7  }
0x184: {  	s29 =	sor.u32 s8, s29;
	v21 =	vmov @!p2 s30  }
0x185: {  	s29 =	sshrl.u32 s29, $0x3  }
0x186: {  	s29 =	sadd.s32 s1, s29  }
0x187: {  	[tilespmem:s17], [sflag:$0x2] =	stream.strided.gather [hbm4b:s29+s14], $0x100, s15, s14, $0x38;
	[tilespmem:$0x8600] =	vst v63  }
0x188: {  	s29 =	simm.s32 @!p2 $0x300  }
0x189: {  	v22 =	vld.idx.msk @!p2 [tilespmem:v21+s29+$0x0], $0xffff;
	_ =	sdelay $0x3  }
0x18a: {  	v20 =	vmov s26;
	vm0 =	vmmov @!p2 $0x1;
	s29 =	sshra.s32 @!p2 s23, $0x2  }
0x18b: {  	s29 =	sadd.s32 @!p2 s29, s2;
	v22 =	vsel @!p2 vm0, v22, v20  }
0x18c: {  	p3 =	seq.s32 s26, s25;
	s30 =	simm.s32 @!p2 $0x480;
	s29 =	sadd.s32 @!p2 $0x80, s29;
	[tilespmem:$0x480] =	vst @!p2 v22  }
0x18d: {  	[spmem:s29] =	stream.linear.scatter @!p2 [tilespmem:s30], [sflag:$0x4], $0x80, $0x38;
	[tilespmem:$0x8600] =	vst v63  }
0x18e: {  	s25 =	sshll.u32 @!p3 s28, $0x7;
	s28 =	sshll.u32 @!p3 s28, $0xC;
	s29 =	simm.s32 @!p2 $0x4  }
0x18f: {  	s25 =	sand.u32 @!p3 $0x380, s25;
	s28 =	sand.u32 @!p3 $0xFFFF8000, s28;
	_ =	swait.ge @!p2 [sflag:s29], $0x80  }
0x190: {  	s25 =	sor.u32 @!p3 s28, s25;
	[sflag:s29] =	ssyncset.done @!p2 $0x0  }
0x191: {  	s25 =	sor.u32 @!p3 s8, s25;
	v22 =	vimm.f32 @!p2 $-1.000000000e+00;
	[sflag:s29] =	ssyncadd.s32 @!p2 $0xFFFFFF80;
	s29 =	simm.s32 @!p2 $0x200  }
0x192: {  	s25 =	sshrl.u32 @!p3 s25, $0x3;
	[tilespmem:v21+s29+$0x0] =	vst.idx.msk @!p2 $0x1, v22  }
0x193: {  	s28 =	simm.s32 @!p3 $0x80;
	s25 =	sadd.s32 @!p3 s1, s25;
	_ =	swait.ge [sflag:s21], $0x100  }
0x194: {  	s23 =	sadd.s32 $0x400, s23;
	s30 =	simm.s32 @!p3 $0x0;
	[sflag:s21] =	ssyncset.done $0x0  }
0x195: {  	s29 =	simm.s32 @!p3 $0x400;
	p2 =	sne.s32 s23, $0x1FFC00;
	[sflag:s21] =	ssyncadd.s32 $0xFFFFFF00  }
0x196: {  	[tilespmem:s30], [sflag:$0x3] =	stream.strided.gather @!p3 [hbm4b:s25+s28], $0x100, s29, s28, $0x38;
	[tilespmem:$0x8600] =	vst v63  }
.Ltmp0:
0x197: {  	_ = 	snop;
	(pc) =	sbr.rel @p2 .LBB2_2-.Ltmp0, $4  }
0x198: {  	s25 =	simm.s32 @!p3 $0x3  }
0x199: {  	_ =	swait.ge @!p3 [sflag:s25], $0x100  }
0x19a: {  	[sflag:s25] =	ssyncset.done @!p3 $0x0  }
0x19b: {  	[sflag:s25] =	ssyncadd.s32 @!p3 $0xFFFFFF00  }
0x19c: {  	v21 =	vld [tilespmem:$0x0]  }
0x19d: {  	v22 =	vld [tilespmem:$0x200]  }
0x19e: {  	v23 =	vld [tilespmem:$0x10]  }
0x19f: {  	v24 =	vld [tilespmem:$0x210]  }
0x1a0: {  	v37 =	vld [tilespmem:$0x20]  }
0x1a1: {  	v26 =	vld [tilespmem:$0x220]  }
0x1a2: {  	v28 =	vld [tilespmem:$0x30]  }
0x1a3: {  	v29 =	vld [tilespmem:$0x230]  }
0x1a4: {  	v30 =	vld [tilespmem:$0x40]  }
0x1a5: {  	v31 =	vld [tilespmem:$0x240]  }
0x1a6: {  	v25 =	vimm.s32 $0x0;
	v42 =	vld [tilespmem:$0x50]  }
0x1a7: {  	v38 =	vimm.s32 $0x0;
	v41 =	vimm.s32 $0x0;
	v45 =	vimm.s32 $0x0;
	v32 =	vld [tilespmem:$0x250]  }
0x1a8: {  	v47 =	vimm.s32 $0x0;
	v48 =	vld [tilespmem:$0x70];
	v50 =	vimm.s32 $0x0;
	v53 =	vimm.s32 $0x0  }
0x1a9: {  	v51 =	vld [tilespmem:$0x270];
	v56 =	vimm.s32 $0x0;
	vm0 =	vlt.f32 v21, v22;
	vm1 =	vge.f32 v22, $0.0e+00  }
0x1aa: {  	v46 =	vld [tilespmem:$0x60];
	vm14 =	vlt.f32 v23, v24;
	vm15 =	vge.f32 v24, $0.0e+00;
	vm4 =	vlt.f32 v37, v26  }
0x1ab: {  	v33 =	vld [tilespmem:$0x260];
	vm5 =	vge.f32 v26, $0.0e+00;
	vm6 =	vlt.f32 v28, v29;
	vm7 =	vge.f32 v29, $0.0e+00  }
0x1ac: {  	vm9 =	vlt.f32 v30, v31;
	vm10 =	vge.f32 v31, $0.0e+00;
	vm12 =	vlt.f32 v42, v32  }
0x1ad: {  	vm0 =	vmand vm0, vm1;
	vm1 =	vmand vm4, vm5;
	vm8 =	vmand vm6, vm7  }
0x1ae: {  	vm11 =	vmand vm9, vm10;
	vm6 =	vge.f32 v32, $0.0e+00;
	vm9 =	vlt.f32 v48, v51  }
0x1af: {  	v61 =	vld [tilespmem:$0xC0];
	v25 =	vsel vm0, $0xFFFFFFFF, v25;
	v21 =	vsel vm0, v21, v22;
	vm7 =	vmand vm12, vm6  }
0x1b0: {  	v62 =	vld [tilespmem:$0x2C0];
	vm12 =	vlt.f32 v46, v33;
	vm6 =	vge.f32 v33, $0.0e+00;
	vm0 =	vlt.f32 v21, $0.0e+00  }
0x1b1: {  	[tilespmem:$0x1FDC0] =	vst v25;
	v25 =	vsel vm11, $0xFFFFFFFF, v47;
	v27 =	vsel vm0, $0x7F800000, v21;
	vm0 =	vmand vm14, vm15  }
0x1b2: {  	[tilespmem:$0x1FE00] =	vst v25;
	v25 =	vsel vm11, v30, v31;
	v31 =	vsel vm7, $0xFFFFFFFF, v50;
	vm2 =	vlt.f32 v27, $+Inf  }
0x1b3: {  	v35 =	vld [tilespmem:$0x280];
	vm3 =	vgt.f32 v27, $+Inf;
	v22 =	vsel vm0, $0xFFFFFFFF, v38;
	v38 =	vimm.s32 $0x0  }
0x1b4: {  	v52 =	vld [tilespmem:$0x80];
	[tilespmem:$0x1FDD0] =	vst v22;
	vm14 =	vmor vm3, vm2;
	v22 =	vsel vm0, v23, v24;
	v23 =	vsel vm1, $0xFFFFFFFF, v41  }
0x1b5: {  	v54 =	vld [tilespmem:$0x90];
	v24 =	vsel vm8, $0xFFFFFFFF, v45;
	vm2 =	vlt.f32 v61, v62;
	vm0 =	vlt.f32 v22, $0.0e+00;
	[tilespmem:$0x1FDE0] =	vst v23  }
0x1b6: {  	v36 =	vld [tilespmem:$0x290];
	v39 =	vnsel vm14, $0x7F800000, v27;
	v23 =	vsel vm1, v37, v26;
	[tilespmem:$0x1FDF0] =	vst v24;
	v24 =	vsel vm8, v28, v29  }
0x1b7: {  	v26 =	vsel vm7, v42, v32;
	vm7 =	vmand vm12, vm6;
	vm12 =	vge.f32 v51, $0.0e+00  }
0x1b8: {  	vm6 =	vge.f32 v35, $0.0e+00;
	v37 =	vimm.s32 $0x0;
	v40 =	vsel vm0, $0x7F800000, v22  }
0x1b9: {  	vm1 =	vlt.f32 v23, $0.0e+00;
	vm5 =	vmand vm9, vm12;
	vm0 =	vlt.f32 v40, v39  }
0x1ba: {  	vm12 =	vlt.f32 v52, v35;
	v44 =	vsel vm1, $0x7F800000, v23;
	v43 =	vsel vm0, v40, v39  }
0x1bb: {  	vm9 =	vlt.f32 v54, v36;
	vm1 =	vlt.f32 v24, $0.0e+00;
	vm15 =	vlt.f32 v44, v43  }
0x1bc: {  	v28 =	vsel vm5, $0xFFFFFFFF, v56;
	v29 =	vsel vm1, $0x7F800000, v24;
	v27 =	vsel vm15, v44, v43  }
0x1bd: {  	vm1 =	vlt.f32 v25, $0.0e+00;
	[tilespmem:$0x1FE30] =	vst v28;
	v28 =	vsel vm5, v48, v51;
	vm13 =	vlt.f32 v29, v27  }
0x1be: {  	v39 =	vimm.s32 $0x0;
	v49 =	vsel vm1, $0x7F800000, v25;
	v27 =	vsel vm13, v29, v27  }
0x1bf: {  	v40 =	vimm.s32 $0x0;
	vm1 =	vlt.f32 v26, $0.0e+00;
	vm11 =	vlt.f32 v49, v27  }
0x1c0: {  	v57 =	vld [tilespmem:$0xA0];
	v34 =	vsel vm1, $0x7F800000, v26;
	v29 =	vsel vm11, v49, v27;
	v27 =	vsel vm7, $0xFFFFFFFF, v53  }
0x1c1: {  	v58 =	vld [tilespmem:$0x2A0];
	[tilespmem:$0x1FE20] =	vst v27;
	vm10 =	vlt.f32 v34, v29;
	v27 =	vsel vm7, v46, v33;
	vm7 =	vmand vm12, vm6  }
0x1c2: {  	vm12 =	vge.f32 v36, $0.0e+00;
	v46 =	vnsel vm14, $0x1000, v7;
	vm1 =	vlt.f32 v27, $0.0e+00  }
0x1c3: {  	v59 =	vld [tilespmem:$0xB0];
	v29 =	vsel vm10, v34, v29;
	v55 =	vsel vm1, $0x7F800000, v27;
	vm1 =	vlt.f32 v28, $0.0e+00  }
0x1c4: {  	v60 =	vld [tilespmem:$0x2B0];
	v37 =	vsel vm7, $0xFFFFFFFF, v37;
	vm8 =	vlt.f32 v55, v29;
	v30 =	vsel vm1, $0x7F800000, v28  }
0x1c5: {  	v34 =	vsel vm8, v55, v29;
	v29 =	vsel vm7, v52, v35;
	vm7 =	vmand vm9, vm12  }
0x1c6: {  	vm9 =	vlt.f32 v57, v58;
	vm12 =	vge.f32 v58, $0.0e+00;
	vm1 =	vlt.f32 v29, $0.0e+00  }
0x1c7: {  	vm6 =	vlt.f32 v30, v34;
	v38 =	vsel vm7, $0xFFFFFFFF, v38;
	v35 =	vsel vm1, $0x7F800000, v29  }
0x1c8: {  	v63 =	vld [tilespmem:$0xD0];
	v34 =	vsel vm6, v30, v34;
	v30 =	vsel vm7, v54, v36;
	vm7 =	vmand vm9, vm12  }
0x1c9: {  	v45 =	vld [tilespmem:$0x2D0];
	vm9 =	vlt.f32 v59, v60;
	vm5 =	vlt.f32 v35, v34;
	vm1 =	vlt.f32 v30, $0.0e+00  }
0x1ca: {  	[tilespmem:$0x1FE10] =	vst v31;
	v39 =	vsel vm7, $0xFFFFFFFF, v39;
	v31 =	vsel vm7, v57, v58;
	vm7 =	vge.f32 v60, $0.0e+00  }
0x1cb: {  	v47 =	vld [tilespmem:$0xE0];
	v36 =	vsel vm1, $0x7F800000, v30;
	v34 =	vsel vm5, v35, v34;
	vm1 =	vlt.f32 v31, $0.0e+00  }
0x1cc: {  	v48 =	vld [tilespmem:$0x2E0];
	vm12 =	vmand vm9, vm7;
	vm9 =	vge.f32 v62, $0.0e+00;
	vm4 =	vlt.f32 v36, v34  }
0x1cd: {  	v42 =	vld [tilespmem:$0x2F0];
	v44 =	vsel vm1, $0x7F800000, v31;
	v40 =	vsel vm12, $0xFFFFFFFF, v40;
	v32 =	vsel vm12, v59, v60  }
0x1ce: {  	v49 =	vld [tilespmem:$0xF0];
	vm14 =	vmand vm2, vm9;
	vm12 =	vlt.f32 v63, v45;
	v34 =	vsel vm4, v36, v34  }
0x1cf: {  	[tilespmem:$0x1FE70] =	vst v40;
	vm1 =	vlt.f32 v32, $0.0e+00;
	v40 =	vsel vm0, v0, v46;
	v33 =	vsel vm14, v61, v62  }
0x1d0: {  	vm3 =	vlt.f32 v44, v34;
	v41 =	vsel vm1, $0x7F800000, v32;
	vm0 =	vlt.f32 v33, $0.0e+00  }
0x1d1: {  	vm1 =	vge.f32 v45, $0.0e+00;
	v40 =	vsel vm15, v1, v40;
	vm15 =	vlt.f32 v47, v48  }
0x1d2: {  	v34 =	vsel vm3, v44, v34;
	v43 =	vsel vm0, $0x7F800000, v33;
	vm9 =	vmand vm12, vm1  }
0x1d3: {  	vm12 =	vge.f32 v48, $0.0e+00;
	vm0 =	vlt.f32 v49, v42;
	vm2 =	vlt.f32 v41, v34  }
0x1d4: {  	v36 =	vsel vm9, v63, v45;
	vm15 =	vmand vm15, vm12;
	v34 =	vsel vm2, v41, v34  }
0x1d5: {  	[tilespmem:$0x1FE40] =	vst v37;
	vm12 =	vge.f32 v42, $0.0e+00;
	vm7 =	vlt.f32 v36, $0.0e+00;
	vm1 =	vlt.f32 v43, v34  }
0x1d6: {  	[tilespmem:$0x1FE50] =	vst v38;
	v38 =	vsel vm15, v47, v48;
	v37 =	vsel vm7, $0x7F800000, v36;
	v34 =	vsel vm1, v43, v34  }
0x1d7: {  	vm7 =	vmand vm0, vm12;
	vm12 =	vlt.f32 v38, $0.0e+00;
	vm0 =	vlt.f32 v37, v34  }
0x1d8: {  	[tilespmem:$0x1FE60] =	vst v39;
	v39 =	vsel vm12, $0x7F800000, v38;
	v35 =	vsel vm7, v49, v42;
	v34 =	vsel vm0, v37, v34  }
0x1d9: {  	v50 =	vsel vm13, v2, v40;
	vm13 =	vlt.f32 v35, $0.0e+00;
	vm12 =	vlt.f32 v39, v34  }
0x1da: {  	v37 =	vsel vm11, v3, v50;
	v51 =	vsel vm13, $0x7F800000, v35;
	v34 =	vsel vm12, v39, v34  }
0x1db: {  	v37 =	vsel vm10, v4, v37;
	vm10 =	vlt.f32 v51, v34  }
0x1dc: {  	v37 =	vsel vm8, v5, v37;
	v34 =	vsel vm10, v51, v34  }
0x1dd: {  	v37 =	vsel vm6, v6, v37;
	(xrf0) =	vmin.scan.msk.f32 $0xffff, v34  }
0x1de: {  	v37 =	vsel vm5, v8, v37  }
0x1df: {  	v56 =	vld [tilespmem:$0x330];
	v37 =	vsel vm4, v9, v37  }
0x1e0: {  	v55 =	vld [tilespmem:$0x1FDC0];
	v37 =	vsel vm3, v10, v37  }
0x1e1: {  	[tilespmem:$0x200] =	vst v21;
	v52 =	vld [tilespmem:$0x300];
	v37 =	vsel vm2, v11, v37  }
0x1e2: {  	[tilespmem:$0x240] =	vst v25;
	v53 =	vld [tilespmem:$0x310];
	v37 =	vsel vm1, v12, v37  }
0x1e3: {  	[tilespmem:$0x210] =	vst v22;
	v54 =	vld [tilespmem:$0x320];
	v58 =	vsel vm0, v13, v37;
	v60, _, _ =	vpop (xrf0)  }
0x1e4: {  	[tilespmem:$0x220] =	vst v23;
	v57 =	vld [tilespmem:$0x1FDD0];
	v21 =	vsel vm12, v15, v58;
	v62 =	vbroadcast v60, $0xF  }
0x1e5: {  	[tilespmem:$0x230] =	vst v24;
	v59 =	vld [tilespmem:$0x340];
	vm13 =	vnez.u8 v55;
	v21 =	vsel vm10, v16, v21  }
0x1e6: {  	[tilespmem:$0x250] =	vst v26;
	v61 =	vld [tilespmem:$0x1FDE0];
	v39 =	vsel vm13, v20, v52;
	v21 =	vxor.u32 $0x80000000, v21;
	vm13 =	veq.f32 v34, v62  }
0x1e7: {  	[tilespmem:$0x270] =	vst v28;
	v46 =	vld [tilespmem:$0x380];
	v21 =	vnsel vm13, $0x80001000, v21  }
0x1e8: {  	[tilespmem:$0x260] =	vst v27;
	v44 =	vld [tilespmem:$0x370];
	(xrf0) =	vmin.scan.msk.u32 $0xffff, v21  }
0x1e9: {  	[tilespmem:$0x280] =	vst v29;
	v63 =	vld [tilespmem:$0x350]  }
0x1ea: {  	[tilespmem:$0x290] =	vst v30;
	v45 =	vld [tilespmem:$0x1FE10]  }
0x1eb: {  	[tilespmem:$0x2A0] =	vst v31;
	v47 =	vld [tilespmem:$0x1FE20]  }
0x1ec: {  	[tilespmem:$0x2B0] =	vst v32;
	v48 =	vld [tilespmem:$0x390];
	vm11 =	vnez.u8 v61  }
0x1ed: {  	[tilespmem:$0x2C0] =	vst v33;
	v42 =	vld [tilespmem:$0x360];
	v41 =	vsel vm11, v20, v54  }
0x1ee: {  	[tilespmem:$0x320] =	vst v41;
	v41 =	vld [tilespmem:$0x1FDF0];
	v50, _, _ =	vpop (xrf0)  }
0x1ef: {  	[tilespmem:$0x2D0] =	vst v36;
	v43 =	vld [tilespmem:$0x1FE00];
	(v2sf) =	vpush v50, $0xF  }
0x1f0: {  	[tilespmem:$0x2E0] =	vst v38;
	v52 =	vld [tilespmem:$0x1FE40]  }
0x1f1: {  	[tilespmem:$0x2F0] =	vst v35;
	v54 =	vld [tilespmem:$0x1FE50];
	vm8 =	vnez.u8 v57  }
0x1f2: {  	v49 =	vld [tilespmem:$0x1FE30];
	[tilespmem:$0x300] =	vst v39;
	v40 =	vsel vm8, v20, v53;
	vm5 =	vnez.u8 v45  }
0x1f3: {  	v55 =	vld [tilespmem:$0x3C0];
	[tilespmem:$0x310] =	vst v40;
	v24 =	vsel vm5, v20, v63;
	vm12 =	vnez.u8 v41  }
0x1f4: {  	vm6 =	vnez.u8 v47;
	v53 =	vld [tilespmem:$0x3B0];
	[tilespmem:$0x350] =	vst v24;
	v23 =	vsel vm12, v20, v56  }
0x1f5: {  	v58 =	vld [tilespmem:$0x1FE70];
	vm10 =	vnez.u8 v52;
	[tilespmem:$0x330] =	vst v23;
	v23 =	vsel vm6, v20, v42  }
0x1f6: {  	vm11 =	vnez.u8 v54;
	v56 =	vld [tilespmem:$0x1FE60];
	v24 =	vsel vm10, v20, v46;
	[tilespmem:$0x360] =	vst v23  }
0x1f7: {  	v51 =	vld [tilespmem:$0x3A0];
	vm4 =	vnez.u8 v43;
	[tilespmem:$0x380] =	vst v24;
	v23 =	vsel vm11, v20, v48  }
0x1f8: {  	v57 =	vld [tilespmem:$0x3D0];
	v34 =	vsel vm4, v20, v59;
	[tilespmem:$0x390] =	vst v23  }
0x1f9: {  	vm8 =	vnez.u8 v49;
	v59 =	vld [tilespmem:$0x3E0];
	v23 =	vsel vm14, v20, v55;
	[tilespmem:$0x340] =	vst v34  }
0x1fa: {  	v60 =	vld [tilespmem:$0x3F0];
	vm13 =	vnez.u8 v58;
	[tilespmem:$0x3C0] =	vst v23;
	v21 =	vsel vm8, v20, v44  }
0x1fb: {  	vm12 =	vnez.u8 v56;
	v24 =	vsel vm13, v20, v53;
	[tilespmem:$0x370] =	vst v21  }
0x1fc: {  	v21 =	vsel vm12, v20, v51;
	[tilespmem:$0x3B0] =	vst v24  }
0x1fd: {  	[tilespmem:$0x3A0] =	vst v21;
	v21 =	vsel vm9, v20, v57  }
0x1fe: {  	[tilespmem:$0x3D0] =	vst v21;
	v61 =	vsel vm15, v20, v59;
	s23 =	spop (v2sf)  }
0x1ff: {  	vm14 =	vcmask $0x3F04;
	v20 =	vsel vm7, v20, v60;
	[tilespmem:$0x3E0] =	vst v61;
	s23 =	sxor.u32 $0x80000000, s23  }
0x200: {  	[tilespmem:$0x3F0] =	vst v20;
	v20 =	vsel vm14, s23, v62  }
0x201: {  	[tilespmem:$0x400] =	vst v20  }
0x202: {  	[spmem:s10] =	stream.linear.scatter [tilespmem:s15], [sflag:$0x3], $0x8, $0x38;
	[tilespmem:$0x8600] =	vst v63  }
0x203: {  	_ =	swait.ge [sflag:s16], $0x8  }
0x204: {  	[sflag:s16] =	ssyncset.done $0x0  }
0x205: {  	[sflag:s16] =	ssyncadd.s32 $0xFFFFFFF8  }
0x206: {  	[bflag:$0x0] =	sbarrier.arrive $0xFFFF  }
0x207: {  	[tilespmem:s19], [sflag:$0x3] =	stream.linear.gather [spmem:s3], $0x80, $0x38;
	[tilespmem:$0x8600] =	vst v63  }
0x208: {  	_ =	swait.ge [sflag:s16], $0x80  }
0x209: {  	[sflag:s16] =	ssyncset.done $0x0  }
0x20a: {  	[sflag:s16] =	ssyncadd.s32 $0xFFFFFF80  }
0x20b: {  	v20 =	vld.idx.msk [tilespmem:v14+s19+$0x0], $0xffff;
	_ =	sdelay $0x4  }
0x20c: {  	v62 =	vxor.u32 $0x80000000, v20  }
0x20d: {  	(xrf0) =	vmin.scan.msk.u32 $0xffff, v62;
	_ =	sdelay $0x5  }
0x20e: {  	v21, _, _ =	vpop (xrf0)  }
0x20f: {  	(v2sf) =	vpush v21, $0xF;
	_ =	sdelay $0xb  }
0x210: {  	v63 =	vld.idx.msk [tilespmem:v19+s19+$0x0], $0xffff;
	_ =	sdelay $0x2  }
0x211: {  	s30 =	spop (v2sf)  }
0x212: {  	s23 =	sxor.u32 $0x80000000, s30  }
0x213: {  	vm15 =	veq.s32 v20, s23;
	v20 =	vxor.u32 $0x80000000, v63  }
0x214: {  	v20 =	vnsel vm15, $0x80001000, v20  }
0x215: {  	(xrf0) =	vmin.scan.msk.u32 $0xffff, v20;
	_ =	sdelay $0x5  }
0x216: {  	v20, _, _ =	vpop (xrf0)  }
0x217: {  	(v2sf) =	vpush v20, $0xF;
	_ =	sdelay $0xe  }
0x218: {  	s31 =	spop (v2sf)  }
0x219: {  	s23 =	sxor.u32 $0x80000000, s31  }
0x21a: {  	p2 =	slt.s32 s23, s7  }
0x21b: {  	p3 =	sge.s32 @!p2 s23, s11  }
0x21c: {  	p2 =	por p3, p2  }
0x21d: {  	s24 =	ssub.s32 @!p2 s23, s7  }
0x21e: {  	v20 =	vmov @!p2 s24;
	_ =	sdelay $0x3  }
0x21f: {  	s24 =	simm.s32 @!p2 $0x300  }
0x220: {  	v21 =	vld.idx.msk @!p2 [tilespmem:v20+s24+$0x0], $0xffff;
	_ =	sdelay $0x3  }
0x221: {  	vm0 =	vcmask @!p2 $0x3F04  }
0x222: {  	v21 =	vsel @!p2 vm0, s23, v21  }
0x223: {  	s23 =	simm.s32 @!p2 $0x480;
	[tilespmem:$0x480] =	vst @!p2 v21  }
0x224: {  	[spmem:s12] =	stream.linear.scatter @!p2 [tilespmem:s23], [sflag:$0x3], $0x80, $0x38;
	[tilespmem:$0x8600] =	vst v63  }
0x225: {  	s23 =	simm.s32 @!p2 $0x3  }
0x226: {  	_ =	swait.ge @!p2 [sflag:s23], $0x80  }
0x227: {  	[sflag:s23] =	ssyncset.done @!p2 $0x0  }
0x228: {  	v21 =	vimm.f32 @!p2 $-1.000000000e+00;
	[sflag:s23] =	ssyncadd.s32 @!p2 $0xFFFFFF80;
	s23 =	simm.s32 @!p2 $0x200  }
0x229: {  	[tilespmem:v20+s23+$0x0] =	vst.idx.msk @!p2 $0x1, v21  }
0x22a: {  	_ =	swait.ge [sflag:s20], $0x100  }
0x22b: {  	s22 =	sadd.s32 $0x1, s22;
	[sflag:s20] =	ssyncset.done $0x0  }
0x22c: {  	s24 =	sshrl.u32 @!p1 s2, $0x3;
	s23 =	sshll.u32 @!p1 s5, $0x6;
	[sflag:s20] =	ssyncadd.s32 $0xFFFFFF00  }
0x22d: {  	p2 =	sne.s32 s22, s13;
	s23 =	sor.u32 @!p1 $0x1C03, s23;
	[bflag:$0x0] =	sbarrier.arrive $0xFFFF  }
0x22e: {  	[hbm:s6], [sflag:s23] =	dma.local @!p1 [spmem:s24], $0x10000  }
.Ltmp1:
0x22f: {  	_ = 	snop;
	(pc) =	sbr.rel @p2 .LBB2_1-.Ltmp1, $4  }
0x230: {  	s23 =	simm.s32 @!p1 $0x3  }
0x231: {  	_ =	swait.ge @!p1 [sflag:s23], $0x10000  }
0x232: {  	[sflag:s23] =	ssyncset.done @!p1 $0x0  }
0x233: {  	[sflag:s23] =	ssyncadd.s32 @!p1 $0xFFFF0000  }
0x234: {  	_ =	sfence.sel $0x180000  }
0x235: {  	[bflag:$0x0] =	sbarrier.arrive $0xFFFF  }
0x236: {  	_ =	strace $0x90000047  }
0x237: {  	s0 =	sadd.s32 @!p0 $0x100000, s0;
	[bflag:$0x2] =	sbarrier.arrive $0xFFFF  }
0x238: {  	[sflag:s0] =	ssyncadd.tile.s32 @!p0 $0x1;
	_ =	shalt  }
.Lfunc_end2:
_tile_overlayer_lowered:
.L_overlay_start_2:
0x239: {  	(tag) =	ssettag $0x2  }
0x23a: {  	s0 =	rddreg [dreg:$0x0];
	s2 =	stileid.u32  }
0x23b: {  	s1 =	rddreg [dreg:$0x1];
	p0 =	sne.s32 s2, $0x0  }
0x23c: {  	s3 =	rddreg [dreg:$0x2];
	[bflag:$0x3] =	sbarrier.arrive $0xFFFF;
	s2 =	simm.s32 @!p0 $0x1C03  }
0x23d: {  	[timem:s3], [sflag:s2] =	dma.local @!p0 [hbm:s0], s1  }
0x23e: {  	s0 =	simm.s32 @!p0 $0x3  }
0x23f: {  	_ =	swait.ge @!p0 [sflag:s0], s1  }
0x240: {  	s1 =	ssub.s32 @!p0 $0x0, s1;
	[sflag:s0] =	ssyncset.done @!p0 $0x0  }
0x241: {  	[sflag:s0] =	ssyncadd.s32 @!p0 s1  }
0x242: {  	[bflag:$0x3] =	sbarrier.arrive $0xFFFF  }
0x243: {  	_ =	shalt  }

</sc_bundles>
